<compile_context>
chip_gen: v7x
topology: tpu7x:2x2x1
jax: 0.10.2.dev20260603
libtpu: 0.0.44.dev20260713+nightly
codegen_flags: <defaults>
</compile_context>

<pallas_src>
import functools

import jax
import jax.numpy as jnp
from jax import lax
from jax.experimental import pallas as pl
from jax.experimental.pallas import tpu as pltpu
from jax.experimental.pallas import tpu_sc as plsc

_N = 10000
_E = 320000
_D = 128
_L = 16


def _sc_indegree_mask(edge_index):
    mesh = plsc.VectorSubcoreMesh(core_axis_name="c", subcore_axis_name="s")
    nc, ns = mesh.num_cores, mesh.num_subcores
    nw = nc * ns
    n_pad = ((_N + ns * _L - 1) // (ns * _L)) * (ns * _L)
    seg = n_pad // ns

    n_tiles = _E // 128
    tpw = -(-n_tiles // nw)
    lo_scale = n_tiles - tpw

    @functools.partial(
        pl.kernel,
        mesh=mesh,
        out_type=jax.ShapeDtypeStruct((nc * n_pad,), jnp.float32),
        compiler_params=pltpu.CompilerParams(needs_layout_passes=False),
        scratch_types=[
            pltpu.VMEM((tpw, 128), jnp.int32),
            pltpu.VMEM((n_pad,), jnp.float32),
            pltpu.VMEM((ns, seg), jnp.float32),
            pltpu.VMEM_SHARED((ns, ns, seg), jnp.float32),
            pltpu.SemaphoreType.DMA,
            pltpu.SemaphoreType.DMA,
            pltpu.SemaphoreType.DMA,
        ],
    )
    def k(ei_hbm, out_hbm, idx_v, mask_v, merge_v, stage_s,
          sem_a, sem_b, st_sem):
        c = lax.axis_index("c")
        s = lax.axis_index("s")
        wid = c * ns + s
        lo = wid * lo_scale // (nw - 1)
        zero16 = jnp.zeros((_L,), jnp.float32)
        one16 = jnp.ones((_L,), jnp.float32)

        ta = tpw // 2
        tb = tpw - ta
        cp_a = pltpu.async_copy(
            ei_hbm.at[pl.ds(lo, ta), 1], idx_v.at[pl.ds(0, ta)], sem_a)
        cp_b = pltpu.async_copy(
            ei_hbm.at[pl.ds(lo + ta, tb), 1],
            idx_v.at[pl.ds(ta, tb)], sem_b)

        def init_body(i, carry):
            for u in range(8):
                mask_v[pl.ds((i * 8 + u) * _L, _L)] = zero16
            return carry

        lax.fori_loop(0, n_pad // _L // 8, init_body, 0)

        def scat_body(i, carry):
            for u in range(8):
                idx = idx_v[i, pl.ds(u * _L, _L)]
                plsc.store_scatter(mask_v, [idx], one16)
            return carry

        cp_a.wait()
        lax.fori_loop(0, ta * 128 // _L // 8, scat_body, 0)
        cp_b.wait()
        lax.fori_loop(ta * 128 // _L // 8, tpw * 128 // _L // 8,
                      scat_body, 0)

        copies = [
            pltpu.async_copy(mask_v.at[pl.ds(chunk * seg, seg)],
                             stage_s.at[chunk, s], st_sem)
            for chunk in range(ns)
        ]
        for cp in copies:
            cp.wait()
        plsc.subcore_barrier()
        pltpu.sync_copy(stage_s.at[s], merge_v)

        def merge_body(j, carry):
            acc = zero16
            for t in range(ns):
                acc = acc + merge_v[t, pl.ds(j * _L, _L)]
            mask_v[pl.ds(j * _L, _L)] = acc
            return carry

        lax.fori_loop(0, seg // _L, merge_body, 0)

        pltpu.sync_copy(mask_v.at[pl.ds(0, seg)],
                        out_hbm.at[pl.ds(c * n_pad + s * seg, seg)])

    ei3 = edge_index.reshape(2, n_tiles, 128).transpose(1, 0, 2)
    return k(ei3), n_pad


_NCHUNK = 5


_CHUNK = 2048


def _tc_body(rows_per_core, x_hbm, w_ref, b_ref, cnt_ref, o_hbm,
             x_v, o_v, in_sems, out_sems):
    nchunk = -(-_N // _CHUNK)
    in_cps = []
    for k in range(nchunk):
        lo = k * _CHUNK
        sz = min(_CHUNK, _N - lo)
        in_cps.append(pltpu.async_copy(
            x_hbm.at[pl.ds(lo, sz)], x_v.at[pl.ds(lo, sz)], in_sems.at[k]))
    a = (cnt_ref[pl.ds(0, rows_per_core), :]
         + cnt_ref[pl.ds(rows_per_core, rows_per_core), :])
    at = jnp.transpose(a)
    out_cps = []
    for k in range(nchunk):
        lo = k * _CHUNK
        sz = min(_CHUNK, _N - lo)
        in_cps[k].wait()
        y = jax.lax.dot_general(
            x_v[pl.ds(lo, sz)], w_ref[...], (((1,), (1,)), ((), ())),
            preferred_element_type=jnp.float32)
        y = jnp.maximum(y + b_ref[...][None, :], 0.0)
        for r in range(sz // 128):
            g = lo // 128 + r
            col = at[:, g:g + 1] > 0.0
            o_v[pl.ds(lo + r * 128, 128)] = jnp.where(
                col, y[r * 128:(r + 1) * 128, :], 0.0)
        rem = sz - (sz // 128) * 128
        if rem:
            g = lo // 128 + sz // 128
            col = at[:rem, g:g + 1] > 0.0
            o_v[pl.ds(lo + sz - rem, rem)] = jnp.where(
                col, y[sz - rem:, :], 0.0)
        out_cps.append(pltpu.async_copy(
            o_v.at[pl.ds(lo, sz)], o_hbm.at[pl.ds(lo, sz)], out_sems.at[k]))
    for cp in out_cps:
        cp.wait()


def kernel(x, p_t, edge_index, edge_weights, W_value, b_value):
    del p_t, edge_weights
    flat, n_pad = _sc_indegree_mask(edge_index)
    assert n_pad % 128 == 0
    rows_per_core = n_pad // 128
    cnt_rows = flat.reshape(flat.shape[0] // 128, 128)
    out = pl.pallas_call(
        functools.partial(_tc_body, rows_per_core),
        in_specs=[
            pl.BlockSpec(memory_space=pl.ANY),
            pl.BlockSpec(memory_space=pltpu.VMEM),
            pl.BlockSpec(memory_space=pltpu.VMEM),
            pl.BlockSpec(memory_space=pltpu.VMEM),
        ],
        out_specs=pl.BlockSpec(memory_space=pl.ANY),
        out_shape=jax.ShapeDtypeStruct((_N, _D), jnp.float32),
        scratch_shapes=[
            pltpu.VMEM((_N, _D), jnp.float32),
            pltpu.VMEM((_N, _D), jnp.float32),
            pltpu.SemaphoreType.DMA((_NCHUNK,)),
            pltpu.SemaphoreType.DMA((_NCHUNK,)),
        ],
    )(x, W_value, b_value, cnt_rows)
    return out

# --- scband reference (transcript-rebuilt; emitter-appended) ---
"""Pipeline reference for scband-raindrop-10419590660315 (READ-ONLY COPY).

The authoritative reference and input builder live on the scoring server;
editing this copy changes nothing except your own understanding.
"""

import jax, jax.numpy as jnp
import numpy as np

N = 10000
E = 320000
D = 128
H = 1
NSTEP = 128

def setup_inputs(seed: int = 0) -> dict:
    key = jax.random.key(seed)
    ks = jax.random.split(key, 8)
    x = jax.random.normal(ks[0], (N, D), dtype=jnp.float32)
    p_t = jax.random.normal(ks[1], (NSTEP, 16), dtype=jnp.float32)
    edge_index = jax.random.randint(ks[2], (2, E), 0, N, dtype=jnp.int32)
    edge_weights = jax.random.uniform(ks[3], (E,), dtype=jnp.float32)
    # learned params: lin_value Linear(in_channels, heads*out_channels)
    limit = 1.0 / np.sqrt(D)
    W_value = jax.random.uniform(ks[4], (H * D, D), minval=-limit, maxval=limit, dtype=jnp.float32)
    b_value = jax.random.uniform(ks[5], (H * D,), minval=-limit, maxval=limit, dtype=jnp.float32)
    return {"x": x, "p_t": p_t, "edge_index": edge_index, "edge_weights": edge_weights, "W_value": W_value, "b_value": b_value}

def _segment_softmax(vals, idx, num_segments):
    # PyG-style softmax grouped by index (numerically stabilized)
    m = jax.ops.segment_max(vals, idx, num_segments=num_segments)
    m = jnp.where(jnp.isfinite(m), m, 0.0)
    e = jnp.exp(vals - m[idx])
    s = jax.ops.segment_sum(e, idx, num_segments=num_segments)
    return e / (s[idx] + 1e-16)

def reference(x, p_t, edge_index, edge_weights, W_value, b_value):
    # ObservationPropagation.forward with use_beta=False, edge_attr=None,
    # edge_weights provided, concat=True, heads=1, aggr='add', eval mode (dropout no-op).
    dst = edge_index[1]
    x_i = x[dst]                                  # gather target-node feats per edge
    gamma = edge_weights[:, None]                 # [E, 1] (edge_weights override path)
    gamma = _segment_softmax(gamma, dst, N)       # softmax over incoming edges per dst
    out = jax.nn.relu(x_i @ W_value.T + b_value)  # lin_value on x_i
    out = out.reshape(E, H, D)
    out = out * gamma.reshape(E, H, 1)
    agg = jax.ops.segment_sum(out, dst, num_segments=N)  # aggr='add' scatter-add
    return agg.reshape(N, H * D)                  # concat view

if __name__ == "__main__":
    import jax
    _d = setup_inputs()
    print(jax.jit(kernel)(*tuple(_d.values())))

</pallas_src>

<mosaic_0001>
#map = affine_map<(d0, d1) -> (0, 0, 0)>
#map1 = affine_map<(d0, d1) -> (0)>
module attributes {stable_mosaic.version = 14 : i64} {
  func.func @k(%arg0: i32, %arg1: i32, %arg2: memref<2500x2x128xi32, #tpu.memory_space<hbm>>, %arg3: memref<20480xf32, #tpu.memory_space<hbm>>, %arg4: memref<79x128xi32, #tpu.memory_space<vmem>>, %arg5: memref<10240xf32, #tpu.memory_space<vmem>>, %arg6: memref<16x640xf32, #tpu.memory_space<vmem>>, %arg7: memref<16x16x640xf32, #tpu.memory_space<vmem_shared>>, %arg8: memref<!tpu.dma_semaphore, #tpu.memory_space<semaphore_mem>>, %arg9: memref<!tpu.dma_semaphore, #tpu.memory_space<semaphore_mem>>, %arg10: memref<!tpu.dma_semaphore, #tpu.memory_space<semaphore_mem>>) attributes {dimension_semantics = [#tpu.dimension_semantics<core_parallel>, #tpu.dimension_semantics<subcore_parallel>], iteration_bounds = array<i64: 2, 16>, scalar_prefetch = 0 : i64, scratch_operands = 7 : i64, tpu.core_type = #tpu.core_type<sc_vector_subcore>, window_params = [{transform_indices = #map}, {transform_indices = #map1}]} {
    %mul3A = arith.constant 16 : i32
    %mul3A_0 = arith.muli %arg0, %mul3A : i32
    %add3A = arith.addi %mul3A_0, %arg1 : i32
    %mul3A_1 = arith.constant 2421 : i32
    %mul3A_2 = arith.muli %add3A, %mul3A_1 : i32
    %jit3A = arith.constant 31 : i32
    %div3A = arith.divsi %mul3A_2, %jit3A : i32
    %sign3A = arith.constant 0 : i32
    %sign3A_3 = arith.cmpi sgt, %mul3A_2, %sign3A : i32
    %sign3A_4 = arith.extui %sign3A_3 : i1 to i32
    %sign3A_5 = arith.constant 0 : i32
    %sign3A_6 = arith.cmpi slt, %mul3A_2, %sign3A_5 : i32
    %sign3A_7 = arith.extui %sign3A_6 : i1 to i32
    %sign3A_8 = arith.subi %sign3A_4, %sign3A_7 : i32
    %sign3A_9 = arith.constant 0 : i32
    %sign3A_10 = arith.cmpi sgt, %jit3A, %sign3A_9 : i32
    %sign3A_11 = arith.extui %sign3A_10 : i1 to i32
    %sign3A_12 = arith.constant 0 : i32
    %sign3A_13 = arith.cmpi slt, %jit3A, %sign3A_12 : i32
    %sign3A_14 = arith.extui %sign3A_13 : i1 to i32
    %sign3A_15 = arith.subi %sign3A_11, %sign3A_14 : i32
    %ne3A = arith.cmpi ne, %sign3A_8, %sign3A_15 : i32
    %rem3A = arith.remsi %mul3A_2, %jit3A : i32
    %ne3A_16 = arith.constant 0 : i32
    %ne3A_17 = arith.cmpi ne, %rem3A, %ne3A_16 : i32
    %and3A = arith.andi %ne3A, %ne3A_17 : i1
    %sub3A = arith.constant 1 : i32
    %sub3A_18 = arith.subi %div3A, %sub3A : i32
    %select_n3A = arith.select %and3A, %sub3A_18, %div3A : i32
    %broadcast_in_dim3A = arith.constant 0.000000e+00 : f32
    %broadcast_in_dim3A_19 = vector.broadcast %broadcast_in_dim3A : f32 to vector<16xf32>
    %broadcast_in_dim3A_20 = arith.constant 1.000000e+00 : f32
    %broadcast_in_dim3A_21 = vector.broadcast %broadcast_in_dim3A_20 : f32 to vector<16xf32>
    %dma_start3A = arith.constant 1 : i32
    %dma_start3A_22 = arith.constant 0 : i32
    %dma_start3A_23 = arith.constant 0 : i32
    %dma_start3A_24 = tpu.memref_slice %arg4[%dma_start3A_22, %dma_start3A_23] : memref<79x128xi32, #tpu.memory_space<vmem>> -> memref<39x128xi32, #tpu.memory_space<vmem>>
    %dma_start3A_25 = arith.constant 0 : i32
    %dma_start3A_26 = tpu.memref_slice %arg2[%select_n3A, %dma_start3A, %dma_start3A_25] : memref<2500x2x128xi32, #tpu.memory_space<hbm>> -> memref<39x1x128xi32, #tpu.memory_space<hbm>>
    %dma_start3A_27 = tpu.memref_squeeze %dma_start3A_26 : memref<39x1x128xi32, #tpu.memory_space<hbm>> -> memref<39x128xi32, #tpu.memory_space<hbm>>
    %dma_start3A_28 = arith.constant 0 : i32
    %dma_start3A_29 = arith.constant 0 : i32
    %dma_start3A_30 = tpu.memref_slice %arg4[%dma_start3A_28, %dma_start3A_29] : memref<79x128xi32, #tpu.memory_space<vmem>> -> memref<39x128xi32, #tpu.memory_space<vmem>>
    %dma_start3A_31 = arith.constant 0 : i32
    %dma_start3A_32 = tpu.memref_slice %arg2[%select_n3A, %dma_start3A, %dma_start3A_31] : memref<2500x2x128xi32, #tpu.memory_space<hbm>> -> memref<39x1x128xi32, #tpu.memory_space<hbm>>
    %dma_start3A_33 = tpu.memref_squeeze %dma_start3A_32 : memref<39x1x128xi32, #tpu.memory_space<hbm>> -> memref<39x128xi32, #tpu.memory_space<hbm>>
    tpu.enqueue_dma source(%dma_start3A_33 : memref<39x128xi32, #tpu.memory_space<hbm>>) target(%dma_start3A_30 : memref<39x128xi32, #tpu.memory_space<vmem>>) target_semaphore(%arg8 : memref<!tpu.dma_semaphore, #tpu.memory_space<semaphore_mem>>)
    %add3A_34 = arith.constant 39 : i32
    %add3A_35 = arith.addi %select_n3A, %add3A_34 : i32
    %dma_start3A_36 = arith.constant 1 : i32
    %dma_start3A_37 = arith.constant 39 : i32
    %dma_start3A_38 = arith.constant 0 : i32
    %dma_start3A_39 = tpu.memref_slice %arg4[%dma_start3A_37, %dma_start3A_38] : memref<79x128xi32, #tpu.memory_space<vmem>> -> memref<40x128xi32, #tpu.memory_space<vmem>>
    %dma_start3A_40 = arith.constant 0 : i32
    %dma_start3A_41 = tpu.memref_slice %arg2[%add3A_35, %dma_start3A_36, %dma_start3A_40] : memref<2500x2x128xi32, #tpu.memory_space<hbm>> -> memref<40x1x128xi32, #tpu.memory_space<hbm>>
    %dma_start3A_42 = tpu.memref_squeeze %dma_start3A_41 : memref<40x1x128xi32, #tpu.memory_space<hbm>> -> memref<40x128xi32, #tpu.memory_space<hbm>>
    %dma_start3A_43 = arith.constant 39 : i32
    %dma_start3A_44 = arith.constant 0 : i32
    %dma_start3A_45 = tpu.memref_slice %arg4[%dma_start3A_43, %dma_start3A_44] : memref<79x128xi32, #tpu.memory_space<vmem>> -> memref<40x128xi32, #tpu.memory_space<vmem>>
    %dma_start3A_46 = arith.constant 0 : i32
    %dma_start3A_47 = tpu.memref_slice %arg2[%add3A_35, %dma_start3A_36, %dma_start3A_46] : memref<2500x2x128xi32, #tpu.memory_space<hbm>> -> memref<40x1x128xi32, #tpu.memory_space<hbm>>
    %dma_start3A_48 = tpu.memref_squeeze %dma_start3A_47 : memref<40x1x128xi32, #tpu.memory_space<hbm>> -> memref<40x128xi32, #tpu.memory_space<hbm>>
    tpu.enqueue_dma source(%dma_start3A_48 : memref<40x128xi32, #tpu.memory_space<hbm>>) target(%dma_start3A_45 : memref<40x128xi32, #tpu.memory_space<vmem>>) target_semaphore(%arg9 : memref<!tpu.dma_semaphore, #tpu.memory_space<semaphore_mem>>)
    %scan3A = arith.constant 0 : i32
    %scan3A_49 = arith.constant 0 : i32
    %scan3A_50 = arith.constant 80 : i32
    %scan3A_51 = arith.addi %scan3A_49, %scan3A_50 : i32
    %scan3A_52 = arith.constant 1 : i32
    scf.for %scan3A_454 = %scan3A_49 to %scan3A_51 step %scan3A_52  : i32 {
      %mul3A_455 = arith.constant 8 : i32
      %mul3A_456 = arith.muli %scan3A_454, %mul3A_455 : i32
      %add3A_457 = arith.constant 0 : i32
      %add3A_458 = arith.addi %mul3A_456, %add3A_457 : i32
      %mul3A_459 = arith.constant 16 : i32
      %mul3A_460 = arith.muli %add3A_458, %mul3A_459 : i32
      %swap3A = arith.index_cast %mul3A_460 : i32 to index
      %swap3A_461 = tpu.vector_load %arg5[%swap3A] {strides = array<i32>} : memref<10240xf32, #tpu.memory_space<vmem>>, vector<16xf32>,
      tpu.vector_store %arg5[%swap3A], %broadcast_in_dim3A_19 {strides = array<i32>} : memref<10240xf32, #tpu.memory_space<vmem>>, vector<16xf32>,
      %mul3A_462 = arith.constant 8 : i32
      %mul3A_463 = arith.muli %scan3A_454, %mul3A_462 : i32
      %add3A_464 = arith.constant 1 : i32
      %add3A_465 = arith.addi %mul3A_463, %add3A_464 : i32
      %mul3A_466 = arith.constant 16 : i32
      %mul3A_467 = arith.muli %add3A_465, %mul3A_466 : i32
      %swap3A_468 = arith.index_cast %mul3A_467 : i32 to index
      %swap3A_469 = tpu.vector_load %arg5[%swap3A_468] {strides = array<i32>} : memref<10240xf32, #tpu.memory_space<vmem>>, vector<16xf32>,
      tpu.vector_store %arg5[%swap3A_468], %broadcast_in_dim3A_19 {strides = array<i32>} : memref<10240xf32, #tpu.memory_space<vmem>>, vector<16xf32>,
      %mul3A_470 = arith.constant 8 : i32
      %mul3A_471 = arith.muli %scan3A_454, %mul3A_470 : i32
      %add3A_472 = arith.constant 2 : i32
      %add3A_473 = arith.addi %mul3A_471, %add3A_472 : i32
      %mul3A_474 = arith.constant 16 : i32
      %mul3A_475 = arith.muli %add3A_473, %mul3A_474 : i32
      %swap3A_476 = arith.index_cast %mul3A_475 : i32 to index
      %swap3A_477 = tpu.vector_load %arg5[%swap3A_476] {strides = array<i32>} : memref<10240xf32, #tpu.memory_space<vmem>>, vector<16xf32>,
      tpu.vector_store %arg5[%swap3A_476], %broadcast_in_dim3A_19 {strides = array<i32>} : memref<10240xf32, #tpu.memory_space<vmem>>, vector<16xf32>,
      %mul3A_478 = arith.constant 8 : i32
      %mul3A_479 = arith.muli %scan3A_454, %mul3A_478 : i32
      %add3A_480 = arith.constant 3 : i32
      %add3A_481 = arith.addi %mul3A_479, %add3A_480 : i32
      %mul3A_482 = arith.constant 16 : i32
      %mul3A_483 = arith.muli %add3A_481, %mul3A_482 : i32
      %swap3A_484 = arith.index_cast %mul3A_483 : i32 to index
      %swap3A_485 = tpu.vector_load %arg5[%swap3A_484] {strides = array<i32>} : memref<10240xf32, #tpu.memory_space<vmem>>, vector<16xf32>,
      tpu.vector_store %arg5[%swap3A_484], %broadcast_in_dim3A_19 {strides = array<i32>} : memref<10240xf32, #tpu.memory_space<vmem>>, vector<16xf32>,
      %mul3A_486 = arith.constant 8 : i32
      %mul3A_487 = arith.muli %scan3A_454, %mul3A_486 : i32
      %add3A_488 = arith.constant 4 : i32
      %add3A_489 = arith.addi %mul3A_487, %add3A_488 : i32
      %mul3A_490 = arith.constant 16 : i32
      %mul3A_491 = arith.muli %add3A_489, %mul3A_490 : i32
      %swap3A_492 = arith.index_cast %mul3A_491 : i32 to index
      %swap3A_493 = tpu.vector_load %arg5[%swap3A_492] {strides = array<i32>} : memref<10240xf32, #tpu.memory_space<vmem>>, vector<16xf32>,
      tpu.vector_store %arg5[%swap3A_492], %broadcast_in_dim3A_19 {strides = array<i32>} : memref<10240xf32, #tpu.memory_space<vmem>>, vector<16xf32>,
      %mul3A_494 = arith.constant 8 : i32
      %mul3A_495 = arith.muli %scan3A_454, %mul3A_494 : i32
      %add3A_496 = arith.constant 5 : i32
      %add3A_497 = arith.addi %mul3A_495, %add3A_496 : i32
      %mul3A_498 = arith.constant 16 : i32
      %mul3A_499 = arith.muli %add3A_497, %mul3A_498 : i32
      %swap3A_500 = arith.index_cast %mul3A_499 : i32 to index
      %swap3A_501 = tpu.vector_load %arg5[%swap3A_500] {strides = array<i32>} : memref<10240xf32, #tpu.memory_space<vmem>>, vector<16xf32>,
      tpu.vector_store %arg5[%swap3A_500], %broadcast_in_dim3A_19 {strides = array<i32>} : memref<10240xf32, #tpu.memory_space<vmem>>, vector<16xf32>,
      %mul3A_502 = arith.constant 8 : i32
      %mul3A_503 = arith.muli %scan3A_454, %mul3A_502 : i32
      %add3A_504 = arith.constant 6 : i32
      %add3A_505 = arith.addi %mul3A_503, %add3A_504 : i32
      %mul3A_506 = arith.constant 16 : i32
      %mul3A_507 = arith.muli %add3A_505, %mul3A_506 : i32
      %swap3A_508 = arith.index_cast %mul3A_507 : i32 to index
      %swap3A_509 = tpu.vector_load %arg5[%swap3A_508] {strides = array<i32>} : memref<10240xf32, #tpu.memory_space<vmem>>, vector<16xf32>,
      tpu.vector_store %arg5[%swap3A_508], %broadcast_in_dim3A_19 {strides = array<i32>} : memref<10240xf32, #tpu.memory_space<vmem>>, vector<16xf32>,
      %mul3A_510 = arith.constant 8 : i32
      %mul3A_511 = arith.muli %scan3A_454, %mul3A_510 : i32
      %add3A_512 = arith.constant 7 : i32
      %add3A_513 = arith.addi %mul3A_511, %add3A_512 : i32
      %mul3A_514 = arith.constant 16 : i32
      %mul3A_515 = arith.muli %add3A_513, %mul3A_514 : i32
      %swap3A_516 = arith.index_cast %mul3A_515 : i32 to index
      %swap3A_517 = tpu.vector_load %arg5[%swap3A_516] {strides = array<i32>} : memref<10240xf32, #tpu.memory_space<vmem>>, vector<16xf32>,
      tpu.vector_store %arg5[%swap3A_516], %broadcast_in_dim3A_19 {strides = array<i32>} : memref<10240xf32, #tpu.memory_space<vmem>>, vector<16xf32>,
    }
    %scan3A_53 = arith.constant 80 : i32
    %dma_wait3A = arith.constant 1 : i32
    %dma_wait3A_54 = arith.constant 0 : i32
    %dma_wait3A_55 = arith.constant 0 : i32
    %dma_wait3A_56 = tpu.memref_slice %arg4[%dma_wait3A_54, %dma_wait3A_55] : memref<79x128xi32, #tpu.memory_space<vmem>> -> memref<39x128xi32, #tpu.memory_space<vmem>>
    %dma_wait3A_57 = arith.constant 0 : i32
    %dma_wait3A_58 = tpu.memref_slice %arg2[%select_n3A, %dma_wait3A, %dma_wait3A_57] : memref<2500x2x128xi32, #tpu.memory_space<hbm>> -> memref<39x1x128xi32, #tpu.memory_space<hbm>>
    %dma_wait3A_59 = tpu.memref_squeeze %dma_wait3A_58 : memref<39x1x128xi32, #tpu.memory_space<hbm>> -> memref<39x128xi32, #tpu.memory_space<hbm>>
    %dma_wait3A_60 = arith.constant 0 : i32
    %dma_wait3A_61 = arith.constant 0 : i32
    %dma_wait3A_62 = tpu.memref_slice %arg4[%dma_wait3A_60, %dma_wait3A_61] : memref<79x128xi32, #tpu.memory_space<vmem>> -> memref<39x128xi32, #tpu.memory_space<vmem>>
    %dma_wait3A_63 = arith.constant 0 : i32
    %dma_wait3A_64 = tpu.memref_slice %arg2[%select_n3A, %dma_wait3A, %dma_wait3A_63] : memref<2500x2x128xi32, #tpu.memory_space<hbm>> -> memref<39x1x128xi32, #tpu.memory_space<hbm>>
    %dma_wait3A_65 = tpu.memref_squeeze %dma_wait3A_64 : memref<39x1x128xi32, #tpu.memory_space<hbm>> -> memref<39x128xi32, #tpu.memory_space<hbm>>
    tpu.wait_dma2 semaphore(%arg8 : memref<!tpu.dma_semaphore, #tpu.memory_space<semaphore_mem>>) src(%dma_wait3A_65 : memref<39x128xi32, #tpu.memory_space<hbm>>) dst(%dma_wait3A_62 : memref<39x128xi32, #tpu.memory_space<vmem>>)
    %scan3A_66 = arith.constant 0 : i32
    %scan3A_67 = arith.constant 0 : i32
    %scan3A_68 = arith.constant 39 : i32
    %scan3A_69 = arith.addi %scan3A_67, %scan3A_68 : i32
    %scan3A_70 = arith.constant 1 : i32
    scf.for %scan3A_454 = %scan3A_67 to %scan3A_69 step %scan3A_70  : i32 {
      %get3A = arith.index_cast %scan3A_454 : i32 to index
      %get3A_455 = arith.constant 0 : index
      %get3A_456 = tpu.vector_load %arg4[%get3A, %get3A_455] {strides = array<i32>} : memref<79x128xi32, #tpu.memory_space<vmem>>, vector<16xi32>,
      tpu.vector_store_idx %arg5[%get3A_456], %broadcast_in_dim3A_21 : memref<10240xf32, #tpu.memory_space<vmem>>[vector<16xi32>], vector<16xf32>,
      %get3A_457 = arith.index_cast %scan3A_454 : i32 to index
      %get3A_458 = arith.constant 16 : index
      %get3A_459 = tpu.vector_load %arg4[%get3A_457, %get3A_458] {strides = array<i32>} : memref<79x128xi32, #tpu.memory_space<vmem>>, vector<16xi32>,
      tpu.vector_store_idx %arg5[%get3A_459], %broadcast_in_dim3A_21 : memref<10240xf32, #tpu.memory_space<vmem>>[vector<16xi32>], vector<16xf32>,
      %get3A_460 = arith.index_cast %scan3A_454 : i32 to index
      %get3A_461 = arith.constant 32 : index
      %get3A_462 = tpu.vector_load %arg4[%get3A_460, %get3A_461] {strides = array<i32>} : memref<79x128xi32, #tpu.memory_space<vmem>>, vector<16xi32>,
      tpu.vector_store_idx %arg5[%get3A_462], %broadcast_in_dim3A_21 : memref<10240xf32, #tpu.memory_space<vmem>>[vector<16xi32>], vector<16xf32>,
      %get3A_463 = arith.index_cast %scan3A_454 : i32 to index
      %get3A_464 = arith.constant 48 : index
      %get3A_465 = tpu.vector_load %arg4[%get3A_463, %get3A_464] {strides = array<i32>} : memref<79x128xi32, #tpu.memory_space<vmem>>, vector<16xi32>,
      tpu.vector_store_idx %arg5[%get3A_465], %broadcast_in_dim3A_21 : memref<10240xf32, #tpu.memory_space<vmem>>[vector<16xi32>], vector<16xf32>,
      %get3A_466 = arith.index_cast %scan3A_454 : i32 to index
      %get3A_467 = arith.constant 64 : index
      %get3A_468 = tpu.vector_load %arg4[%get3A_466, %get3A_467] {strides = array<i32>} : memref<79x128xi32, #tpu.memory_space<vmem>>, vector<16xi32>,
      tpu.vector_store_idx %arg5[%get3A_468], %broadcast_in_dim3A_21 : memref<10240xf32, #tpu.memory_space<vmem>>[vector<16xi32>], vector<16xf32>,
      %get3A_469 = arith.index_cast %scan3A_454 : i32 to index
      %get3A_470 = arith.constant 80 : index
      %get3A_471 = tpu.vector_load %arg4[%get3A_469, %get3A_470] {strides = array<i32>} : memref<79x128xi32, #tpu.memory_space<vmem>>, vector<16xi32>,
      tpu.vector_store_idx %arg5[%get3A_471], %broadcast_in_dim3A_21 : memref<10240xf32, #tpu.memory_space<vmem>>[vector<16xi32>], vector<16xf32>,
      %get3A_472 = arith.index_cast %scan3A_454 : i32 to index
      %get3A_473 = arith.constant 96 : index
      %get3A_474 = tpu.vector_load %arg4[%get3A_472, %get3A_473] {strides = array<i32>} : memref<79x128xi32, #tpu.memory_space<vmem>>, vector<16xi32>,
      tpu.vector_store_idx %arg5[%get3A_474], %broadcast_in_dim3A_21 : memref<10240xf32, #tpu.memory_space<vmem>>[vector<16xi32>], vector<16xf32>,
      %get3A_475 = arith.index_cast %scan3A_454 : i32 to index
      %get3A_476 = arith.constant 112 : index
      %get3A_477 = tpu.vector_load %arg4[%get3A_475, %get3A_476] {strides = array<i32>} : memref<79x128xi32, #tpu.memory_space<vmem>>, vector<16xi32>,
      tpu.vector_store_idx %arg5[%get3A_477], %broadcast_in_dim3A_21 : memref<10240xf32, #tpu.memory_space<vmem>>[vector<16xi32>], vector<16xf32>,
    }
    %scan3A_71 = arith.constant 39 : i32
    %dma_wait3A_72 = arith.constant 1 : i32
    %dma_wait3A_73 = arith.constant 39 : i32
    %dma_wait3A_74 = arith.constant 0 : i32
    %dma_wait3A_75 = tpu.memref_slice %arg4[%dma_wait3A_73, %dma_wait3A_74] : memref<79x128xi32, #tpu.memory_space<vmem>> -> memref<40x128xi32, #tpu.memory_space<vmem>>
    %dma_wait3A_76 = arith.constant 0 : i32
    %dma_wait3A_77 = tpu.memref_slice %arg2[%add3A_35, %dma_wait3A_72, %dma_wait3A_76] : memref<2500x2x128xi32, #tpu.memory_space<hbm>> -> memref<40x1x128xi32, #tpu.memory_space<hbm>>
    %dma_wait3A_78 = tpu.memref_squeeze %dma_wait3A_77 : memref<40x1x128xi32, #tpu.memory_space<hbm>> -> memref<40x128xi32, #tpu.memory_space<hbm>>
    %dma_wait3A_79 = arith.constant 39 : i32
    %dma_wait3A_80 = arith.constant 0 : i32
    %dma_wait3A_81 = tpu.memref_slice %arg4[%dma_wait3A_79, %dma_wait3A_80] : memref<79x128xi32, #tpu.memory_space<vmem>> -> memref<40x128xi32, #tpu.memory_space<vmem>>
    %dma_wait3A_82 = arith.constant 0 : i32
    %dma_wait3A_83 = tpu.memref_slice %arg2[%add3A_35, %dma_wait3A_72, %dma_wait3A_82] : memref<2500x2x128xi32, #tpu.memory_space<hbm>> -> memref<40x1x128xi32, #tpu.memory_space<hbm>>
    %dma_wait3A_84 = tpu.memref_squeeze %dma_wait3A_83 : memref<40x1x128xi32, #tpu.memory_space<hbm>> -> memref<40x128xi32, #tpu.memory_space<hbm>>
    tpu.wait_dma2 semaphore(%arg9 : memref<!tpu.dma_semaphore, #tpu.memory_space<semaphore_mem>>) src(%dma_wait3A_84 : memref<40x128xi32, #tpu.memory_space<hbm>>) dst(%dma_wait3A_81 : memref<40x128xi32, #tpu.memory_space<vmem>>)
    %scan3A_85 = arith.constant 0 : i32
    %scan3A_86 = arith.constant 39 : i32
    %scan3A_87 = arith.constant 40 : i32
    %scan3A_88 = arith.addi %scan3A_86, %scan3A_87 : i32
    %scan3A_89 = arith.constant 1 : i32
    scf.for %scan3A_454 = %scan3A_86 to %scan3A_88 step %scan3A_89  : i32 {
      %get3A = arith.index_cast %scan3A_454 : i32 to index
      %get3A_455 = arith.constant 0 : index
      %get3A_456 = tpu.vector_load %arg4[%get3A, %get3A_455] {strides = array<i32>} : memref<79x128xi32, #tpu.memory_space<vmem>>, vector<16xi32>,
      tpu.vector_store_idx %arg5[%get3A_456], %broadcast_in_dim3A_21 : memref<10240xf32, #tpu.memory_space<vmem>>[vector<16xi32>], vector<16xf32>,
      %get3A_457 = arith.index_cast %scan3A_454 : i32 to index
      %get3A_458 = arith.constant 16 : index
      %get3A_459 = tpu.vector_load %arg4[%get3A_457, %get3A_458] {strides = array<i32>} : memref<79x128xi32, #tpu.memory_space<vmem>>, vector<16xi32>,
      tpu.vector_store_idx %arg5[%get3A_459], %broadcast_in_dim3A_21 : memref<10240xf32, #tpu.memory_space<vmem>>[vector<16xi32>], vector<16xf32>,
      %get3A_460 = arith.index_cast %scan3A_454 : i32 to index
      %get3A_461 = arith.constant 32 : index
      %get3A_462 = tpu.vector_load %arg4[%get3A_460, %get3A_461] {strides = array<i32>} : memref<79x128xi32, #tpu.memory_space<vmem>>, vector<16xi32>,
      tpu.vector_store_idx %arg5[%get3A_462], %broadcast_in_dim3A_21 : memref<10240xf32, #tpu.memory_space<vmem>>[vector<16xi32>], vector<16xf32>,
      %get3A_463 = arith.index_cast %scan3A_454 : i32 to index
      %get3A_464 = arith.constant 48 : index
      %get3A_465 = tpu.vector_load %arg4[%get3A_463, %get3A_464] {strides = array<i32>} : memref<79x128xi32, #tpu.memory_space<vmem>>, vector<16xi32>,
      tpu.vector_store_idx %arg5[%get3A_465], %broadcast_in_dim3A_21 : memref<10240xf32, #tpu.memory_space<vmem>>[vector<16xi32>], vector<16xf32>,
      %get3A_466 = arith.index_cast %scan3A_454 : i32 to index
      %get3A_467 = arith.constant 64 : index
      %get3A_468 = tpu.vector_load %arg4[%get3A_466, %get3A_467] {strides = array<i32>} : memref<79x128xi32, #tpu.memory_space<vmem>>, vector<16xi32>,
      tpu.vector_store_idx %arg5[%get3A_468], %broadcast_in_dim3A_21 : memref<10240xf32, #tpu.memory_space<vmem>>[vector<16xi32>], vector<16xf32>,
      %get3A_469 = arith.index_cast %scan3A_454 : i32 to index
      %get3A_470 = arith.constant 80 : index
      %get3A_471 = tpu.vector_load %arg4[%get3A_469, %get3A_470] {strides = array<i32>} : memref<79x128xi32, #tpu.memory_space<vmem>>, vector<16xi32>,
      tpu.vector_store_idx %arg5[%get3A_471], %broadcast_in_dim3A_21 : memref<10240xf32, #tpu.memory_space<vmem>>[vector<16xi32>], vector<16xf32>,
      %get3A_472 = arith.index_cast %scan3A_454 : i32 to index
      %get3A_473 = arith.constant 96 : index
      %get3A_474 = tpu.vector_load %arg4[%get3A_472, %get3A_473] {strides = array<i32>} : memref<79x128xi32, #tpu.memory_space<vmem>>, vector<16xi32>,
      tpu.vector_store_idx %arg5[%get3A_474], %broadcast_in_dim3A_21 : memref<10240xf32, #tpu.memory_space<vmem>>[vector<16xi32>], vector<16xf32>,
      %get3A_475 = arith.index_cast %scan3A_454 : i32 to index
      %get3A_476 = arith.constant 112 : index
      %get3A_477 = tpu.vector_load %arg4[%get3A_475, %get3A_476] {strides = array<i32>} : memref<79x128xi32, #tpu.memory_space<vmem>>, vector<16xi32>,
      tpu.vector_store_idx %arg5[%get3A_477], %broadcast_in_dim3A_21 : memref<10240xf32, #tpu.memory_space<vmem>>[vector<16xi32>], vector<16xf32>,
    }
    %scan3A_90 = arith.constant 40 : i32
    %dma_start3A_91 = arith.constant 0 : i32
    %dma_start3A_92 = arith.constant 0 : i32
    %dma_start3A_93 = tpu.memref_slice %arg5[%dma_start3A_92] : memref<10240xf32, #tpu.memory_space<vmem>> -> memref<640xf32, #tpu.memory_space<vmem>>
    %dma_start3A_94 = arith.constant 0 : i32
    %dma_start3A_95 = tpu.memref_slice %arg7[%dma_start3A_91, %arg1, %dma_start3A_94] : memref<16x16x640xf32, #tpu.memory_space<vmem_shared>> -> memref<1x1x640xf32, #tpu.memory_space<vmem_shared>>
    %dma_start3A_96 = tpu.memref_squeeze %dma_start3A_95 : memref<1x1x640xf32, #tpu.memory_space<vmem_shared>> -> memref<640xf32, #tpu.memory_space<vmem_shared>>
    %dma_start3A_97 = arith.constant 0 : i32
    %dma_start3A_98 = tpu.memref_slice %arg7[%dma_start3A_91, %arg1, %dma_start3A_97] : memref<16x16x640xf32, #tpu.memory_space<vmem_shared>> -> memref<1x1x640xf32, #tpu.memory_space<vmem_shared>>
    %dma_start3A_99 = tpu.memref_squeeze %dma_start3A_98 : memref<1x1x640xf32, #tpu.memory_space<vmem_shared>> -> memref<640xf32, #tpu.memory_space<vmem_shared>>
    %dma_start3A_100 = arith.constant 0 : i32
    %dma_start3A_101 = tpu.memref_slice %arg5[%dma_start3A_100] : memref<10240xf32, #tpu.memory_space<vmem>> -> memref<640xf32, #tpu.memory_space<vmem>>
    tpu.enqueue_dma source(%dma_start3A_101 : memref<640xf32, #tpu.memory_space<vmem>>) target(%dma_start3A_99 : memref<640xf32, #tpu.memory_space<vmem_shared>>) target_semaphore(%arg10 : memref<!tpu.dma_semaphore, #tpu.memory_space<semaphore_mem>>)
    %dma_start3A_102 = arith.constant 1 : i32
    %dma_start3A_103 = arith.constant 640 : i32
    %dma_start3A_104 = tpu.memref_slice %arg5[%dma_start3A_103] : memref<10240xf32, #tpu.memory_space<vmem>> -> memref<640xf32, #tpu.memory_space<vmem>>
    %dma_start3A_105 = arith.constant 0 : i32
    %dma_start3A_106 = tpu.memref_slice %arg7[%dma_start3A_102, %arg1, %dma_start3A_105] : memref<16x16x640xf32, #tpu.memory_space<vmem_shared>> -> memref<1x1x640xf32, #tpu.memory_space<vmem_shared>>
    %dma_start3A_107 = tpu.memref_squeeze %dma_start3A_106 : memref<1x1x640xf32, #tpu.memory_space<vmem_shared>> -> memref<640xf32, #tpu.memory_space<vmem_shared>>
    %dma_start3A_108 = arith.constant 0 : i32
    %dma_start3A_109 = tpu.memref_slice %arg7[%dma_start3A_102, %arg1, %dma_start3A_108] : memref<16x16x640xf32, #tpu.memory_space<vmem_shared>> -> memref<1x1x640xf32, #tpu.memory_space<vmem_shared>>
    %dma_start3A_110 = tpu.memref_squeeze %dma_start3A_109 : memref<1x1x640xf32, #tpu.memory_space<vmem_shared>> -> memref<640xf32, #tpu.memory_space<vmem_shared>>
    %dma_start3A_111 = arith.constant 640 : i32
    %dma_start3A_112 = tpu.memref_slice %arg5[%dma_start3A_111] : memref<10240xf32, #tpu.memory_space<vmem>> -> memref<640xf32, #tpu.memory_space<vmem>>
    tpu.enqueue_dma source(%dma_start3A_112 : memref<640xf32, #tpu.memory_space<vmem>>) target(%dma_start3A_110 : memref<640xf32, #tpu.memory_space<vmem_shared>>) target_semaphore(%arg10 : memref<!tpu.dma_semaphore, #tpu.memory_space<semaphore_mem>>)
    %dma_start3A_113 = arith.constant 2 : i32
    %dma_start3A_114 = arith.constant 1280 : i32
    %dma_start3A_115 = tpu.memref_slice %arg5[%dma_start3A_114] : memref<10240xf32, #tpu.memory_space<vmem>> -> memref<640xf32, #tpu.memory_space<vmem>>
    %dma_start3A_116 = arith.constant 0 : i32
    %dma_start3A_117 = tpu.memref_slice %arg7[%dma_start3A_113, %arg1, %dma_start3A_116] : memref<16x16x640xf32, #tpu.memory_space<vmem_shared>> -> memref<1x1x640xf32, #tpu.memory_space<vmem_shared>>
    %dma_start3A_118 = tpu.memref_squeeze %dma_start3A_117 : memref<1x1x640xf32, #tpu.memory_space<vmem_shared>> -> memref<640xf32, #tpu.memory_space<vmem_shared>>
    %dma_start3A_119 = arith.constant 0 : i32
    %dma_start3A_120 = tpu.memref_slice %arg7[%dma_start3A_113, %arg1, %dma_start3A_119] : memref<16x16x640xf32, #tpu.memory_space<vmem_shared>> -> memref<1x1x640xf32, #tpu.memory_space<vmem_shared>>
    %dma_start3A_121 = tpu.memref_squeeze %dma_start3A_120 : memref<1x1x640xf32, #tpu.memory_space<vmem_shared>> -> memref<640xf32, #tpu.memory_space<vmem_shared>>
    %dma_start3A_122 = arith.constant 1280 : i32
    %dma_start3A_123 = tpu.memref_slice %arg5[%dma_start3A_122] : memref<10240xf32, #tpu.memory_space<vmem>> -> memref<640xf32, #tpu.memory_space<vmem>>
    tpu.enqueue_dma source(%dma_start3A_123 : memref<640xf32, #tpu.memory_space<vmem>>) target(%dma_start3A_121 : memref<640xf32, #tpu.memory_space<vmem_shared>>) target_semaphore(%arg10 : memref<!tpu.dma_semaphore, #tpu.memory_space<semaphore_mem>>)
    %dma_start3A_124 = arith.constant 3 : i32
    %dma_start3A_125 = arith.constant 1920 : i32
    %dma_start3A_126 = tpu.memref_slice %arg5[%dma_start3A_125] : memref<10240xf32, #tpu.memory_space<vmem>> -> memref<640xf32, #tpu.memory_space<vmem>>
    %dma_start3A_127 = arith.constant 0 : i32
    %dma_start3A_128 = tpu.memref_slice %arg7[%dma_start3A_124, %arg1, %dma_start3A_127] : memref<16x16x640xf32, #tpu.memory_space<vmem_shared>> -> memref<1x1x640xf32, #tpu.memory_space<vmem_shared>>
    %dma_start3A_129 = tpu.memref_squeeze %dma_start3A_128 : memref<1x1x640xf32, #tpu.memory_space<vmem_shared>> -> memref<640xf32, #tpu.memory_space<vmem_shared>>
    %dma_start3A_130 = arith.constant 0 : i32
    %dma_start3A_131 = tpu.memref_slice %arg7[%dma_start3A_124, %arg1, %dma_start3A_130] : memref<16x16x640xf32, #tpu.memory_space<vmem_shared>> -> memref<1x1x640xf32, #tpu.memory_space<vmem_shared>>
    %dma_start3A_132 = tpu.memref_squeeze %dma_start3A_131 : memref<1x1x640xf32, #tpu.memory_space<vmem_shared>> -> memref<640xf32, #tpu.memory_space<vmem_shared>>
    %dma_start3A_133 = arith.constant 1920 : i32
    %dma_start3A_134 = tpu.memref_slice %arg5[%dma_start3A_133] : memref<10240xf32, #tpu.memory_space<vmem>> -> memref<640xf32, #tpu.memory_space<vmem>>
    tpu.enqueue_dma source(%dma_start3A_134 : memref<640xf32, #tpu.memory_space<vmem>>) target(%dma_start3A_132 : memref<640xf32, #tpu.memory_space<vmem_shared>>) target_semaphore(%arg10 : memref<!tpu.dma_semaphore, #tpu.memory_space<semaphore_mem>>)
    %dma_start3A_135 = arith.constant 4 : i32
    %dma_start3A_136 = arith.constant 2560 : i32
    %dma_start3A_137 = tpu.memref_slice %arg5[%dma_start3A_136] : memref<10240xf32, #tpu.memory_space<vmem>> -> memref<640xf32, #tpu.memory_space<vmem>>
    %dma_start3A_138 = arith.constant 0 : i32
    %dma_start3A_139 = tpu.memref_slice %arg7[%dma_start3A_135, %arg1, %dma_start3A_138] : memref<16x16x640xf32, #tpu.memory_space<vmem_shared>> -> memref<1x1x640xf32, #tpu.memory_space<vmem_shared>>
    %dma_start3A_140 = tpu.memref_squeeze %dma_start3A_139 : memref<1x1x640xf32, #tpu.memory_space<vmem_shared>> -> memref<640xf32, #tpu.memory_space<vmem_shared>>
    %dma_start3A_141 = arith.constant 0 : i32
    %dma_start3A_142 = tpu.memref_slice %arg7[%dma_start3A_135, %arg1, %dma_start3A_141] : memref<16x16x640xf32, #tpu.memory_space<vmem_shared>> -> memref<1x1x640xf32, #tpu.memory_space<vmem_shared>>
    %dma_start3A_143 = tpu.memref_squeeze %dma_start3A_142 : memref<1x1x640xf32, #tpu.memory_space<vmem_shared>> -> memref<640xf32, #tpu.memory_space<vmem_shared>>
    %dma_start3A_144 = arith.constant 2560 : i32
    %dma_start3A_145 = tpu.memref_slice %arg5[%dma_start3A_144] : memref<10240xf32, #tpu.memory_space<vmem>> -> memref<640xf32, #tpu.memory_space<vmem>>
    tpu.enqueue_dma source(%dma_start3A_145 : memref<640xf32, #tpu.memory_space<vmem>>) target(%dma_start3A_143 : memref<640xf32, #tpu.memory_space<vmem_shared>>) target_semaphore(%arg10 : memref<!tpu.dma_semaphore, #tpu.memory_space<semaphore_mem>>)
    %dma_start3A_146 = arith.constant 5 : i32
    %dma_start3A_147 = arith.constant 3200 : i32
    %dma_start3A_148 = tpu.memref_slice %arg5[%dma_start3A_147] : memref<10240xf32, #tpu.memory_space<vmem>> -> memref<640xf32, #tpu.memory_space<vmem>>
    %dma_start3A_149 = arith.constant 0 : i32
    %dma_start3A_150 = tpu.memref_slice %arg7[%dma_start3A_146, %arg1, %dma_start3A_149] : memref<16x16x640xf32, #tpu.memory_space<vmem_shared>> -> memref<1x1x640xf32, #tpu.memory_space<vmem_shared>>
    %dma_start3A_151 = tpu.memref_squeeze %dma_start3A_150 : memref<1x1x640xf32, #tpu.memory_space<vmem_shared>> -> memref<640xf32, #tpu.memory_space<vmem_shared>>
    %dma_start3A_152 = arith.constant 0 : i32
    %dma_start3A_153 = tpu.memref_slice %arg7[%dma_start3A_146, %arg1, %dma_start3A_152] : memref<16x16x640xf32, #tpu.memory_space<vmem_shared>> -> memref<1x1x640xf32, #tpu.memory_space<vmem_shared>>
    %dma_start3A_154 = tpu.memref_squeeze %dma_start3A_153 : memref<1x1x640xf32, #tpu.memory_space<vmem_shared>> -> memref<640xf32, #tpu.memory_space<vmem_shared>>
    %dma_start3A_155 = arith.constant 3200 : i32
    %dma_start3A_156 = tpu.memref_slice %arg5[%dma_start3A_155] : memref<10240xf32, #tpu.memory_space<vmem>> -> memref<640xf32, #tpu.memory_space<vmem>>
    tpu.enqueue_dma source(%dma_start3A_156 : memref<640xf32, #tpu.memory_space<vmem>>) target(%dma_start3A_154 : memref<640xf32, #tpu.memory_space<vmem_shared>>) target_semaphore(%arg10 : memref<!tpu.dma_semaphore, #tpu.memory_space<semaphore_mem>>)
    %dma_start3A_157 = arith.constant 6 : i32
    %dma_start3A_158 = arith.constant 3840 : i32
    %dma_start3A_159 = tpu.memref_slice %arg5[%dma_start3A_158] : memref<10240xf32, #tpu.memory_space<vmem>> -> memref<640xf32, #tpu.memory_space<vmem>>
    %dma_start3A_160 = arith.constant 0 : i32
    %dma_start3A_161 = tpu.memref_slice %arg7[%dma_start3A_157, %arg1, %dma_start3A_160] : memref<16x16x640xf32, #tpu.memory_space<vmem_shared>> -> memref<1x1x640xf32, #tpu.memory_space<vmem_shared>>
    %dma_start3A_162 = tpu.memref_squeeze %dma_start3A_161 : memref<1x1x640xf32, #tpu.memory_space<vmem_shared>> -> memref<640xf32, #tpu.memory_space<vmem_shared>>
    %dma_start3A_163 = arith.constant 0 : i32
    %dma_start3A_164 = tpu.memref_slice %arg7[%dma_start3A_157, %arg1, %dma_start3A_163] : memref<16x16x640xf32, #tpu.memory_space<vmem_shared>> -> memref<1x1x640xf32, #tpu.memory_space<vmem_shared>>
    %dma_start3A_165 = tpu.memref_squeeze %dma_start3A_164 : memref<1x1x640xf32, #tpu.memory_space<vmem_shared>> -> memref<640xf32, #tpu.memory_space<vmem_shared>>
    %dma_start3A_166 = arith.constant 3840 : i32
    %dma_start3A_167 = tpu.memref_slice %arg5[%dma_start3A_166] : memref<10240xf32, #tpu.memory_space<vmem>> -> memref<640xf32, #tpu.memory_space<vmem>>
    tpu.enqueue_dma source(%dma_start3A_167 : memref<640xf32, #tpu.memory_space<vmem>>) target(%dma_start3A_165 : memref<640xf32, #tpu.memory_space<vmem_shared>>) target_semaphore(%arg10 : memref<!tpu.dma_semaphore, #tpu.memory_space<semaphore_mem>>)
    %dma_start3A_168 = arith.constant 7 : i32
    %dma_start3A_169 = arith.constant 4480 : i32
    %dma_start3A_170 = tpu.memref_slice %arg5[%dma_start3A_169] : memref<10240xf32, #tpu.memory_space<vmem>> -> memref<640xf32, #tpu.memory_space<vmem>>
    %dma_start3A_171 = arith.constant 0 : i32
    %dma_start3A_172 = tpu.memref_slice %arg7[%dma_start3A_168, %arg1, %dma_start3A_171] : memref<16x16x640xf32, #tpu.memory_space<vmem_shared>> -> memref<1x1x640xf32, #tpu.memory_space<vmem_shared>>
    %dma_start3A_173 = tpu.memref_squeeze %dma_start3A_172 : memref<1x1x640xf32, #tpu.memory_space<vmem_shared>> -> memref<640xf32, #tpu.memory_space<vmem_shared>>
    %dma_start3A_174 = arith.constant 0 : i32
    %dma_start3A_175 = tpu.memref_slice %arg7[%dma_start3A_168, %arg1, %dma_start3A_174] : memref<16x16x640xf32, #tpu.memory_space<vmem_shared>> -> memref<1x1x640xf32, #tpu.memory_space<vmem_shared>>
    %dma_start3A_176 = tpu.memref_squeeze %dma_start3A_175 : memref<1x1x640xf32, #tpu.memory_space<vmem_shared>> -> memref<640xf32, #tpu.memory_space<vmem_shared>>
    %dma_start3A_177 = arith.constant 4480 : i32
    %dma_start3A_178 = tpu.memref_slice %arg5[%dma_start3A_177] : memref<10240xf32, #tpu.memory_space<vmem>> -> memref<640xf32, #tpu.memory_space<vmem>>
    tpu.enqueue_dma source(%dma_start3A_178 : memref<640xf32, #tpu.memory_space<vmem>>) target(%dma_start3A_176 : memref<640xf32, #tpu.memory_space<vmem_shared>>) target_semaphore(%arg10 : memref<!tpu.dma_semaphore, #tpu.memory_space<semaphore_mem>>)
    %dma_start3A_179 = arith.constant 8 : i32
    %dma_start3A_180 = arith.constant 5120 : i32
    %dma_start3A_181 = tpu.memref_slice %arg5[%dma_start3A_180] : memref<10240xf32, #tpu.memory_space<vmem>> -> memref<640xf32, #tpu.memory_space<vmem>>
    %dma_start3A_182 = arith.constant 0 : i32
    %dma_start3A_183 = tpu.memref_slice %arg7[%dma_start3A_179, %arg1, %dma_start3A_182] : memref<16x16x640xf32, #tpu.memory_space<vmem_shared>> -> memref<1x1x640xf32, #tpu.memory_space<vmem_shared>>
    %dma_start3A_184 = tpu.memref_squeeze %dma_start3A_183 : memref<1x1x640xf32, #tpu.memory_space<vmem_shared>> -> memref<640xf32, #tpu.memory_space<vmem_shared>>
    %dma_start3A_185 = arith.constant 0 : i32
    %dma_start3A_186 = tpu.memref_slice %arg7[%dma_start3A_179, %arg1, %dma_start3A_185] : memref<16x16x640xf32, #tpu.memory_space<vmem_shared>> -> memref<1x1x640xf32, #tpu.memory_space<vmem_shared>>
    %dma_start3A_187 = tpu.memref_squeeze %dma_start3A_186 : memref<1x1x640xf32, #tpu.memory_space<vmem_shared>> -> memref<640xf32, #tpu.memory_space<vmem_shared>>
    %dma_start3A_188 = arith.constant 5120 : i32
    %dma_start3A_189 = tpu.memref_slice %arg5[%dma_start3A_188] : memref<10240xf32, #tpu.memory_space<vmem>> -> memref<640xf32, #tpu.memory_space<vmem>>
    tpu.enqueue_dma source(%dma_start3A_189 : memref<640xf32, #tpu.memory_space<vmem>>) target(%dma_start3A_187 : memref<640xf32, #tpu.memory_space<vmem_shared>>) target_semaphore(%arg10 : memref<!tpu.dma_semaphore, #tpu.memory_space<semaphore_mem>>)
    %dma_start3A_190 = arith.constant 9 : i32
    %dma_start3A_191 = arith.constant 5760 : i32
    %dma_start3A_192 = tpu.memref_slice %arg5[%dma_start3A_191] : memref<10240xf32, #tpu.memory_space<vmem>> -> memref<640xf32, #tpu.memory_space<vmem>>
    %dma_start3A_193 = arith.constant 0 : i32
    %dma_start3A_194 = tpu.memref_slice %arg7[%dma_start3A_190, %arg1, %dma_start3A_193] : memref<16x16x640xf32, #tpu.memory_space<vmem_shared>> -> memref<1x1x640xf32, #tpu.memory_space<vmem_shared>>
    %dma_start3A_195 = tpu.memref_squeeze %dma_start3A_194 : memref<1x1x640xf32, #tpu.memory_space<vmem_shared>> -> memref<640xf32, #tpu.memory_space<vmem_shared>>
    %dma_start3A_196 = arith.constant 0 : i32
    %dma_start3A_197 = tpu.memref_slice %arg7[%dma_start3A_190, %arg1, %dma_start3A_196] : memref<16x16x640xf32, #tpu.memory_space<vmem_shared>> -> memref<1x1x640xf32, #tpu.memory_space<vmem_shared>>
    %dma_start3A_198 = tpu.memref_squeeze %dma_start3A_197 : memref<1x1x640xf32, #tpu.memory_space<vmem_shared>> -> memref<640xf32, #tpu.memory_space<vmem_shared>>
    %dma_start3A_199 = arith.constant 5760 : i32
    %dma_start3A_200 = tpu.memref_slice %arg5[%dma_start3A_199] : memref<10240xf32, #tpu.memory_space<vmem>> -> memref<640xf32, #tpu.memory_space<vmem>>
    tpu.enqueue_dma source(%dma_start3A_200 : memref<640xf32, #tpu.memory_space<vmem>>) target(%dma_start3A_198 : memref<640xf32, #tpu.memory_space<vmem_shared>>) target_semaphore(%arg10 : memref<!tpu.dma_semaphore, #tpu.memory_space<semaphore_mem>>)
    %dma_start3A_201 = arith.constant 10 : i32
    %dma_start3A_202 = arith.constant 6400 : i32
    %dma_start3A_203 = tpu.memref_slice %arg5[%dma_start3A_202] : memref<10240xf32, #tpu.memory_space<vmem>> -> memref<640xf32, #tpu.memory_space<vmem>>
    %dma_start3A_204 = arith.constant 0 : i32
    %dma_start3A_205 = tpu.memref_slice %arg7[%dma_start3A_201, %arg1, %dma_start3A_204] : memref<16x16x640xf32, #tpu.memory_space<vmem_shared>> -> memref<1x1x640xf32, #tpu.memory_space<vmem_shared>>
    %dma_start3A_206 = tpu.memref_squeeze %dma_start3A_205 : memref<1x1x640xf32, #tpu.memory_space<vmem_shared>> -> memref<640xf32, #tpu.memory_space<vmem_shared>>
    %dma_start3A_207 = arith.constant 0 : i32
    %dma_start3A_208 = tpu.memref_slice %arg7[%dma_start3A_201, %arg1, %dma_start3A_207] : memref<16x16x640xf32, #tpu.memory_space<vmem_shared>> -> memref<1x1x640xf32, #tpu.memory_space<vmem_shared>>
    %dma_start3A_209 = tpu.memref_squeeze %dma_start3A_208 : memref<1x1x640xf32, #tpu.memory_space<vmem_shared>> -> memref<640xf32, #tpu.memory_space<vmem_shared>>
    %dma_start3A_210 = arith.constant 6400 : i32
    %dma_start3A_211 = tpu.memref_slice %arg5[%dma_start3A_210] : memref<10240xf32, #tpu.memory_space<vmem>> -> memref<640xf32, #tpu.memory_space<vmem>>
    tpu.enqueue_dma source(%dma_start3A_211 : memref<640xf32, #tpu.memory_space<vmem>>) target(%dma_start3A_209 : memref<640xf32, #tpu.memory_space<vmem_shared>>) target_semaphore(%arg10 : memref<!tpu.dma_semaphore, #tpu.memory_space<semaphore_mem>>)
    %dma_start3A_212 = arith.constant 11 : i32
    %dma_start3A_213 = arith.constant 7040 : i32
    %dma_start3A_214 = tpu.memref_slice %arg5[%dma_start3A_213] : memref<10240xf32, #tpu.memory_space<vmem>> -> memref<640xf32, #tpu.memory_space<vmem>>
    %dma_start3A_215 = arith.constant 0 : i32
    %dma_start3A_216 = tpu.memref_slice %arg7[%dma_start3A_212, %arg1, %dma_start3A_215] : memref<16x16x640xf32, #tpu.memory_space<vmem_shared>> -> memref<1x1x640xf32, #tpu.memory_space<vmem_shared>>
    %dma_start3A_217 = tpu.memref_squeeze %dma_start3A_216 : memref<1x1x640xf32, #tpu.memory_space<vmem_shared>> -> memref<640xf32, #tpu.memory_space<vmem_shared>>
    %dma_start3A_218 = arith.constant 0 : i32
    %dma_start3A_219 = tpu.memref_slice %arg7[%dma_start3A_212, %arg1, %dma_start3A_218] : memref<16x16x640xf32, #tpu.memory_space<vmem_shared>> -> memref<1x1x640xf32, #tpu.memory_space<vmem_shared>>
    %dma_start3A_220 = tpu.memref_squeeze %dma_start3A_219 : memref<1x1x640xf32, #tpu.memory_space<vmem_shared>> -> memref<640xf32, #tpu.memory_space<vmem_shared>>
    %dma_start3A_221 = arith.constant 7040 : i32
    %dma_start3A_222 = tpu.memref_slice %arg5[%dma_start3A_221] : memref<10240xf32, #tpu.memory_space<vmem>> -> memref<640xf32, #tpu.memory_space<vmem>>
    tpu.enqueue_dma source(%dma_start3A_222 : memref<640xf32, #tpu.memory_space<vmem>>) target(%dma_start3A_220 : memref<640xf32, #tpu.memory_space<vmem_shared>>) target_semaphore(%arg10 : memref<!tpu.dma_semaphore, #tpu.memory_space<semaphore_mem>>)
    %dma_start3A_223 = arith.constant 12 : i32
    %dma_start3A_224 = arith.constant 7680 : i32
    %dma_start3A_225 = tpu.memref_slice %arg5[%dma_start3A_224] : memref<10240xf32, #tpu.memory_space<vmem>> -> memref<640xf32, #tpu.memory_space<vmem>>
    %dma_start3A_226 = arith.constant 0 : i32
    %dma_start3A_227 = tpu.memref_slice %arg7[%dma_start3A_223, %arg1, %dma_start3A_226] : memref<16x16x640xf32, #tpu.memory_space<vmem_shared>> -> memref<1x1x640xf32, #tpu.memory_space<vmem_shared>>
    %dma_start3A_228 = tpu.memref_squeeze %dma_start3A_227 : memref<1x1x640xf32, #tpu.memory_space<vmem_shared>> -> memref<640xf32, #tpu.memory_space<vmem_shared>>
    %dma_start3A_229 = arith.constant 0 : i32
    %dma_start3A_230 = tpu.memref_slice %arg7[%dma_start3A_223, %arg1, %dma_start3A_229] : memref<16x16x640xf32, #tpu.memory_space<vmem_shared>> -> memref<1x1x640xf32, #tpu.memory_space<vmem_shared>>
    %dma_start3A_231 = tpu.memref_squeeze %dma_start3A_230 : memref<1x1x640xf32, #tpu.memory_space<vmem_shared>> -> memref<640xf32, #tpu.memory_space<vmem_shared>>
    %dma_start3A_232 = arith.constant 7680 : i32
    %dma_start3A_233 = tpu.memref_slice %arg5[%dma_start3A_232] : memref<10240xf32, #tpu.memory_space<vmem>> -> memref<640xf32, #tpu.memory_space<vmem>>
    tpu.enqueue_dma source(%dma_start3A_233 : memref<640xf32, #tpu.memory_space<vmem>>) target(%dma_start3A_231 : memref<640xf32, #tpu.memory_space<vmem_shared>>) target_semaphore(%arg10 : memref<!tpu.dma_semaphore, #tpu.memory_space<semaphore_mem>>)
    %dma_start3A_234 = arith.constant 13 : i32
    %dma_start3A_235 = arith.constant 8320 : i32
    %dma_start3A_236 = tpu.memref_slice %arg5[%dma_start3A_235] : memref<10240xf32, #tpu.memory_space<vmem>> -> memref<640xf32, #tpu.memory_space<vmem>>
    %dma_start3A_237 = arith.constant 0 : i32
    %dma_start3A_238 = tpu.memref_slice %arg7[%dma_start3A_234, %arg1, %dma_start3A_237] : memref<16x16x640xf32, #tpu.memory_space<vmem_shared>> -> memref<1x1x640xf32, #tpu.memory_space<vmem_shared>>
    %dma_start3A_239 = tpu.memref_squeeze %dma_start3A_238 : memref<1x1x640xf32, #tpu.memory_space<vmem_shared>> -> memref<640xf32, #tpu.memory_space<vmem_shared>>
    %dma_start3A_240 = arith.constant 0 : i32
    %dma_start3A_241 = tpu.memref_slice %arg7[%dma_start3A_234, %arg1, %dma_start3A_240] : memref<16x16x640xf32, #tpu.memory_space<vmem_shared>> -> memref<1x1x640xf32, #tpu.memory_space<vmem_shared>>
    %dma_start3A_242 = tpu.memref_squeeze %dma_start3A_241 : memref<1x1x640xf32, #tpu.memory_space<vmem_shared>> -> memref<640xf32, #tpu.memory_space<vmem_shared>>
    %dma_start3A_243 = arith.constant 8320 : i32
    %dma_start3A_244 = tpu.memref_slice %arg5[%dma_start3A_243] : memref<10240xf32, #tpu.memory_space<vmem>> -> memref<640xf32, #tpu.memory_space<vmem>>
    tpu.enqueue_dma source(%dma_start3A_244 : memref<640xf32, #tpu.memory_space<vmem>>) target(%dma_start3A_242 : memref<640xf32, #tpu.memory_space<vmem_shared>>) target_semaphore(%arg10 : memref<!tpu.dma_semaphore, #tpu.memory_space<semaphore_mem>>)
    %dma_start3A_245 = arith.constant 14 : i32
    %dma_start3A_246 = arith.constant 8960 : i32
    %dma_start3A_247 = tpu.memref_slice %arg5[%dma_start3A_246] : memref<10240xf32, #tpu.memory_space<vmem>> -> memref<640xf32, #tpu.memory_space<vmem>>
    %dma_start3A_248 = arith.constant 0 : i32
    %dma_start3A_249 = tpu.memref_slice %arg7[%dma_start3A_245, %arg1, %dma_start3A_248] : memref<16x16x640xf32, #tpu.memory_space<vmem_shared>> -> memref<1x1x640xf32, #tpu.memory_space<vmem_shared>>
    %dma_start3A_250 = tpu.memref_squeeze %dma_start3A_249 : memref<1x1x640xf32, #tpu.memory_space<vmem_shared>> -> memref<640xf32, #tpu.memory_space<vmem_shared>>
    %dma_start3A_251 = arith.constant 0 : i32
    %dma_start3A_252 = tpu.memref_slice %arg7[%dma_start3A_245, %arg1, %dma_start3A_251] : memref<16x16x640xf32, #tpu.memory_space<vmem_shared>> -> memref<1x1x640xf32, #tpu.memory_space<vmem_shared>>
    %dma_start3A_253 = tpu.memref_squeeze %dma_start3A_252 : memref<1x1x640xf32, #tpu.memory_space<vmem_shared>> -> memref<640xf32, #tpu.memory_space<vmem_shared>>
    %dma_start3A_254 = arith.constant 8960 : i32
    %dma_start3A_255 = tpu.memref_slice %arg5[%dma_start3A_254] : memref<10240xf32, #tpu.memory_space<vmem>> -> memref<640xf32, #tpu.memory_space<vmem>>
    tpu.enqueue_dma source(%dma_start3A_255 : memref<640xf32, #tpu.memory_space<vmem>>) target(%dma_start3A_253 : memref<640xf32, #tpu.memory_space<vmem_shared>>) target_semaphore(%arg10 : memref<!tpu.dma_semaphore, #tpu.memory_space<semaphore_mem>>)
    %dma_start3A_256 = arith.constant 15 : i32
    %dma_start3A_257 = arith.constant 9600 : i32
    %dma_start3A_258 = tpu.memref_slice %arg5[%dma_start3A_257] : memref<10240xf32, #tpu.memory_space<vmem>> -> memref<640xf32, #tpu.memory_space<vmem>>
    %dma_start3A_259 = arith.constant 0 : i32
    %dma_start3A_260 = tpu.memref_slice %arg7[%dma_start3A_256, %arg1, %dma_start3A_259] : memref<16x16x640xf32, #tpu.memory_space<vmem_shared>> -> memref<1x1x640xf32, #tpu.memory_space<vmem_shared>>
    %dma_start3A_261 = tpu.memref_squeeze %dma_start3A_260 : memref<1x1x640xf32, #tpu.memory_space<vmem_shared>> -> memref<640xf32, #tpu.memory_space<vmem_shared>>
    %dma_start3A_262 = arith.constant 0 : i32
    %dma_start3A_263 = tpu.memref_slice %arg7[%dma_start3A_256, %arg1, %dma_start3A_262] : memref<16x16x640xf32, #tpu.memory_space<vmem_shared>> -> memref<1x1x640xf32, #tpu.memory_space<vmem_shared>>
    %dma_start3A_264 = tpu.memref_squeeze %dma_start3A_263 : memref<1x1x640xf32, #tpu.memory_space<vmem_shared>> -> memref<640xf32, #tpu.memory_space<vmem_shared>>
    %dma_start3A_265 = arith.constant 9600 : i32
    %dma_start3A_266 = tpu.memref_slice %arg5[%dma_start3A_265] : memref<10240xf32, #tpu.memory_space<vmem>> -> memref<640xf32, #tpu.memory_space<vmem>>
    tpu.enqueue_dma source(%dma_start3A_266 : memref<640xf32, #tpu.memory_space<vmem>>) target(%dma_start3A_264 : memref<640xf32, #tpu.memory_space<vmem_shared>>) target_semaphore(%arg10 : memref<!tpu.dma_semaphore, #tpu.memory_space<semaphore_mem>>)
    %dma_wait3A_267 = arith.constant 0 : i32
    %dma_wait3A_268 = arith.constant 0 : i32
    %dma_wait3A_269 = tpu.memref_slice %arg5[%dma_wait3A_268] : memref<10240xf32, #tpu.memory_space<vmem>> -> memref<640xf32, #tpu.memory_space<vmem>>
    %dma_wait3A_270 = arith.constant 0 : i32
    %dma_wait3A_271 = tpu.memref_slice %arg7[%dma_wait3A_267, %arg1, %dma_wait3A_270] : memref<16x16x640xf32, #tpu.memory_space<vmem_shared>> -> memref<1x1x640xf32, #tpu.memory_space<vmem_shared>>
    %dma_wait3A_272 = tpu.memref_squeeze %dma_wait3A_271 : memref<1x1x640xf32, #tpu.memory_space<vmem_shared>> -> memref<640xf32, #tpu.memory_space<vmem_shared>>
    %dma_wait3A_273 = arith.constant 0 : i32
    %dma_wait3A_274 = tpu.memref_slice %arg7[%dma_wait3A_267, %arg1, %dma_wait3A_273] : memref<16x16x640xf32, #tpu.memory_space<vmem_shared>> -> memref<1x1x640xf32, #tpu.memory_space<vmem_shared>>
    %dma_wait3A_275 = tpu.memref_squeeze %dma_wait3A_274 : memref<1x1x640xf32, #tpu.memory_space<vmem_shared>> -> memref<640xf32, #tpu.memory_space<vmem_shared>>
    %dma_wait3A_276 = arith.constant 0 : i32
    %dma_wait3A_277 = tpu.memref_slice %arg5[%dma_wait3A_276] : memref<10240xf32, #tpu.memory_space<vmem>> -> memref<640xf32, #tpu.memory_space<vmem>>
    tpu.wait_dma2 semaphore(%arg10 : memref<!tpu.dma_semaphore, #tpu.memory_space<semaphore_mem>>) src(%dma_wait3A_277 : memref<640xf32, #tpu.memory_space<vmem>>) dst(%dma_wait3A_275 : memref<640xf32, #tpu.memory_space<vmem_shared>>)
    %dma_wait3A_278 = arith.constant 1 : i32
    %dma_wait3A_279 = arith.constant 640 : i32
    %dma_wait3A_280 = tpu.memref_slice %arg5[%dma_wait3A_279] : memref<10240xf32, #tpu.memory_space<vmem>> -> memref<640xf32, #tpu.memory_space<vmem>>
    %dma_wait3A_281 = arith.constant 0 : i32
    %dma_wait3A_282 = tpu.memref_slice %arg7[%dma_wait3A_278, %arg1, %dma_wait3A_281] : memref<16x16x640xf32, #tpu.memory_space<vmem_shared>> -> memref<1x1x640xf32, #tpu.memory_space<vmem_shared>>
    %dma_wait3A_283 = tpu.memref_squeeze %dma_wait3A_282 : memref<1x1x640xf32, #tpu.memory_space<vmem_shared>> -> memref<640xf32, #tpu.memory_space<vmem_shared>>
    %dma_wait3A_284 = arith.constant 0 : i32
    %dma_wait3A_285 = tpu.memref_slice %arg7[%dma_wait3A_278, %arg1, %dma_wait3A_284] : memref<16x16x640xf32, #tpu.memory_space<vmem_shared>> -> memref<1x1x640xf32, #tpu.memory_space<vmem_shared>>
    %dma_wait3A_286 = tpu.memref_squeeze %dma_wait3A_285 : memref<1x1x640xf32, #tpu.memory_space<vmem_shared>> -> memref<640xf32, #tpu.memory_space<vmem_shared>>
    %dma_wait3A_287 = arith.constant 640 : i32
    %dma_wait3A_288 = tpu.memref_slice %arg5[%dma_wait3A_287] : memref<10240xf32, #tpu.memory_space<vmem>> -> memref<640xf32, #tpu.memory_space<vmem>>
    tpu.wait_dma2 semaphore(%arg10 : memref<!tpu.dma_semaphore, #tpu.memory_space<semaphore_mem>>) src(%dma_wait3A_288 : memref<640xf32, #tpu.memory_space<vmem>>) dst(%dma_wait3A_286 : memref<640xf32, #tpu.memory_space<vmem_shared>>)
    %dma_wait3A_289 = arith.constant 2 : i32
    %dma_wait3A_290 = arith.constant 1280 : i32
    %dma_wait3A_291 = tpu.memref_slice %arg5[%dma_wait3A_290] : memref<10240xf32, #tpu.memory_space<vmem>> -> memref<640xf32, #tpu.memory_space<vmem>>
    %dma_wait3A_292 = arith.constant 0 : i32
    %dma_wait3A_293 = tpu.memref_slice %arg7[%dma_wait3A_289, %arg1, %dma_wait3A_292] : memref<16x16x640xf32, #tpu.memory_space<vmem_shared>> -> memref<1x1x640xf32, #tpu.memory_space<vmem_shared>>
    %dma_wait3A_294 = tpu.memref_squeeze %dma_wait3A_293 : memref<1x1x640xf32, #tpu.memory_space<vmem_shared>> -> memref<640xf32, #tpu.memory_space<vmem_shared>>
    %dma_wait3A_295 = arith.constant 0 : i32
    %dma_wait3A_296 = tpu.memref_slice %arg7[%dma_wait3A_289, %arg1, %dma_wait3A_295] : memref<16x16x640xf32, #tpu.memory_space<vmem_shared>> -> memref<1x1x640xf32, #tpu.memory_space<vmem_shared>>
    %dma_wait3A_297 = tpu.memref_squeeze %dma_wait3A_296 : memref<1x1x640xf32, #tpu.memory_space<vmem_shared>> -> memref<640xf32, #tpu.memory_space<vmem_shared>>
    %dma_wait3A_298 = arith.constant 1280 : i32
    %dma_wait3A_299 = tpu.memref_slice %arg5[%dma_wait3A_298] : memref<10240xf32, #tpu.memory_space<vmem>> -> memref<640xf32, #tpu.memory_space<vmem>>
    tpu.wait_dma2 semaphore(%arg10 : memref<!tpu.dma_semaphore, #tpu.memory_space<semaphore_mem>>) src(%dma_wait3A_299 : memref<640xf32, #tpu.memory_space<vmem>>) dst(%dma_wait3A_297 : memref<640xf32, #tpu.memory_space<vmem_shared>>)
    %dma_wait3A_300 = arith.constant 3 : i32
    %dma_wait3A_301 = arith.constant 1920 : i32
    %dma_wait3A_302 = tpu.memref_slice %arg5[%dma_wait3A_301] : memref<10240xf32, #tpu.memory_space<vmem>> -> memref<640xf32, #tpu.memory_space<vmem>>
    %dma_wait3A_303 = arith.constant 0 : i32
    %dma_wait3A_304 = tpu.memref_slice %arg7[%dma_wait3A_300, %arg1, %dma_wait3A_303] : memref<16x16x640xf32, #tpu.memory_space<vmem_shared>> -> memref<1x1x640xf32, #tpu.memory_space<vmem_shared>>
    %dma_wait3A_305 = tpu.memref_squeeze %dma_wait3A_304 : memref<1x1x640xf32, #tpu.memory_space<vmem_shared>> -> memref<640xf32, #tpu.memory_space<vmem_shared>>
    %dma_wait3A_306 = arith.constant 0 : i32
    %dma_wait3A_307 = tpu.memref_slice %arg7[%dma_wait3A_300, %arg1, %dma_wait3A_306] : memref<16x16x640xf32, #tpu.memory_space<vmem_shared>> -> memref<1x1x640xf32, #tpu.memory_space<vmem_shared>>
    %dma_wait3A_308 = tpu.memref_squeeze %dma_wait3A_307 : memref<1x1x640xf32, #tpu.memory_space<vmem_shared>> -> memref<640xf32, #tpu.memory_space<vmem_shared>>
    %dma_wait3A_309 = arith.constant 1920 : i32
    %dma_wait3A_310 = tpu.memref_slice %arg5[%dma_wait3A_309] : memref<10240xf32, #tpu.memory_space<vmem>> -> memref<640xf32, #tpu.memory_space<vmem>>
    tpu.wait_dma2 semaphore(%arg10 : memref<!tpu.dma_semaphore, #tpu.memory_space<semaphore_mem>>) src(%dma_wait3A_310 : memref<640xf32, #tpu.memory_space<vmem>>) dst(%dma_wait3A_308 : memref<640xf32, #tpu.memory_space<vmem_shared>>)
    %dma_wait3A_311 = arith.constant 4 : i32
    %dma_wait3A_312 = arith.constant 2560 : i32
    %dma_wait3A_313 = tpu.memref_slice %arg5[%dma_wait3A_312] : memref<10240xf32, #tpu.memory_space<vmem>> -> memref<640xf32, #tpu.memory_space<vmem>>
    %dma_wait3A_314 = arith.constant 0 : i32
    %dma_wait3A_315 = tpu.memref_slice %arg7[%dma_wait3A_311, %arg1, %dma_wait3A_314] : memref<16x16x640xf32, #tpu.memory_space<vmem_shared>> -> memref<1x1x640xf32, #tpu.memory_space<vmem_shared>>
    %dma_wait3A_316 = tpu.memref_squeeze %dma_wait3A_315 : memref<1x1x640xf32, #tpu.memory_space<vmem_shared>> -> memref<640xf32, #tpu.memory_space<vmem_shared>>
    %dma_wait3A_317 = arith.constant 0 : i32
    %dma_wait3A_318 = tpu.memref_slice %arg7[%dma_wait3A_311, %arg1, %dma_wait3A_317] : memref<16x16x640xf32, #tpu.memory_space<vmem_shared>> -> memref<1x1x640xf32, #tpu.memory_space<vmem_shared>>
    %dma_wait3A_319 = tpu.memref_squeeze %dma_wait3A_318 : memref<1x1x640xf32, #tpu.memory_space<vmem_shared>> -> memref<640xf32, #tpu.memory_space<vmem_shared>>
    %dma_wait3A_320 = arith.constant 2560 : i32
    %dma_wait3A_321 = tpu.memref_slice %arg5[%dma_wait3A_320] : memref<10240xf32, #tpu.memory_space<vmem>> -> memref<640xf32, #tpu.memory_space<vmem>>
    tpu.wait_dma2 semaphore(%arg10 : memref<!tpu.dma_semaphore, #tpu.memory_space<semaphore_mem>>) src(%dma_wait3A_321 : memref<640xf32, #tpu.memory_space<vmem>>) dst(%dma_wait3A_319 : memref<640xf32, #tpu.memory_space<vmem_shared>>)
    %dma_wait3A_322 = arith.constant 5 : i32
    %dma_wait3A_323 = arith.constant 3200 : i32
    %dma_wait3A_324 = tpu.memref_slice %arg5[%dma_wait3A_323] : memref<10240xf32, #tpu.memory_space<vmem>> -> memref<640xf32, #tpu.memory_space<vmem>>
    %dma_wait3A_325 = arith.constant 0 : i32
    %dma_wait3A_326 = tpu.memref_slice %arg7[%dma_wait3A_322, %arg1, %dma_wait3A_325] : memref<16x16x640xf32, #tpu.memory_space<vmem_shared>> -> memref<1x1x640xf32, #tpu.memory_space<vmem_shared>>
    %dma_wait3A_327 = tpu.memref_squeeze %dma_wait3A_326 : memref<1x1x640xf32, #tpu.memory_space<vmem_shared>> -> memref<640xf32, #tpu.memory_space<vmem_shared>>
    %dma_wait3A_328 = arith.constant 0 : i32
    %dma_wait3A_329 = tpu.memref_slice %arg7[%dma_wait3A_322, %arg1, %dma_wait3A_328] : memref<16x16x640xf32, #tpu.memory_space<vmem_shared>> -> memref<1x1x640xf32, #tpu.memory_space<vmem_shared>>
    %dma_wait3A_330 = tpu.memref_squeeze %dma_wait3A_329 : memref<1x1x640xf32, #tpu.memory_space<vmem_shared>> -> memref<640xf32, #tpu.memory_space<vmem_shared>>
    %dma_wait3A_331 = arith.constant 3200 : i32
    %dma_wait3A_332 = tpu.memref_slice %arg5[%dma_wait3A_331] : memref<10240xf32, #tpu.memory_space<vmem>> -> memref<640xf32, #tpu.memory_space<vmem>>
    tpu.wait_dma2 semaphore(%arg10 : memref<!tpu.dma_semaphore, #tpu.memory_space<semaphore_mem>>) src(%dma_wait3A_332 : memref<640xf32, #tpu.memory_space<vmem>>) dst(%dma_wait3A_330 : memref<640xf32, #tpu.memory_space<vmem_shared>>)
    %dma_wait3A_333 = arith.constant 6 : i32
    %dma_wait3A_334 = arith.constant 3840 : i32
    %dma_wait3A_335 = tpu.memref_slice %arg5[%dma_wait3A_334] : memref<10240xf32, #tpu.memory_space<vmem>> -> memref<640xf32, #tpu.memory_space<vmem>>
    %dma_wait3A_336 = arith.constant 0 : i32
    %dma_wait3A_337 = tpu.memref_slice %arg7[%dma_wait3A_333, %arg1, %dma_wait3A_336] : memref<16x16x640xf32, #tpu.memory_space<vmem_shared>> -> memref<1x1x640xf32, #tpu.memory_space<vmem_shared>>
    %dma_wait3A_338 = tpu.memref_squeeze %dma_wait3A_337 : memref<1x1x640xf32, #tpu.memory_space<vmem_shared>> -> memref<640xf32, #tpu.memory_space<vmem_shared>>
    %dma_wait3A_339 = arith.constant 0 : i32
    %dma_wait3A_340 = tpu.memref_slice %arg7[%dma_wait3A_333, %arg1, %dma_wait3A_339] : memref<16x16x640xf32, #tpu.memory_space<vmem_shared>> -> memref<1x1x640xf32, #tpu.memory_space<vmem_shared>>
    %dma_wait3A_341 = tpu.memref_squeeze %dma_wait3A_340 : memref<1x1x640xf32, #tpu.memory_space<vmem_shared>> -> memref<640xf32, #tpu.memory_space<vmem_shared>>
    %dma_wait3A_342 = arith.constant 3840 : i32
    %dma_wait3A_343 = tpu.memref_slice %arg5[%dma_wait3A_342] : memref<10240xf32, #tpu.memory_space<vmem>> -> memref<640xf32, #tpu.memory_space<vmem>>
    tpu.wait_dma2 semaphore(%arg10 : memref<!tpu.dma_semaphore, #tpu.memory_space<semaphore_mem>>) src(%dma_wait3A_343 : memref<640xf32, #tpu.memory_space<vmem>>) dst(%dma_wait3A_341 : memref<640xf32, #tpu.memory_space<vmem_shared>>)
    %dma_wait3A_344 = arith.constant 7 : i32
    %dma_wait3A_345 = arith.constant 4480 : i32
    %dma_wait3A_346 = tpu.memref_slice %arg5[%dma_wait3A_345] : memref<10240xf32, #tpu.memory_space<vmem>> -> memref<640xf32, #tpu.memory_space<vmem>>
    %dma_wait3A_347 = arith.constant 0 : i32
    %dma_wait3A_348 = tpu.memref_slice %arg7[%dma_wait3A_344, %arg1, %dma_wait3A_347] : memref<16x16x640xf32, #tpu.memory_space<vmem_shared>> -> memref<1x1x640xf32, #tpu.memory_space<vmem_shared>>
    %dma_wait3A_349 = tpu.memref_squeeze %dma_wait3A_348 : memref<1x1x640xf32, #tpu.memory_space<vmem_shared>> -> memref<640xf32, #tpu.memory_space<vmem_shared>>
    %dma_wait3A_350 = arith.constant 0 : i32
    %dma_wait3A_351 = tpu.memref_slice %arg7[%dma_wait3A_344, %arg1, %dma_wait3A_350] : memref<16x16x640xf32, #tpu.memory_space<vmem_shared>> -> memref<1x1x640xf32, #tpu.memory_space<vmem_shared>>
    %dma_wait3A_352 = tpu.memref_squeeze %dma_wait3A_351 : memref<1x1x640xf32, #tpu.memory_space<vmem_shared>> -> memref<640xf32, #tpu.memory_space<vmem_shared>>
    %dma_wait3A_353 = arith.constant 4480 : i32
    %dma_wait3A_354 = tpu.memref_slice %arg5[%dma_wait3A_353] : memref<10240xf32, #tpu.memory_space<vmem>> -> memref<640xf32, #tpu.memory_space<vmem>>
    tpu.wait_dma2 semaphore(%arg10 : memref<!tpu.dma_semaphore, #tpu.memory_space<semaphore_mem>>) src(%dma_wait3A_354 : memref<640xf32, #tpu.memory_space<vmem>>) dst(%dma_wait3A_352 : memref<640xf32, #tpu.memory_space<vmem_shared>>)
    %dma_wait3A_355 = arith.constant 8 : i32
    %dma_wait3A_356 = arith.constant 5120 : i32
    %dma_wait3A_357 = tpu.memref_slice %arg5[%dma_wait3A_356] : memref<10240xf32, #tpu.memory_space<vmem>> -> memref<640xf32, #tpu.memory_space<vmem>>
    %dma_wait3A_358 = arith.constant 0 : i32
    %dma_wait3A_359 = tpu.memref_slice %arg7[%dma_wait3A_355, %arg1, %dma_wait3A_358] : memref<16x16x640xf32, #tpu.memory_space<vmem_shared>> -> memref<1x1x640xf32, #tpu.memory_space<vmem_shared>>
    %dma_wait3A_360 = tpu.memref_squeeze %dma_wait3A_359 : memref<1x1x640xf32, #tpu.memory_space<vmem_shared>> -> memref<640xf32, #tpu.memory_space<vmem_shared>>
    %dma_wait3A_361 = arith.constant 0 : i32
    %dma_wait3A_362 = tpu.memref_slice %arg7[%dma_wait3A_355, %arg1, %dma_wait3A_361] : memref<16x16x640xf32, #tpu.memory_space<vmem_shared>> -> memref<1x1x640xf32, #tpu.memory_space<vmem_shared>>
    %dma_wait3A_363 = tpu.memref_squeeze %dma_wait3A_362 : memref<1x1x640xf32, #tpu.memory_space<vmem_shared>> -> memref<640xf32, #tpu.memory_space<vmem_shared>>
    %dma_wait3A_364 = arith.constant 5120 : i32
    %dma_wait3A_365 = tpu.memref_slice %arg5[%dma_wait3A_364] : memref<10240xf32, #tpu.memory_space<vmem>> -> memref<640xf32, #tpu.memory_space<vmem>>
    tpu.wait_dma2 semaphore(%arg10 : memref<!tpu.dma_semaphore, #tpu.memory_space<semaphore_mem>>) src(%dma_wait3A_365 : memref<640xf32, #tpu.memory_space<vmem>>) dst(%dma_wait3A_363 : memref<640xf32, #tpu.memory_space<vmem_shared>>)
    %dma_wait3A_366 = arith.constant 9 : i32
    %dma_wait3A_367 = arith.constant 5760 : i32
    %dma_wait3A_368 = tpu.memref_slice %arg5[%dma_wait3A_367] : memref<10240xf32, #tpu.memory_space<vmem>> -> memref<640xf32, #tpu.memory_space<vmem>>
    %dma_wait3A_369 = arith.constant 0 : i32
    %dma_wait3A_370 = tpu.memref_slice %arg7[%dma_wait3A_366, %arg1, %dma_wait3A_369] : memref<16x16x640xf32, #tpu.memory_space<vmem_shared>> -> memref<1x1x640xf32, #tpu.memory_space<vmem_shared>>
    %dma_wait3A_371 = tpu.memref_squeeze %dma_wait3A_370 : memref<1x1x640xf32, #tpu.memory_space<vmem_shared>> -> memref<640xf32, #tpu.memory_space<vmem_shared>>
    %dma_wait3A_372 = arith.constant 0 : i32
    %dma_wait3A_373 = tpu.memref_slice %arg7[%dma_wait3A_366, %arg1, %dma_wait3A_372] : memref<16x16x640xf32, #tpu.memory_space<vmem_shared>> -> memref<1x1x640xf32, #tpu.memory_space<vmem_shared>>
    %dma_wait3A_374 = tpu.memref_squeeze %dma_wait3A_373 : memref<1x1x640xf32, #tpu.memory_space<vmem_shared>> -> memref<640xf32, #tpu.memory_space<vmem_shared>>
    %dma_wait3A_375 = arith.constant 5760 : i32
    %dma_wait3A_376 = tpu.memref_slice %arg5[%dma_wait3A_375] : memref<10240xf32, #tpu.memory_space<vmem>> -> memref<640xf32, #tpu.memory_space<vmem>>
    tpu.wait_dma2 semaphore(%arg10 : memref<!tpu.dma_semaphore, #tpu.memory_space<semaphore_mem>>) src(%dma_wait3A_376 : memref<640xf32, #tpu.memory_space<vmem>>) dst(%dma_wait3A_374 : memref<640xf32, #tpu.memory_space<vmem_shared>>)
    %dma_wait3A_377 = arith.constant 10 : i32
    %dma_wait3A_378 = arith.constant 6400 : i32
    %dma_wait3A_379 = tpu.memref_slice %arg5[%dma_wait3A_378] : memref<10240xf32, #tpu.memory_space<vmem>> -> memref<640xf32, #tpu.memory_space<vmem>>
    %dma_wait3A_380 = arith.constant 0 : i32
    %dma_wait3A_381 = tpu.memref_slice %arg7[%dma_wait3A_377, %arg1, %dma_wait3A_380] : memref<16x16x640xf32, #tpu.memory_space<vmem_shared>> -> memref<1x1x640xf32, #tpu.memory_space<vmem_shared>>
    %dma_wait3A_382 = tpu.memref_squeeze %dma_wait3A_381 : memref<1x1x640xf32, #tpu.memory_space<vmem_shared>> -> memref<640xf32, #tpu.memory_space<vmem_shared>>
    %dma_wait3A_383 = arith.constant 0 : i32
    %dma_wait3A_384 = tpu.memref_slice %arg7[%dma_wait3A_377, %arg1, %dma_wait3A_383] : memref<16x16x640xf32, #tpu.memory_space<vmem_shared>> -> memref<1x1x640xf32, #tpu.memory_space<vmem_shared>>
    %dma_wait3A_385 = tpu.memref_squeeze %dma_wait3A_384 : memref<1x1x640xf32, #tpu.memory_space<vmem_shared>> -> memref<640xf32, #tpu.memory_space<vmem_shared>>
    %dma_wait3A_386 = arith.constant 6400 : i32
    %dma_wait3A_387 = tpu.memref_slice %arg5[%dma_wait3A_386] : memref<10240xf32, #tpu.memory_space<vmem>> -> memref<640xf32, #tpu.memory_space<vmem>>
    tpu.wait_dma2 semaphore(%arg10 : memref<!tpu.dma_semaphore, #tpu.memory_space<semaphore_mem>>) src(%dma_wait3A_387 : memref<640xf32, #tpu.memory_space<vmem>>) dst(%dma_wait3A_385 : memref<640xf32, #tpu.memory_space<vmem_shared>>)
    %dma_wait3A_388 = arith.constant 11 : i32
    %dma_wait3A_389 = arith.constant 7040 : i32
    %dma_wait3A_390 = tpu.memref_slice %arg5[%dma_wait3A_389] : memref<10240xf32, #tpu.memory_space<vmem>> -> memref<640xf32, #tpu.memory_space<vmem>>
    %dma_wait3A_391 = arith.constant 0 : i32
    %dma_wait3A_392 = tpu.memref_slice %arg7[%dma_wait3A_388, %arg1, %dma_wait3A_391] : memref<16x16x640xf32, #tpu.memory_space<vmem_shared>> -> memref<1x1x640xf32, #tpu.memory_space<vmem_shared>>
    %dma_wait3A_393 = tpu.memref_squeeze %dma_wait3A_392 : memref<1x1x640xf32, #tpu.memory_space<vmem_shared>> -> memref<640xf32, #tpu.memory_space<vmem_shared>>
    %dma_wait3A_394 = arith.constant 0 : i32
    %dma_wait3A_395 = tpu.memref_slice %arg7[%dma_wait3A_388, %arg1, %dma_wait3A_394] : memref<16x16x640xf32, #tpu.memory_space<vmem_shared>> -> memref<1x1x640xf32, #tpu.memory_space<vmem_shared>>
    %dma_wait3A_396 = tpu.memref_squeeze %dma_wait3A_395 : memref<1x1x640xf32, #tpu.memory_space<vmem_shared>> -> memref<640xf32, #tpu.memory_space<vmem_shared>>
    %dma_wait3A_397 = arith.constant 7040 : i32
    %dma_wait3A_398 = tpu.memref_slice %arg5[%dma_wait3A_397] : memref<10240xf32, #tpu.memory_space<vmem>> -> memref<640xf32, #tpu.memory_space<vmem>>
    tpu.wait_dma2 semaphore(%arg10 : memref<!tpu.dma_semaphore, #tpu.memory_space<semaphore_mem>>) src(%dma_wait3A_398 : memref<640xf32, #tpu.memory_space<vmem>>) dst(%dma_wait3A_396 : memref<640xf32, #tpu.memory_space<vmem_shared>>)
    %dma_wait3A_399 = arith.constant 12 : i32
    %dma_wait3A_400 = arith.constant 7680 : i32
    %dma_wait3A_401 = tpu.memref_slice %arg5[%dma_wait3A_400] : memref<10240xf32, #tpu.memory_space<vmem>> -> memref<640xf32, #tpu.memory_space<vmem>>
    %dma_wait3A_402 = arith.constant 0 : i32
    %dma_wait3A_403 = tpu.memref_slice %arg7[%dma_wait3A_399, %arg1, %dma_wait3A_402] : memref<16x16x640xf32, #tpu.memory_space<vmem_shared>> -> memref<1x1x640xf32, #tpu.memory_space<vmem_shared>>
    %dma_wait3A_404 = tpu.memref_squeeze %dma_wait3A_403 : memref<1x1x640xf32, #tpu.memory_space<vmem_shared>> -> memref<640xf32, #tpu.memory_space<vmem_shared>>
    %dma_wait3A_405 = arith.constant 0 : i32
    %dma_wait3A_406 = tpu.memref_slice %arg7[%dma_wait3A_399, %arg1, %dma_wait3A_405] : memref<16x16x640xf32, #tpu.memory_space<vmem_shared>> -> memref<1x1x640xf32, #tpu.memory_space<vmem_shared>>
    %dma_wait3A_407 = tpu.memref_squeeze %dma_wait3A_406 : memref<1x1x640xf32, #tpu.memory_space<vmem_shared>> -> memref<640xf32, #tpu.memory_space<vmem_shared>>
    %dma_wait3A_408 = arith.constant 7680 : i32
    %dma_wait3A_409 = tpu.memref_slice %arg5[%dma_wait3A_408] : memref<10240xf32, #tpu.memory_space<vmem>> -> memref<640xf32, #tpu.memory_space<vmem>>
    tpu.wait_dma2 semaphore(%arg10 : memref<!tpu.dma_semaphore, #tpu.memory_space<semaphore_mem>>) src(%dma_wait3A_409 : memref<640xf32, #tpu.memory_space<vmem>>) dst(%dma_wait3A_407 : memref<640xf32, #tpu.memory_space<vmem_shared>>)
    %dma_wait3A_410 = arith.constant 13 : i32
    %dma_wait3A_411 = arith.constant 8320 : i32
    %dma_wait3A_412 = tpu.memref_slice %arg5[%dma_wait3A_411] : memref<10240xf32, #tpu.memory_space<vmem>> -> memref<640xf32, #tpu.memory_space<vmem>>
    %dma_wait3A_413 = arith.constant 0 : i32
    %dma_wait3A_414 = tpu.memref_slice %arg7[%dma_wait3A_410, %arg1, %dma_wait3A_413] : memref<16x16x640xf32, #tpu.memory_space<vmem_shared>> -> memref<1x1x640xf32, #tpu.memory_space<vmem_shared>>
    %dma_wait3A_415 = tpu.memref_squeeze %dma_wait3A_414 : memref<1x1x640xf32, #tpu.memory_space<vmem_shared>> -> memref<640xf32, #tpu.memory_space<vmem_shared>>
    %dma_wait3A_416 = arith.constant 0 : i32
    %dma_wait3A_417 = tpu.memref_slice %arg7[%dma_wait3A_410, %arg1, %dma_wait3A_416] : memref<16x16x640xf32, #tpu.memory_space<vmem_shared>> -> memref<1x1x640xf32, #tpu.memory_space<vmem_shared>>
    %dma_wait3A_418 = tpu.memref_squeeze %dma_wait3A_417 : memref<1x1x640xf32, #tpu.memory_space<vmem_shared>> -> memref<640xf32, #tpu.memory_space<vmem_shared>>
    %dma_wait3A_419 = arith.constant 8320 : i32
    %dma_wait3A_420 = tpu.memref_slice %arg5[%dma_wait3A_419] : memref<10240xf32, #tpu.memory_space<vmem>> -> memref<640xf32, #tpu.memory_space<vmem>>
    tpu.wait_dma2 semaphore(%arg10 : memref<!tpu.dma_semaphore, #tpu.memory_space<semaphore_mem>>) src(%dma_wait3A_420 : memref<640xf32, #tpu.memory_space<vmem>>) dst(%dma_wait3A_418 : memref<640xf32, #tpu.memory_space<vmem_shared>>)
    %dma_wait3A_421 = arith.constant 14 : i32
    %dma_wait3A_422 = arith.constant 8960 : i32
    %dma_wait3A_423 = tpu.memref_slice %arg5[%dma_wait3A_422] : memref<10240xf32, #tpu.memory_space<vmem>> -> memref<640xf32, #tpu.memory_space<vmem>>
    %dma_wait3A_424 = arith.constant 0 : i32
    %dma_wait3A_425 = tpu.memref_slice %arg7[%dma_wait3A_421, %arg1, %dma_wait3A_424] : memref<16x16x640xf32, #tpu.memory_space<vmem_shared>> -> memref<1x1x640xf32, #tpu.memory_space<vmem_shared>>
    %dma_wait3A_426 = tpu.memref_squeeze %dma_wait3A_425 : memref<1x1x640xf32, #tpu.memory_space<vmem_shared>> -> memref<640xf32, #tpu.memory_space<vmem_shared>>
    %dma_wait3A_427 = arith.constant 0 : i32
    %dma_wait3A_428 = tpu.memref_slice %arg7[%dma_wait3A_421, %arg1, %dma_wait3A_427] : memref<16x16x640xf32, #tpu.memory_space<vmem_shared>> -> memref<1x1x640xf32, #tpu.memory_space<vmem_shared>>
    %dma_wait3A_429 = tpu.memref_squeeze %dma_wait3A_428 : memref<1x1x640xf32, #tpu.memory_space<vmem_shared>> -> memref<640xf32, #tpu.memory_space<vmem_shared>>
    %dma_wait3A_430 = arith.constant 8960 : i32
    %dma_wait3A_431 = tpu.memref_slice %arg5[%dma_wait3A_430] : memref<10240xf32, #tpu.memory_space<vmem>> -> memref<640xf32, #tpu.memory_space<vmem>>
    tpu.wait_dma2 semaphore(%arg10 : memref<!tpu.dma_semaphore, #tpu.memory_space<semaphore_mem>>) src(%dma_wait3A_431 : memref<640xf32, #tpu.memory_space<vmem>>) dst(%dma_wait3A_429 : memref<640xf32, #tpu.memory_space<vmem_shared>>)
    %dma_wait3A_432 = arith.constant 15 : i32
    %dma_wait3A_433 = arith.constant 9600 : i32
    %dma_wait3A_434 = tpu.memref_slice %arg5[%dma_wait3A_433] : memref<10240xf32, #tpu.memory_space<vmem>> -> memref<640xf32, #tpu.memory_space<vmem>>
    %dma_wait3A_435 = arith.constant 0 : i32
    %dma_wait3A_436 = tpu.memref_slice %arg7[%dma_wait3A_432, %arg1, %dma_wait3A_435] : memref<16x16x640xf32, #tpu.memory_space<vmem_shared>> -> memref<1x1x640xf32, #tpu.memory_space<vmem_shared>>
    %dma_wait3A_437 = tpu.memref_squeeze %dma_wait3A_436 : memref<1x1x640xf32, #tpu.memory_space<vmem_shared>> -> memref<640xf32, #tpu.memory_space<vmem_shared>>
    %dma_wait3A_438 = arith.constant 0 : i32
    %dma_wait3A_439 = tpu.memref_slice %arg7[%dma_wait3A_432, %arg1, %dma_wait3A_438] : memref<16x16x640xf32, #tpu.memory_space<vmem_shared>> -> memref<1x1x640xf32, #tpu.memory_space<vmem_shared>>
    %dma_wait3A_440 = tpu.memref_squeeze %dma_wait3A_439 : memref<1x1x640xf32, #tpu.memory_space<vmem_shared>> -> memref<640xf32, #tpu.memory_space<vmem_shared>>
    %dma_wait3A_441 = arith.constant 9600 : i32
    %dma_wait3A_442 = tpu.memref_slice %arg5[%dma_wait3A_441] : memref<10240xf32, #tpu.memory_space<vmem>> -> memref<640xf32, #tpu.memory_space<vmem>>
    tpu.wait_dma2 semaphore(%arg10 : memref<!tpu.dma_semaphore, #tpu.memory_space<semaphore_mem>>) src(%dma_wait3A_442 : memref<640xf32, #tpu.memory_space<vmem>>) dst(%dma_wait3A_440 : memref<640xf32, #tpu.memory_space<vmem_shared>>)
    %barrier3A = arith.constant 0 : index
    tpu.barrier barrier_id(%barrier3A)
    "tpu.region"() ({
      %run_scoped3A = tpu.sem_alloc : memref<!tpu.dma_semaphore, #tpu.memory_space<semaphore_mem>>
      %dma_start3A_454 = arith.constant 0 : i32
      %dma_start3A_455 = arith.constant 0 : i32
      %dma_start3A_456 = tpu.memref_slice %arg7[%arg1, %dma_start3A_454, %dma_start3A_455] : memref<16x16x640xf32, #tpu.memory_space<vmem_shared>> -> memref<1x16x640xf32, #tpu.memory_space<vmem_shared>>
      %dma_start3A_457 = tpu.memref_squeeze %dma_start3A_456 : memref<1x16x640xf32, #tpu.memory_space<vmem_shared>> -> memref<16x640xf32, #tpu.memory_space<vmem_shared>>
      %dma_start3A_458 = arith.constant 0 : i32
      %dma_start3A_459 = arith.constant 0 : i32
      %dma_start3A_460 = tpu.memref_slice %arg7[%arg1, %dma_start3A_458, %dma_start3A_459] : memref<16x16x640xf32, #tpu.memory_space<vmem_shared>> -> memref<1x16x640xf32, #tpu.memory_space<vmem_shared>>
      %dma_start3A_461 = tpu.memref_squeeze %dma_start3A_460 : memref<1x16x640xf32, #tpu.memory_space<vmem_shared>> -> memref<16x640xf32, #tpu.memory_space<vmem_shared>>
      tpu.enqueue_dma source(%dma_start3A_461 : memref<16x640xf32, #tpu.memory_space<vmem_shared>>) target(%arg6 : memref<16x640xf32, #tpu.memory_space<vmem>>) target_semaphore(%run_scoped3A : memref<!tpu.dma_semaphore, #tpu.memory_space<semaphore_mem>>)
      %dma_wait3A_462 = arith.constant 0 : i32
      %dma_wait3A_463 = arith.constant 0 : i32
      %dma_wait3A_464 = tpu.memref_slice %arg7[%arg1, %dma_wait3A_462, %dma_wait3A_463] : memref<16x16x640xf32, #tpu.memory_space<vmem_shared>> -> memref<1x16x640xf32, #tpu.memory_space<vmem_shared>>
      %dma_wait3A_465 = tpu.memref_squeeze %dma_wait3A_464 : memref<1x16x640xf32, #tpu.memory_space<vmem_shared>> -> memref<16x640xf32, #tpu.memory_space<vmem_shared>>
      %dma_wait3A_466 = arith.constant 0 : i32
      %dma_wait3A_467 = arith.constant 0 : i32
      %dma_wait3A_468 = tpu.memref_slice %arg7[%arg1, %dma_wait3A_466, %dma_wait3A_467] : memref<16x16x640xf32, #tpu.memory_space<vmem_shared>> -> memref<1x16x640xf32, #tpu.memory_space<vmem_shared>>
      %dma_wait3A_469 = tpu.memref_squeeze %dma_wait3A_468 : memref<1x16x640xf32, #tpu.memory_space<vmem_shared>> -> memref<16x640xf32, #tpu.memory_space<vmem_shared>>
      tpu.wait_dma2 semaphore(%run_scoped3A : memref<!tpu.dma_semaphore, #tpu.memory_space<semaphore_mem>>) src(%dma_wait3A_469 : memref<16x640xf32, #tpu.memory_space<vmem_shared>>) dst(%arg6 : memref<16x640xf32, #tpu.memory_space<vmem>>)
      tpu.yield
    }) : () -> ()
    %scan3A_443 = arith.constant 0 : i32
    %scan3A_444 = arith.constant 0 : i32
    %scan3A_445 = arith.constant 40 : i32
    %scan3A_446 = arith.addi %scan3A_444, %scan3A_445 : i32
    %scan3A_447 = arith.constant 1 : i32
    scf.for %scan3A_454 = %scan3A_444 to %scan3A_446 step %scan3A_447  : i32 {
      %mul3A_455 = arith.constant 16 : i32
      %mul3A_456 = arith.muli %scan3A_454, %mul3A_455 : i32
      %get3A = arith.constant 0 : i32
      %get3A_457 = arith.index_cast %get3A : i32 to index
      %get3A_458 = arith.index_cast %mul3A_456 : i32 to index
      %get3A_459 = tpu.vector_load %arg6[%get3A_457, %get3A_458] {strides = array<i32>} : memref<16x640xf32, #tpu.memory_space<vmem>>, vector<16xf32>,
      %add3A_460 = arith.addf %broadcast_in_dim3A_19, %get3A_459 : vector<16xf32>
      %mul3A_461 = arith.constant 16 : i32
      %mul3A_462 = arith.muli %scan3A_454, %mul3A_461 : i32
      %get3A_463 = arith.constant 1 : i32
      %get3A_464 = arith.index_cast %get3A_463 : i32 to index
      %get3A_465 = arith.index_cast %mul3A_462 : i32 to index
      %get3A_466 = tpu.vector_load %arg6[%get3A_464, %get3A_465] {strides = array<i32>} : memref<16x640xf32, #tpu.memory_space<vmem>>, vector<16xf32>,
      %add3A_467 = arith.addf %add3A_460, %get3A_466 : vector<16xf32>
      %mul3A_468 = arith.constant 16 : i32
      %mul3A_469 = arith.muli %scan3A_454, %mul3A_468 : i32
      %get3A_470 = arith.constant 2 : i32
      %get3A_471 = arith.index_cast %get3A_470 : i32 to index
      %get3A_472 = arith.index_cast %mul3A_469 : i32 to index
      %get3A_473 = tpu.vector_load %arg6[%get3A_471, %get3A_472] {strides = array<i32>} : memref<16x640xf32, #tpu.memory_space<vmem>>, vector<16xf32>,
      %add3A_474 = arith.addf %add3A_467, %get3A_473 : vector<16xf32>
      %mul3A_475 = arith.constant 16 : i32
      %mul3A_476 = arith.muli %scan3A_454, %mul3A_475 : i32
      %get3A_477 = arith.constant 3 : i32
      %get3A_478 = arith.index_cast %get3A_477 : i32 to index
      %get3A_479 = arith.index_cast %mul3A_476 : i32 to index
      %get3A_480 = tpu.vector_load %arg6[%get3A_478, %get3A_479] {strides = array<i32>} : memref<16x640xf32, #tpu.memory_space<vmem>>, vector<16xf32>,
      %add3A_481 = arith.addf %add3A_474, %get3A_480 : vector<16xf32>
      %mul3A_482 = arith.constant 16 : i32
      %mul3A_483 = arith.muli %scan3A_454, %mul3A_482 : i32
      %get3A_484 = arith.constant 4 : i32
      %get3A_485 = arith.index_cast %get3A_484 : i32 to index
      %get3A_486 = arith.index_cast %mul3A_483 : i32 to index
      %get3A_487 = tpu.vector_load %arg6[%get3A_485, %get3A_486] {strides = array<i32>} : memref<16x640xf32, #tpu.memory_space<vmem>>, vector<16xf32>,
      %add3A_488 = arith.addf %add3A_481, %get3A_487 : vector<16xf32>
      %mul3A_489 = arith.constant 16 : i32
      %mul3A_490 = arith.muli %scan3A_454, %mul3A_489 : i32
      %get3A_491 = arith.constant 5 : i32
      %get3A_492 = arith.index_cast %get3A_491 : i32 to index
      %get3A_493 = arith.index_cast %mul3A_490 : i32 to index
      %get3A_494 = tpu.vector_load %arg6[%get3A_492, %get3A_493] {strides = array<i32>} : memref<16x640xf32, #tpu.memory_space<vmem>>, vector<16xf32>,
      %add3A_495 = arith.addf %add3A_488, %get3A_494 : vector<16xf32>
      %mul3A_496 = arith.constant 16 : i32
      %mul3A_497 = arith.muli %scan3A_454, %mul3A_496 : i32
      %get3A_498 = arith.constant 6 : i32
      %get3A_499 = arith.index_cast %get3A_498 : i32 to index
      %get3A_500 = arith.index_cast %mul3A_497 : i32 to index
      %get3A_501 = tpu.vector_load %arg6[%get3A_499, %get3A_500] {strides = array<i32>} : memref<16x640xf32, #tpu.memory_space<vmem>>, vector<16xf32>,
      %add3A_502 = arith.addf %add3A_495, %get3A_501 : vector<16xf32>
      %mul3A_503 = arith.constant 16 : i32
      %mul3A_504 = arith.muli %scan3A_454, %mul3A_503 : i32
      %get3A_505 = arith.constant 7 : i32
      %get3A_506 = arith.index_cast %get3A_505 : i32 to index
      %get3A_507 = arith.index_cast %mul3A_504 : i32 to index
      %get3A_508 = tpu.vector_load %arg6[%get3A_506, %get3A_507] {strides = array<i32>} : memref<16x640xf32, #tpu.memory_space<vmem>>, vector<16xf32>,
      %add3A_509 = arith.addf %add3A_502, %get3A_508 : vector<16xf32>
      %mul3A_510 = arith.constant 16 : i32
      %mul3A_511 = arith.muli %scan3A_454, %mul3A_510 : i32
      %get3A_512 = arith.constant 8 : i32
      %get3A_513 = arith.index_cast %get3A_512 : i32 to index
      %get3A_514 = arith.index_cast %mul3A_511 : i32 to index
      %get3A_515 = tpu.vector_load %arg6[%get3A_513, %get3A_514] {strides = array<i32>} : memref<16x640xf32, #tpu.memory_space<vmem>>, vector<16xf32>,
      %add3A_516 = arith.addf %add3A_509, %get3A_515 : vector<16xf32>
      %mul3A_517 = arith.constant 16 : i32
      %mul3A_518 = arith.muli %scan3A_454, %mul3A_517 : i32
      %get3A_519 = arith.constant 9 : i32
      %get3A_520 = arith.index_cast %get3A_519 : i32 to index
      %get3A_521 = arith.index_cast %mul3A_518 : i32 to index
      %get3A_522 = tpu.vector_load %arg6[%get3A_520, %get3A_521] {strides = array<i32>} : memref<16x640xf32, #tpu.memory_space<vmem>>, vector<16xf32>,
      %add3A_523 = arith.addf %add3A_516, %get3A_522 : vector<16xf32>
      %mul3A_524 = arith.constant 16 : i32
      %mul3A_525 = arith.muli %scan3A_454, %mul3A_524 : i32
      %get3A_526 = arith.constant 10 : i32
      %get3A_527 = arith.index_cast %get3A_526 : i32 to index
      %get3A_528 = arith.index_cast %mul3A_525 : i32 to index
      %get3A_529 = tpu.vector_load %arg6[%get3A_527, %get3A_528] {strides = array<i32>} : memref<16x640xf32, #tpu.memory_space<vmem>>, vector<16xf32>,
      %add3A_530 = arith.addf %add3A_523, %get3A_529 : vector<16xf32>
      %mul3A_531 = arith.constant 16 : i32
      %mul3A_532 = arith.muli %scan3A_454, %mul3A_531 : i32
      %get3A_533 = arith.constant 11 : i32
      %get3A_534 = arith.index_cast %get3A_533 : i32 to index
      %get3A_535 = arith.index_cast %mul3A_532 : i32 to index
      %get3A_536 = tpu.vector_load %arg6[%get3A_534, %get3A_535] {strides = array<i32>} : memref<16x640xf32, #tpu.memory_space<vmem>>, vector<16xf32>,
      %add3A_537 = arith.addf %add3A_530, %get3A_536 : vector<16xf32>
      %mul3A_538 = arith.constant 16 : i32
      %mul3A_539 = arith.muli %scan3A_454, %mul3A_538 : i32
      %get3A_540 = arith.constant 12 : i32
      %get3A_541 = arith.index_cast %get3A_540 : i32 to index
      %get3A_542 = arith.index_cast %mul3A_539 : i32 to index
      %get3A_543 = tpu.vector_load %arg6[%get3A_541, %get3A_542] {strides = array<i32>} : memref<16x640xf32, #tpu.memory_space<vmem>>, vector<16xf32>,
      %add3A_544 = arith.addf %add3A_537, %get3A_543 : vector<16xf32>
      %mul3A_545 = arith.constant 16 : i32
      %mul3A_546 = arith.muli %scan3A_454, %mul3A_545 : i32
      %get3A_547 = arith.constant 13 : i32
      %get3A_548 = arith.index_cast %get3A_547 : i32 to index
      %get3A_549 = arith.index_cast %mul3A_546 : i32 to index
      %get3A_550 = tpu.vector_load %arg6[%get3A_548, %get3A_549] {strides = array<i32>} : memref<16x640xf32, #tpu.memory_space<vmem>>, vector<16xf32>,
      %add3A_551 = arith.addf %add3A_544, %get3A_550 : vector<16xf32>
      %mul3A_552 = arith.constant 16 : i32
      %mul3A_553 = arith.muli %scan3A_454, %mul3A_552 : i32
      %get3A_554 = arith.constant 14 : i32
      %get3A_555 = arith.index_cast %get3A_554 : i32 to index
      %get3A_556 = arith.index_cast %mul3A_553 : i32 to index
      %get3A_557 = tpu.vector_load %arg6[%get3A_555, %get3A_556] {strides = array<i32>} : memref<16x640xf32, #tpu.memory_space<vmem>>, vector<16xf32>,
      %add3A_558 = arith.addf %add3A_551, %get3A_557 : vector<16xf32>
      %mul3A_559 = arith.constant 16 : i32
      %mul3A_560 = arith.muli %scan3A_454, %mul3A_559 : i32
      %get3A_561 = arith.constant 15 : i32
      %get3A_562 = arith.index_cast %get3A_561 : i32 to index
      %get3A_563 = arith.index_cast %mul3A_560 : i32 to index
      %get3A_564 = tpu.vector_load %arg6[%get3A_562, %get3A_563] {strides = array<i32>} : memref<16x640xf32, #tpu.memory_space<vmem>>, vector<16xf32>,
      %add3A_565 = arith.addf %add3A_558, %get3A_564 : vector<16xf32>
      %mul3A_566 = arith.constant 16 : i32
      %mul3A_567 = arith.muli %scan3A_454, %mul3A_566 : i32
      %swap3A = arith.index_cast %mul3A_567 : i32 to index
      %swap3A_568 = tpu.vector_load %arg5[%swap3A] {strides = array<i32>} : memref<10240xf32, #tpu.memory_space<vmem>>, vector<16xf32>,
      tpu.vector_store %arg5[%swap3A], %add3A_565 {strides = array<i32>} : memref<10240xf32, #tpu.memory_space<vmem>>, vector<16xf32>,
    }
    %scan3A_448 = arith.constant 40 : i32
    %mul3A_449 = arith.constant 10240 : i32
    %mul3A_450 = arith.muli %arg0, %mul3A_449 : i32
    %mul3A_451 = arith.constant 640 : i32
    %mul3A_452 = arith.muli %arg1, %mul3A_451 : i32
    %add3A_453 = arith.addi %mul3A_450, %mul3A_452 : i32
    "tpu.region"() ({
      %run_scoped3A = tpu.sem_alloc : memref<!tpu.dma_semaphore, #tpu.memory_space<semaphore_mem>>
      %dma_start3A_454 = arith.constant 0 : i32
      %dma_start3A_455 = tpu.memref_slice %arg5[%dma_start3A_454] : memref<10240xf32, #tpu.memory_space<vmem>> -> memref<640xf32, #tpu.memory_space<vmem>>
      %dma_start3A_456 = tpu.memref_slice %arg3[%add3A_453] : memref<20480xf32, #tpu.memory_space<hbm>> -> memref<640xf32, #tpu.memory_space<hbm>>
      %dma_start3A_457 = tpu.memref_slice %arg3[%add3A_453] : memref<20480xf32, #tpu.memory_space<hbm>> -> memref<640xf32, #tpu.memory_space<hbm>>
      %dma_start3A_458 = arith.constant 0 : i32
      %dma_start3A_459 = tpu.memref_slice %arg5[%dma_start3A_458] : memref<10240xf32, #tpu.memory_space<vmem>> -> memref<640xf32, #tpu.memory_space<vmem>>
      tpu.enqueue_dma source(%dma_start3A_459 : memref<640xf32, #tpu.memory_space<vmem>>) target(%dma_start3A_457 : memref<640xf32, #tpu.memory_space<hbm>>) target_semaphore(%run_scoped3A : memref<!tpu.dma_semaphore, #tpu.memory_space<semaphore_mem>>)
      %dma_wait3A_460 = arith.constant 0 : i32
      %dma_wait3A_461 = tpu.memref_slice %arg5[%dma_wait3A_460] : memref<10240xf32, #tpu.memory_space<vmem>> -> memref<640xf32, #tpu.memory_space<vmem>>
      %dma_wait3A_462 = tpu.memref_slice %arg3[%add3A_453] : memref<20480xf32, #tpu.memory_space<hbm>> -> memref<640xf32, #tpu.memory_space<hbm>>
      %dma_wait3A_463 = tpu.memref_slice %arg3[%add3A_453] : memref<20480xf32, #tpu.memory_space<hbm>> -> memref<640xf32, #tpu.memory_space<hbm>>
      %dma_wait3A_464 = arith.constant 0 : i32
      %dma_wait3A_465 = tpu.memref_slice %arg5[%dma_wait3A_464] : memref<10240xf32, #tpu.memory_space<vmem>> -> memref<640xf32, #tpu.memory_space<vmem>>
      tpu.wait_dma2 semaphore(%run_scoped3A : memref<!tpu.dma_semaphore, #tpu.memory_space<semaphore_mem>>) src(%dma_wait3A_465 : memref<640xf32, #tpu.memory_space<vmem>>) dst(%dma_wait3A_463 : memref<640xf32, #tpu.memory_space<hbm>>)
      tpu.yield
    }) : () -> ()
    return
  }
}

module attributes {stable_mosaic.version = 14 : i64} {
  func.func @_tc_body(%arg0: memref<10000x128xf32, #tpu.memory_space<any>>, %arg1: memref<128x128xf32, #tpu.memory_space<vmem>>, %arg2: memref<128xf32, #tpu.memory_space<vmem>>, %arg3: memref<160x128xf32, #tpu.memory_space<vmem>>, %arg4: memref<10000x128xf32, #tpu.memory_space<any>>, %arg5: memref<10000x128xf32, #tpu.memory_space<vmem>>, %arg6: memref<10000x128xf32, #tpu.memory_space<vmem>>, %arg7: memref<5x!tpu.dma_semaphore, #tpu.memory_space<semaphore_mem>>, %arg8: memref<5x!tpu.dma_semaphore, #tpu.memory_space<semaphore_mem>>) attributes {dimension_semantics = [], scalar_prefetch = 0 : i64, scratch_operands = 4 : i64, tpu.core_type = #tpu.core_type<tc>} {
    %dma_start3A = arith.constant 0 : i32
    %dma_start3A_0 = tpu.memref_slice %arg7[%dma_start3A] : memref<5x!tpu.dma_semaphore, #tpu.memory_space<semaphore_mem>> -> memref<1x!tpu.dma_semaphore, #tpu.memory_space<semaphore_mem>>
    %dma_start3A_1 = tpu.memref_squeeze %dma_start3A_0 : memref<1x!tpu.dma_semaphore, #tpu.memory_space<semaphore_mem>> -> memref<!tpu.dma_semaphore, #tpu.memory_space<semaphore_mem>>
    %dma_start3A_2 = arith.constant 0 : i32
    %dma_start3A_3 = arith.constant 0 : i32
    %dma_start3A_4 = tpu.memref_slice %arg5[%dma_start3A_2, %dma_start3A_3] : memref<10000x128xf32, #tpu.memory_space<vmem>> -> memref<2048x128xf32, #tpu.memory_space<vmem>>
    %dma_start3A_5 = arith.constant 0 : i32
    %dma_start3A_6 = arith.constant 0 : i32
    %dma_start3A_7 = tpu.memref_slice %arg0[%dma_start3A_5, %dma_start3A_6] : memref<10000x128xf32, #tpu.memory_space<any>> -> memref<2048x128xf32, #tpu.memory_space<any>>
    tpu.enqueue_dma source(%dma_start3A_7 : memref<2048x128xf32, #tpu.memory_space<any>>) target(%dma_start3A_4 : memref<2048x128xf32, #tpu.memory_space<vmem>>) target_semaphore(%dma_start3A_1 : memref<!tpu.dma_semaphore, #tpu.memory_space<semaphore_mem>>)
    %dma_start3A_8 = arith.constant 1 : i32
    %dma_start3A_9 = tpu.memref_slice %arg7[%dma_start3A_8] : memref<5x!tpu.dma_semaphore, #tpu.memory_space<semaphore_mem>> -> memref<1x!tpu.dma_semaphore, #tpu.memory_space<semaphore_mem>>
    %dma_start3A_10 = tpu.memref_squeeze %dma_start3A_9 : memref<1x!tpu.dma_semaphore, #tpu.memory_space<semaphore_mem>> -> memref<!tpu.dma_semaphore, #tpu.memory_space<semaphore_mem>>
    %dma_start3A_11 = arith.constant 2048 : i32
    %dma_start3A_12 = arith.constant 0 : i32
    %dma_start3A_13 = tpu.memref_slice %arg5[%dma_start3A_11, %dma_start3A_12] : memref<10000x128xf32, #tpu.memory_space<vmem>> -> memref<2048x128xf32, #tpu.memory_space<vmem>>
    %dma_start3A_14 = arith.constant 2048 : i32
    %dma_start3A_15 = arith.constant 0 : i32
    %dma_start3A_16 = tpu.memref_slice %arg0[%dma_start3A_14, %dma_start3A_15] : memref<10000x128xf32, #tpu.memory_space<any>> -> memref<2048x128xf32, #tpu.memory_space<any>>
    tpu.enqueue_dma source(%dma_start3A_16 : memref<2048x128xf32, #tpu.memory_space<any>>) target(%dma_start3A_13 : memref<2048x128xf32, #tpu.memory_space<vmem>>) target_semaphore(%dma_start3A_10 : memref<!tpu.dma_semaphore, #tpu.memory_space<semaphore_mem>>)
    %dma_start3A_17 = arith.constant 2 : i32
    %dma_start3A_18 = tpu.memref_slice %arg7[%dma_start3A_17] : memref<5x!tpu.dma_semaphore, #tpu.memory_space<semaphore_mem>> -> memref<1x!tpu.dma_semaphore, #tpu.memory_space<semaphore_mem>>
    %dma_start3A_19 = tpu.memref_squeeze %dma_start3A_18 : memref<1x!tpu.dma_semaphore, #tpu.memory_space<semaphore_mem>> -> memref<!tpu.dma_semaphore, #tpu.memory_space<semaphore_mem>>
    %dma_start3A_20 = arith.constant 4096 : i32
    %dma_start3A_21 = arith.constant 0 : i32
    %dma_start3A_22 = tpu.memref_slice %arg5[%dma_start3A_20, %dma_start3A_21] : memref<10000x128xf32, #tpu.memory_space<vmem>> -> memref<2048x128xf32, #tpu.memory_space<vmem>>
    %dma_start3A_23 = arith.constant 4096 : i32
    %dma_start3A_24 = arith.constant 0 : i32
    %dma_start3A_25 = tpu.memref_slice %arg0[%dma_start3A_23, %dma_start3A_24] : memref<10000x128xf32, #tpu.memory_space<any>> -> memref<2048x128xf32, #tpu.memory_space<any>>
    tpu.enqueue_dma source(%dma_start3A_25 : memref<2048x128xf32, #tpu.memory_space<any>>) target(%dma_start3A_22 : memref<2048x128xf32, #tpu.memory_space<vmem>>) target_semaphore(%dma_start3A_19 : memref<!tpu.dma_semaphore, #tpu.memory_space<semaphore_mem>>)
    %dma_start3A_26 = arith.constant 3 : i32
    %dma_start3A_27 = tpu.memref_slice %arg7[%dma_start3A_26] : memref<5x!tpu.dma_semaphore, #tpu.memory_space<semaphore_mem>> -> memref<1x!tpu.dma_semaphore, #tpu.memory_space<semaphore_mem>>
    %dma_start3A_28 = tpu.memref_squeeze %dma_start3A_27 : memref<1x!tpu.dma_semaphore, #tpu.memory_space<semaphore_mem>> -> memref<!tpu.dma_semaphore, #tpu.memory_space<semaphore_mem>>
    %dma_start3A_29 = arith.constant 6144 : i32
    %dma_start3A_30 = arith.constant 0 : i32
    %dma_start3A_31 = tpu.memref_slice %arg5[%dma_start3A_29, %dma_start3A_30] : memref<10000x128xf32, #tpu.memory_space<vmem>> -> memref<2048x128xf32, #tpu.memory_space<vmem>>
    %dma_start3A_32 = arith.constant 6144 : i32
    %dma_start3A_33 = arith.constant 0 : i32
    %dma_start3A_34 = tpu.memref_slice %arg0[%dma_start3A_32, %dma_start3A_33] : memref<10000x128xf32, #tpu.memory_space<any>> -> memref<2048x128xf32, #tpu.memory_space<any>>
    tpu.enqueue_dma source(%dma_start3A_34 : memref<2048x128xf32, #tpu.memory_space<any>>) target(%dma_start3A_31 : memref<2048x128xf32, #tpu.memory_space<vmem>>) target_semaphore(%dma_start3A_28 : memref<!tpu.dma_semaphore, #tpu.memory_space<semaphore_mem>>)
    %dma_start3A_35 = arith.constant 4 : i32
    %dma_start3A_36 = tpu.memref_slice %arg7[%dma_start3A_35] : memref<5x!tpu.dma_semaphore, #tpu.memory_space<semaphore_mem>> -> memref<1x!tpu.dma_semaphore, #tpu.memory_space<semaphore_mem>>
    %dma_start3A_37 = tpu.memref_squeeze %dma_start3A_36 : memref<1x!tpu.dma_semaphore, #tpu.memory_space<semaphore_mem>> -> memref<!tpu.dma_semaphore, #tpu.memory_space<semaphore_mem>>
    %dma_start3A_38 = arith.constant 8192 : i32
    %dma_start3A_39 = arith.constant 0 : i32
    %dma_start3A_40 = tpu.memref_slice %arg5[%dma_start3A_38, %dma_start3A_39] : memref<10000x128xf32, #tpu.memory_space<vmem>> -> memref<1808x128xf32, #tpu.memory_space<vmem>>
    %dma_start3A_41 = arith.constant 8192 : i32
    %dma_start3A_42 = arith.constant 0 : i32
    %dma_start3A_43 = tpu.memref_slice %arg0[%dma_start3A_41, %dma_start3A_42] : memref<10000x128xf32, #tpu.memory_space<any>> -> memref<1808x128xf32, #tpu.memory_space<any>>
    tpu.enqueue_dma source(%dma_start3A_43 : memref<1808x128xf32, #tpu.memory_space<any>>) target(%dma_start3A_40 : memref<1808x128xf32, #tpu.memory_space<vmem>>) target_semaphore(%dma_start3A_37 : memref<!tpu.dma_semaphore, #tpu.memory_space<semaphore_mem>>)
    %get3A = arith.constant 0 : index
    %get3A_44 = arith.constant 0 : index
    %get3A_45 = vector.load %arg3[%get3A, %get3A_44] : memref<160x128xf32, #tpu.memory_space<vmem>>, vector<80x128xf32>
    %get3A_46 = arith.constant 80 : index
    %get3A_47 = arith.constant 0 : index
    %get3A_48 = vector.load %arg3[%get3A_46, %get3A_47] : memref<160x128xf32, #tpu.memory_space<vmem>>, vector<80x128xf32>
    %add3A = arith.addf %get3A_45, %get3A_48 : vector<80x128xf32>
    %transpose3A = tpu.transpose %add3A, [1, 0] : vector<80x128xf32> -> vector<128x80xf32>
    %dma_wait3A = arith.constant 0 : i32
    %dma_wait3A_49 = tpu.memref_slice %arg7[%dma_wait3A] : memref<5x!tpu.dma_semaphore, #tpu.memory_space<semaphore_mem>> -> memref<1x!tpu.dma_semaphore, #tpu.memory_space<semaphore_mem>>
    %dma_wait3A_50 = tpu.memref_squeeze %dma_wait3A_49 : memref<1x!tpu.dma_semaphore, #tpu.memory_space<semaphore_mem>> -> memref<!tpu.dma_semaphore, #tpu.memory_space<semaphore_mem>>
    %dma_wait3A_51 = arith.constant 0 : i32
    %dma_wait3A_52 = arith.constant 0 : i32
    %dma_wait3A_53 = tpu.memref_slice %arg5[%dma_wait3A_51, %dma_wait3A_52] : memref<10000x128xf32, #tpu.memory_space<vmem>> -> memref<2048x128xf32, #tpu.memory_space<vmem>>
    %dma_wait3A_54 = arith.constant 0 : i32
    %dma_wait3A_55 = arith.constant 0 : i32
    %dma_wait3A_56 = tpu.memref_slice %arg0[%dma_wait3A_54, %dma_wait3A_55] : memref<10000x128xf32, #tpu.memory_space<any>> -> memref<2048x128xf32, #tpu.memory_space<any>>
    tpu.wait_dma2 semaphore(%dma_wait3A_50 : memref<!tpu.dma_semaphore, #tpu.memory_space<semaphore_mem>>) src(%dma_wait3A_56 : memref<2048x128xf32, #tpu.memory_space<any>>) dst(%dma_wait3A_53 : memref<2048x128xf32, #tpu.memory_space<vmem>>)
    %get3A_57 = arith.constant 0 : index
    %get3A_58 = arith.constant 0 : index
    %get3A_59 = vector.load %arg5[%get3A_57, %get3A_58] : memref<10000x128xf32, #tpu.memory_space<vmem>>, vector<2048x128xf32>
    %get3A_60 = arith.constant 0 : index
    %get3A_61 = arith.constant 0 : index
    %get3A_62 = vector.load %arg1[%get3A_60, %get3A_61] : memref<128x128xf32, #tpu.memory_space<vmem>>, vector<128x128xf32>
    %dot_general3A = arith.constant dense<0.000000e+00> : vector<2048x128xf32>
    %dot_general3A_63 = tpu.matmul %get3A_59, %get3A_62, %dot_general3A {dimension_numbers = #tpu.dot_dimension_numbers<[1], [1], [0], [0], [0, 0, 1, 0], [], []>, transpose_lhs_hint = false} : vector<2048x128xf32>, vector<128x128xf32>, vector<2048x128xf32> -> vector<2048x128xf32>
    %get3A_64 = arith.constant 0 : index
    %get3A_65 = vector.load %arg2[%get3A_64] : memref<128xf32, #tpu.memory_space<vmem>>, vector<128xf32>
    %broadcast_in_dim3A = vector.shape_cast %get3A_65 : vector<128xf32> to vector<1x128xf32>
    %add3A_66 = vector.broadcast %broadcast_in_dim3A : vector<1x128xf32> to vector<2048x128xf32>
    %add3A_67 = arith.addf %dot_general3A_63, %add3A_66 : vector<2048x128xf32>
    %max3A = arith.constant 0.000000e+00 : f32
    %max3A_68 = vector.broadcast %max3A : f32 to vector<2048x128xf32>
    %max3A_69 = arith.maximumf %add3A_67, %max3A_68 : vector<2048x128xf32>
    %slice3A = vector.extract_strided_slice %transpose3A {offsets = [0, 0], sizes = [128, 1], strides = [1, 1]} : vector<128x80xf32> to vector<128x1xf32>
    %gt3A = arith.constant 0.000000e+00 : f32
    %gt3A_70 = vector.broadcast %gt3A : f32 to vector<128x1xf32>
    %gt3A_71 = arith.cmpf ogt, %slice3A, %gt3A_70 : vector<128x1xf32>
    %slice3A_72 = vector.extract_strided_slice %max3A_69 {offsets = [0, 0], sizes = [128, 128], strides = [1, 1]} : vector<2048x128xf32> to vector<128x128xf32>
    %jit3A = arith.constant 0.000000e+00 : f32
    %broadcast_in_dim3A_73 = vector.shape_cast %gt3A_71 : vector<128x1xi1> to vector<128x1xi1>
    %broadcast_in_dim3A_74 = vector.broadcast %broadcast_in_dim3A_73 : vector<128x1xi1> to vector<128x128xi1>
    %broadcast_in_dim3A_75 = vector.broadcast %jit3A : f32 to vector<128x128xf32>
    %select_n3A = arith.select %broadcast_in_dim3A_74, %slice3A_72, %broadcast_in_dim3A_75 : vector<128x128xi1>, vector<128x128xf32>
    %swap3A = arith.constant 0 : index
    %swap3A_76 = arith.constant 0 : index
    %swap3A_77 = vector.load %arg6[%swap3A, %swap3A_76] : memref<10000x128xf32, #tpu.memory_space<vmem>>, vector<128x128xf32>
    tpu.vector_store %arg6[%swap3A, %swap3A_76], %select_n3A {strides = array<i32>} : memref<10000x128xf32, #tpu.memory_space<vmem>>, vector<128x128xf32>,
    %slice3A_78 = vector.extract_strided_slice %transpose3A {offsets = [0, 1], sizes = [128, 1], strides = [1, 1]} : vector<128x80xf32> to vector<128x1xf32>
    %gt3A_79 = arith.constant 0.000000e+00 : f32
    %gt3A_80 = vector.broadcast %gt3A_79 : f32 to vector<128x1xf32>
    %gt3A_81 = arith.cmpf ogt, %slice3A_78, %gt3A_80 : vector<128x1xf32>
    %slice3A_82 = vector.extract_strided_slice %max3A_69 {offsets = [128, 0], sizes = [128, 128], strides = [1, 1]} : vector<2048x128xf32> to vector<128x128xf32>
    %jit3A_83 = arith.constant 0.000000e+00 : f32
    %broadcast_in_dim3A_84 = vector.shape_cast %gt3A_81 : vector<128x1xi1> to vector<128x1xi1>
    %broadcast_in_dim3A_85 = vector.broadcast %broadcast_in_dim3A_84 : vector<128x1xi1> to vector<128x128xi1>
    %broadcast_in_dim3A_86 = vector.broadcast %jit3A_83 : f32 to vector<128x128xf32>
    %select_n3A_87 = arith.select %broadcast_in_dim3A_85, %slice3A_82, %broadcast_in_dim3A_86 : vector<128x128xi1>, vector<128x128xf32>
    %swap3A_88 = arith.constant 128 : index
    %swap3A_89 = arith.constant 0 : index
    %swap3A_90 = vector.load %arg6[%swap3A_88, %swap3A_89] : memref<10000x128xf32, #tpu.memory_space<vmem>>, vector<128x128xf32>
    tpu.vector_store %arg6[%swap3A_88, %swap3A_89], %select_n3A_87 {strides = array<i32>} : memref<10000x128xf32, #tpu.memory_space<vmem>>, vector<128x128xf32>,
    %slice3A_91 = vector.extract_strided_slice %transpose3A {offsets = [0, 2], sizes = [128, 1], strides = [1, 1]} : vector<128x80xf32> to vector<128x1xf32>
    %gt3A_92 = arith.constant 0.000000e+00 : f32
    %gt3A_93 = vector.broadcast %gt3A_92 : f32 to vector<128x1xf32>
    %gt3A_94 = arith.cmpf ogt, %slice3A_91, %gt3A_93 : vector<128x1xf32>
    %slice3A_95 = vector.extract_strided_slice %max3A_69 {offsets = [256, 0], sizes = [128, 128], strides = [1, 1]} : vector<2048x128xf32> to vector<128x128xf32>
    %jit3A_96 = arith.constant 0.000000e+00 : f32
    %broadcast_in_dim3A_97 = vector.shape_cast %gt3A_94 : vector<128x1xi1> to vector<128x1xi1>
    %broadcast_in_dim3A_98 = vector.broadcast %broadcast_in_dim3A_97 : vector<128x1xi1> to vector<128x128xi1>
    %broadcast_in_dim3A_99 = vector.broadcast %jit3A_96 : f32 to vector<128x128xf32>
    %select_n3A_100 = arith.select %broadcast_in_dim3A_98, %slice3A_95, %broadcast_in_dim3A_99 : vector<128x128xi1>, vector<128x128xf32>
    %swap3A_101 = arith.constant 256 : index
    %swap3A_102 = arith.constant 0 : index
    %swap3A_103 = vector.load %arg6[%swap3A_101, %swap3A_102] : memref<10000x128xf32, #tpu.memory_space<vmem>>, vector<128x128xf32>
    tpu.vector_store %arg6[%swap3A_101, %swap3A_102], %select_n3A_100 {strides = array<i32>} : memref<10000x128xf32, #tpu.memory_space<vmem>>, vector<128x128xf32>,
    %slice3A_104 = vector.extract_strided_slice %transpose3A {offsets = [0, 3], sizes = [128, 1], strides = [1, 1]} : vector<128x80xf32> to vector<128x1xf32>
    %gt3A_105 = arith.constant 0.000000e+00 : f32
    %gt3A_106 = vector.broadcast %gt3A_105 : f32 to vector<128x1xf32>
    %gt3A_107 = arith.cmpf ogt, %slice3A_104, %gt3A_106 : vector<128x1xf32>
    %slice3A_108 = vector.extract_strided_slice %max3A_69 {offsets = [384, 0], sizes = [128, 128], strides = [1, 1]} : vector<2048x128xf32> to vector<128x128xf32>
    %jit3A_109 = arith.constant 0.000000e+00 : f32
    %broadcast_in_dim3A_110 = vector.shape_cast %gt3A_107 : vector<128x1xi1> to vector<128x1xi1>
    %broadcast_in_dim3A_111 = vector.broadcast %broadcast_in_dim3A_110 : vector<128x1xi1> to vector<128x128xi1>
    %broadcast_in_dim3A_112 = vector.broadcast %jit3A_109 : f32 to vector<128x128xf32>
    %select_n3A_113 = arith.select %broadcast_in_dim3A_111, %slice3A_108, %broadcast_in_dim3A_112 : vector<128x128xi1>, vector<128x128xf32>
    %swap3A_114 = arith.constant 384 : index
    %swap3A_115 = arith.constant 0 : index
    %swap3A_116 = vector.load %arg6[%swap3A_114, %swap3A_115] : memref<10000x128xf32, #tpu.memory_space<vmem>>, vector<128x128xf32>
    tpu.vector_store %arg6[%swap3A_114, %swap3A_115], %select_n3A_113 {strides = array<i32>} : memref<10000x128xf32, #tpu.memory_space<vmem>>, vector<128x128xf32>,
    %slice3A_117 = vector.extract_strided_slice %transpose3A {offsets = [0, 4], sizes = [128, 1], strides = [1, 1]} : vector<128x80xf32> to vector<128x1xf32>
    %gt3A_118 = arith.constant 0.000000e+00 : f32
    %gt3A_119 = vector.broadcast %gt3A_118 : f32 to vector<128x1xf32>
    %gt3A_120 = arith.cmpf ogt, %slice3A_117, %gt3A_119 : vector<128x1xf32>
    %slice3A_121 = vector.extract_strided_slice %max3A_69 {offsets = [512, 0], sizes = [128, 128], strides = [1, 1]} : vector<2048x128xf32> to vector<128x128xf32>
    %jit3A_122 = arith.constant 0.000000e+00 : f32
    %broadcast_in_dim3A_123 = vector.shape_cast %gt3A_120 : vector<128x1xi1> to vector<128x1xi1>
    %broadcast_in_dim3A_124 = vector.broadcast %broadcast_in_dim3A_123 : vector<128x1xi1> to vector<128x128xi1>
    %broadcast_in_dim3A_125 = vector.broadcast %jit3A_122 : f32 to vector<128x128xf32>
    %select_n3A_126 = arith.select %broadcast_in_dim3A_124, %slice3A_121, %broadcast_in_dim3A_125 : vector<128x128xi1>, vector<128x128xf32>
    %swap3A_127 = arith.constant 512 : index
    %swap3A_128 = arith.constant 0 : index
    %swap3A_129 = vector.load %arg6[%swap3A_127, %swap3A_128] : memref<10000x128xf32, #tpu.memory_space<vmem>>, vector<128x128xf32>
    tpu.vector_store %arg6[%swap3A_127, %swap3A_128], %select_n3A_126 {strides = array<i32>} : memref<10000x128xf32, #tpu.memory_space<vmem>>, vector<128x128xf32>,
    %slice3A_130 = vector.extract_strided_slice %transpose3A {offsets = [0, 5], sizes = [128, 1], strides = [1, 1]} : vector<128x80xf32> to vector<128x1xf32>
    %gt3A_131 = arith.constant 0.000000e+00 : f32
    %gt3A_132 = vector.broadcast %gt3A_131 : f32 to vector<128x1xf32>
    %gt3A_133 = arith.cmpf ogt, %slice3A_130, %gt3A_132 : vector<128x1xf32>
    %slice3A_134 = vector.extract_strided_slice %max3A_69 {offsets = [640, 0], sizes = [128, 128], strides = [1, 1]} : vector<2048x128xf32> to vector<128x128xf32>
    %jit3A_135 = arith.constant 0.000000e+00 : f32
    %broadcast_in_dim3A_136 = vector.shape_cast %gt3A_133 : vector<128x1xi1> to vector<128x1xi1>
    %broadcast_in_dim3A_137 = vector.broadcast %broadcast_in_dim3A_136 : vector<128x1xi1> to vector<128x128xi1>
    %broadcast_in_dim3A_138 = vector.broadcast %jit3A_135 : f32 to vector<128x128xf32>
    %select_n3A_139 = arith.select %broadcast_in_dim3A_137, %slice3A_134, %broadcast_in_dim3A_138 : vector<128x128xi1>, vector<128x128xf32>
    %swap3A_140 = arith.constant 640 : index
    %swap3A_141 = arith.constant 0 : index
    %swap3A_142 = vector.load %arg6[%swap3A_140, %swap3A_141] : memref<10000x128xf32, #tpu.memory_space<vmem>>, vector<128x128xf32>
    tpu.vector_store %arg6[%swap3A_140, %swap3A_141], %select_n3A_139 {strides = array<i32>} : memref<10000x128xf32, #tpu.memory_space<vmem>>, vector<128x128xf32>,
    %slice3A_143 = vector.extract_strided_slice %transpose3A {offsets = [0, 6], sizes = [128, 1], strides = [1, 1]} : vector<128x80xf32> to vector<128x1xf32>
    %gt3A_144 = arith.constant 0.000000e+00 : f32
    %gt3A_145 = vector.broadcast %gt3A_144 : f32 to vector<128x1xf32>
    %gt3A_146 = arith.cmpf ogt, %slice3A_143, %gt3A_145 : vector<128x1xf32>
    %slice3A_147 = vector.extract_strided_slice %max3A_69 {offsets = [768, 0], sizes = [128, 128], strides = [1, 1]} : vector<2048x128xf32> to vector<128x128xf32>
    %jit3A_148 = arith.constant 0.000000e+00 : f32
    %broadcast_in_dim3A_149 = vector.shape_cast %gt3A_146 : vector<128x1xi1> to vector<128x1xi1>
    %broadcast_in_dim3A_150 = vector.broadcast %broadcast_in_dim3A_149 : vector<128x1xi1> to vector<128x128xi1>
    %broadcast_in_dim3A_151 = vector.broadcast %jit3A_148 : f32 to vector<128x128xf32>
    %select_n3A_152 = arith.select %broadcast_in_dim3A_150, %slice3A_147, %broadcast_in_dim3A_151 : vector<128x128xi1>, vector<128x128xf32>
    %swap3A_153 = arith.constant 768 : index
    %swap3A_154 = arith.constant 0 : index
    %swap3A_155 = vector.load %arg6[%swap3A_153, %swap3A_154] : memref<10000x128xf32, #tpu.memory_space<vmem>>, vector<128x128xf32>
    tpu.vector_store %arg6[%swap3A_153, %swap3A_154], %select_n3A_152 {strides = array<i32>} : memref<10000x128xf32, #tpu.memory_space<vmem>>, vector<128x128xf32>,
    %slice3A_156 = vector.extract_strided_slice %transpose3A {offsets = [0, 7], sizes = [128, 1], strides = [1, 1]} : vector<128x80xf32> to vector<128x1xf32>
    %gt3A_157 = arith.constant 0.000000e+00 : f32
    %gt3A_158 = vector.broadcast %gt3A_157 : f32 to vector<128x1xf32>
    %gt3A_159 = arith.cmpf ogt, %slice3A_156, %gt3A_158 : vector<128x1xf32>
    %slice3A_160 = vector.extract_strided_slice %max3A_69 {offsets = [896, 0], sizes = [128, 128], strides = [1, 1]} : vector<2048x128xf32> to vector<128x128xf32>
    %jit3A_161 = arith.constant 0.000000e+00 : f32
    %broadcast_in_dim3A_162 = vector.shape_cast %gt3A_159 : vector<128x1xi1> to vector<128x1xi1>
    %broadcast_in_dim3A_163 = vector.broadcast %broadcast_in_dim3A_162 : vector<128x1xi1> to vector<128x128xi1>
    %broadcast_in_dim3A_164 = vector.broadcast %jit3A_161 : f32 to vector<128x128xf32>
    %select_n3A_165 = arith.select %broadcast_in_dim3A_163, %slice3A_160, %broadcast_in_dim3A_164 : vector<128x128xi1>, vector<128x128xf32>
    %swap3A_166 = arith.constant 896 : index
    %swap3A_167 = arith.constant 0 : index
    %swap3A_168 = vector.load %arg6[%swap3A_166, %swap3A_167] : memref<10000x128xf32, #tpu.memory_space<vmem>>, vector<128x128xf32>
    tpu.vector_store %arg6[%swap3A_166, %swap3A_167], %select_n3A_165 {strides = array<i32>} : memref<10000x128xf32, #tpu.memory_space<vmem>>, vector<128x128xf32>,
    %slice3A_169 = vector.extract_strided_slice %transpose3A {offsets = [0, 8], sizes = [128, 1], strides = [1, 1]} : vector<128x80xf32> to vector<128x1xf32>
    %gt3A_170 = arith.constant 0.000000e+00 : f32
    %gt3A_171 = vector.broadcast %gt3A_170 : f32 to vector<128x1xf32>
    %gt3A_172 = arith.cmpf ogt, %slice3A_169, %gt3A_171 : vector<128x1xf32>
    %slice3A_173 = vector.extract_strided_slice %max3A_69 {offsets = [1024, 0], sizes = [128, 128], strides = [1, 1]} : vector<2048x128xf32> to vector<128x128xf32>
    %jit3A_174 = arith.constant 0.000000e+00 : f32
    %broadcast_in_dim3A_175 = vector.shape_cast %gt3A_172 : vector<128x1xi1> to vector<128x1xi1>
    %broadcast_in_dim3A_176 = vector.broadcast %broadcast_in_dim3A_175 : vector<128x1xi1> to vector<128x128xi1>
    %broadcast_in_dim3A_177 = vector.broadcast %jit3A_174 : f32 to vector<128x128xf32>
    %select_n3A_178 = arith.select %broadcast_in_dim3A_176, %slice3A_173, %broadcast_in_dim3A_177 : vector<128x128xi1>, vector<128x128xf32>
    %swap3A_179 = arith.constant 1024 : index
    %swap3A_180 = arith.constant 0 : index
    %swap3A_181 = vector.load %arg6[%swap3A_179, %swap3A_180] : memref<10000x128xf32, #tpu.memory_space<vmem>>, vector<128x128xf32>
    tpu.vector_store %arg6[%swap3A_179, %swap3A_180], %select_n3A_178 {strides = array<i32>} : memref<10000x128xf32, #tpu.memory_space<vmem>>, vector<128x128xf32>,
    %slice3A_182 = vector.extract_strided_slice %transpose3A {offsets = [0, 9], sizes = [128, 1], strides = [1, 1]} : vector<128x80xf32> to vector<128x1xf32>
    %gt3A_183 = arith.constant 0.000000e+00 : f32
    %gt3A_184 = vector.broadcast %gt3A_183 : f32 to vector<128x1xf32>
    %gt3A_185 = arith.cmpf ogt, %slice3A_182, %gt3A_184 : vector<128x1xf32>
    %slice3A_186 = vector.extract_strided_slice %max3A_69 {offsets = [1152, 0], sizes = [128, 128], strides = [1, 1]} : vector<2048x128xf32> to vector<128x128xf32>
    %jit3A_187 = arith.constant 0.000000e+00 : f32
    %broadcast_in_dim3A_188 = vector.shape_cast %gt3A_185 : vector<128x1xi1> to vector<128x1xi1>
    %broadcast_in_dim3A_189 = vector.broadcast %broadcast_in_dim3A_188 : vector<128x1xi1> to vector<128x128xi1>
    %broadcast_in_dim3A_190 = vector.broadcast %jit3A_187 : f32 to vector<128x128xf32>
    %select_n3A_191 = arith.select %broadcast_in_dim3A_189, %slice3A_186, %broadcast_in_dim3A_190 : vector<128x128xi1>, vector<128x128xf32>
    %swap3A_192 = arith.constant 1152 : index
    %swap3A_193 = arith.constant 0 : index
    %swap3A_194 = vector.load %arg6[%swap3A_192, %swap3A_193] : memref<10000x128xf32, #tpu.memory_space<vmem>>, vector<128x128xf32>
    tpu.vector_store %arg6[%swap3A_192, %swap3A_193], %select_n3A_191 {strides = array<i32>} : memref<10000x128xf32, #tpu.memory_space<vmem>>, vector<128x128xf32>,
    %slice3A_195 = vector.extract_strided_slice %transpose3A {offsets = [0, 10], sizes = [128, 1], strides = [1, 1]} : vector<128x80xf32> to vector<128x1xf32>
    %gt3A_196 = arith.constant 0.000000e+00 : f32
    %gt3A_197 = vector.broadcast %gt3A_196 : f32 to vector<128x1xf32>
    %gt3A_198 = arith.cmpf ogt, %slice3A_195, %gt3A_197 : vector<128x1xf32>
    %slice3A_199 = vector.extract_strided_slice %max3A_69 {offsets = [1280, 0], sizes = [128, 128], strides = [1, 1]} : vector<2048x128xf32> to vector<128x128xf32>
    %jit3A_200 = arith.constant 0.000000e+00 : f32
    %broadcast_in_dim3A_201 = vector.shape_cast %gt3A_198 : vector<128x1xi1> to vector<128x1xi1>
    %broadcast_in_dim3A_202 = vector.broadcast %broadcast_in_dim3A_201 : vector<128x1xi1> to vector<128x128xi1>
    %broadcast_in_dim3A_203 = vector.broadcast %jit3A_200 : f32 to vector<128x128xf32>
    %select_n3A_204 = arith.select %broadcast_in_dim3A_202, %slice3A_199, %broadcast_in_dim3A_203 : vector<128x128xi1>, vector<128x128xf32>
    %swap3A_205 = arith.constant 1280 : index
    %swap3A_206 = arith.constant 0 : index
    %swap3A_207 = vector.load %arg6[%swap3A_205, %swap3A_206] : memref<10000x128xf32, #tpu.memory_space<vmem>>, vector<128x128xf32>
    tpu.vector_store %arg6[%swap3A_205, %swap3A_206], %select_n3A_204 {strides = array<i32>} : memref<10000x128xf32, #tpu.memory_space<vmem>>, vector<128x128xf32>,
    %slice3A_208 = vector.extract_strided_slice %transpose3A {offsets = [0, 11], sizes = [128, 1], strides = [1, 1]} : vector<128x80xf32> to vector<128x1xf32>
    %gt3A_209 = arith.constant 0.000000e+00 : f32
    %gt3A_210 = vector.broadcast %gt3A_209 : f32 to vector<128x1xf32>
    %gt3A_211 = arith.cmpf ogt, %slice3A_208, %gt3A_210 : vector<128x1xf32>
    %slice3A_212 = vector.extract_strided_slice %max3A_69 {offsets = [1408, 0], sizes = [128, 128], strides = [1, 1]} : vector<2048x128xf32> to vector<128x128xf32>
    %jit3A_213 = arith.constant 0.000000e+00 : f32
    %broadcast_in_dim3A_214 = vector.shape_cast %gt3A_211 : vector<128x1xi1> to vector<128x1xi1>
    %broadcast_in_dim3A_215 = vector.broadcast %broadcast_in_dim3A_214 : vector<128x1xi1> to vector<128x128xi1>
    %broadcast_in_dim3A_216 = vector.broadcast %jit3A_213 : f32 to vector<128x128xf32>
    %select_n3A_217 = arith.select %broadcast_in_dim3A_215, %slice3A_212, %broadcast_in_dim3A_216 : vector<128x128xi1>, vector<128x128xf32>
    %swap3A_218 = arith.constant 1408 : index
    %swap3A_219 = arith.constant 0 : index
    %swap3A_220 = vector.load %arg6[%swap3A_218, %swap3A_219] : memref<10000x128xf32, #tpu.memory_space<vmem>>, vector<128x128xf32>
    tpu.vector_store %arg6[%swap3A_218, %swap3A_219], %select_n3A_217 {strides = array<i32>} : memref<10000x128xf32, #tpu.memory_space<vmem>>, vector<128x128xf32>,
    %slice3A_221 = vector.extract_strided_slice %transpose3A {offsets = [0, 12], sizes = [128, 1], strides = [1, 1]} : vector<128x80xf32> to vector<128x1xf32>
    %gt3A_222 = arith.constant 0.000000e+00 : f32
    %gt3A_223 = vector.broadcast %gt3A_222 : f32 to vector<128x1xf32>
    %gt3A_224 = arith.cmpf ogt, %slice3A_221, %gt3A_223 : vector<128x1xf32>
    %slice3A_225 = vector.extract_strided_slice %max3A_69 {offsets = [1536, 0], sizes = [128, 128], strides = [1, 1]} : vector<2048x128xf32> to vector<128x128xf32>
    %jit3A_226 = arith.constant 0.000000e+00 : f32
    %broadcast_in_dim3A_227 = vector.shape_cast %gt3A_224 : vector<128x1xi1> to vector<128x1xi1>
    %broadcast_in_dim3A_228 = vector.broadcast %broadcast_in_dim3A_227 : vector<128x1xi1> to vector<128x128xi1>
    %broadcast_in_dim3A_229 = vector.broadcast %jit3A_226 : f32 to vector<128x128xf32>
    %select_n3A_230 = arith.select %broadcast_in_dim3A_228, %slice3A_225, %broadcast_in_dim3A_229 : vector<128x128xi1>, vector<128x128xf32>
    %swap3A_231 = arith.constant 1536 : index
    %swap3A_232 = arith.constant 0 : index
    %swap3A_233 = vector.load %arg6[%swap3A_231, %swap3A_232] : memref<10000x128xf32, #tpu.memory_space<vmem>>, vector<128x128xf32>
    tpu.vector_store %arg6[%swap3A_231, %swap3A_232], %select_n3A_230 {strides = array<i32>} : memref<10000x128xf32, #tpu.memory_space<vmem>>, vector<128x128xf32>,
    %slice3A_234 = vector.extract_strided_slice %transpose3A {offsets = [0, 13], sizes = [128, 1], strides = [1, 1]} : vector<128x80xf32> to vector<128x1xf32>
    %gt3A_235 = arith.constant 0.000000e+00 : f32
    %gt3A_236 = vector.broadcast %gt3A_235 : f32 to vector<128x1xf32>
    %gt3A_237 = arith.cmpf ogt, %slice3A_234, %gt3A_236 : vector<128x1xf32>
    %slice3A_238 = vector.extract_strided_slice %max3A_69 {offsets = [1664, 0], sizes = [128, 128], strides = [1, 1]} : vector<2048x128xf32> to vector<128x128xf32>
    %jit3A_239 = arith.constant 0.000000e+00 : f32
    %broadcast_in_dim3A_240 = vector.shape_cast %gt3A_237 : vector<128x1xi1> to vector<128x1xi1>
    %broadcast_in_dim3A_241 = vector.broadcast %broadcast_in_dim3A_240 : vector<128x1xi1> to vector<128x128xi1>
    %broadcast_in_dim3A_242 = vector.broadcast %jit3A_239 : f32 to vector<128x128xf32>
    %select_n3A_243 = arith.select %broadcast_in_dim3A_241, %slice3A_238, %broadcast_in_dim3A_242 : vector<128x128xi1>, vector<128x128xf32>
    %swap3A_244 = arith.constant 1664 : index
    %swap3A_245 = arith.constant 0 : index
    %swap3A_246 = vector.load %arg6[%swap3A_244, %swap3A_245] : memref<10000x128xf32, #tpu.memory_space<vmem>>, vector<128x128xf32>
    tpu.vector_store %arg6[%swap3A_244, %swap3A_245], %select_n3A_243 {strides = array<i32>} : memref<10000x128xf32, #tpu.memory_space<vmem>>, vector<128x128xf32>,
    %slice3A_247 = vector.extract_strided_slice %transpose3A {offsets = [0, 14], sizes = [128, 1], strides = [1, 1]} : vector<128x80xf32> to vector<128x1xf32>
    %gt3A_248 = arith.constant 0.000000e+00 : f32
    %gt3A_249 = vector.broadcast %gt3A_248 : f32 to vector<128x1xf32>
    %gt3A_250 = arith.cmpf ogt, %slice3A_247, %gt3A_249 : vector<128x1xf32>
    %slice3A_251 = vector.extract_strided_slice %max3A_69 {offsets = [1792, 0], sizes = [128, 128], strides = [1, 1]} : vector<2048x128xf32> to vector<128x128xf32>
    %jit3A_252 = arith.constant 0.000000e+00 : f32
    %broadcast_in_dim3A_253 = vector.shape_cast %gt3A_250 : vector<128x1xi1> to vector<128x1xi1>
    %broadcast_in_dim3A_254 = vector.broadcast %broadcast_in_dim3A_253 : vector<128x1xi1> to vector<128x128xi1>
    %broadcast_in_dim3A_255 = vector.broadcast %jit3A_252 : f32 to vector<128x128xf32>
    %select_n3A_256 = arith.select %broadcast_in_dim3A_254, %slice3A_251, %broadcast_in_dim3A_255 : vector<128x128xi1>, vector<128x128xf32>
    %swap3A_257 = arith.constant 1792 : index
    %swap3A_258 = arith.constant 0 : index
    %swap3A_259 = vector.load %arg6[%swap3A_257, %swap3A_258] : memref<10000x128xf32, #tpu.memory_space<vmem>>, vector<128x128xf32>
    tpu.vector_store %arg6[%swap3A_257, %swap3A_258], %select_n3A_256 {strides = array<i32>} : memref<10000x128xf32, #tpu.memory_space<vmem>>, vector<128x128xf32>,
    %slice3A_260 = vector.extract_strided_slice %transpose3A {offsets = [0, 15], sizes = [128, 1], strides = [1, 1]} : vector<128x80xf32> to vector<128x1xf32>
    %gt3A_261 = arith.constant 0.000000e+00 : f32
    %gt3A_262 = vector.broadcast %gt3A_261 : f32 to vector<128x1xf32>
    %gt3A_263 = arith.cmpf ogt, %slice3A_260, %gt3A_262 : vector<128x1xf32>
    %slice3A_264 = vector.extract_strided_slice %max3A_69 {offsets = [1920, 0], sizes = [128, 128], strides = [1, 1]} : vector<2048x128xf32> to vector<128x128xf32>
    %jit3A_265 = arith.constant 0.000000e+00 : f32
    %broadcast_in_dim3A_266 = vector.shape_cast %gt3A_263 : vector<128x1xi1> to vector<128x1xi1>
    %broadcast_in_dim3A_267 = vector.broadcast %broadcast_in_dim3A_266 : vector<128x1xi1> to vector<128x128xi1>
    %broadcast_in_dim3A_268 = vector.broadcast %jit3A_265 : f32 to vector<128x128xf32>
    %select_n3A_269 = arith.select %broadcast_in_dim3A_267, %slice3A_264, %broadcast_in_dim3A_268 : vector<128x128xi1>, vector<128x128xf32>
    %swap3A_270 = arith.constant 1920 : index
    %swap3A_271 = arith.constant 0 : index
    %swap3A_272 = vector.load %arg6[%swap3A_270, %swap3A_271] : memref<10000x128xf32, #tpu.memory_space<vmem>>, vector<128x128xf32>
    tpu.vector_store %arg6[%swap3A_270, %swap3A_271], %select_n3A_269 {strides = array<i32>} : memref<10000x128xf32, #tpu.memory_space<vmem>>, vector<128x128xf32>,
    %dma_start3A_273 = arith.constant 0 : i32
    %dma_start3A_274 = tpu.memref_slice %arg8[%dma_start3A_273] : memref<5x!tpu.dma_semaphore, #tpu.memory_space<semaphore_mem>> -> memref<1x!tpu.dma_semaphore, #tpu.memory_space<semaphore_mem>>
    %dma_start3A_275 = tpu.memref_squeeze %dma_start3A_274 : memref<1x!tpu.dma_semaphore, #tpu.memory_space<semaphore_mem>> -> memref<!tpu.dma_semaphore, #tpu.memory_space<semaphore_mem>>
    %dma_start3A_276 = arith.constant 0 : i32
    %dma_start3A_277 = arith.constant 0 : i32
    %dma_start3A_278 = tpu.memref_slice %arg4[%dma_start3A_276, %dma_start3A_277] : memref<10000x128xf32, #tpu.memory_space<any>> -> memref<2048x128xf32, #tpu.memory_space<any>>
    %dma_start3A_279 = arith.constant 0 : i32
    %dma_start3A_280 = arith.constant 0 : i32
    %dma_start3A_281 = tpu.memref_slice %arg6[%dma_start3A_279, %dma_start3A_280] : memref<10000x128xf32, #tpu.memory_space<vmem>> -> memref<2048x128xf32, #tpu.memory_space<vmem>>
    tpu.enqueue_dma source(%dma_start3A_281 : memref<2048x128xf32, #tpu.memory_space<vmem>>) target(%dma_start3A_278 : memref<2048x128xf32, #tpu.memory_space<any>>) target_semaphore(%dma_start3A_275 : memref<!tpu.dma_semaphore, #tpu.memory_space<semaphore_mem>>)
    %dma_wait3A_282 = arith.constant 1 : i32
    %dma_wait3A_283 = tpu.memref_slice %arg7[%dma_wait3A_282] : memref<5x!tpu.dma_semaphore, #tpu.memory_space<semaphore_mem>> -> memref<1x!tpu.dma_semaphore, #tpu.memory_space<semaphore_mem>>
    %dma_wait3A_284 = tpu.memref_squeeze %dma_wait3A_283 : memref<1x!tpu.dma_semaphore, #tpu.memory_space<semaphore_mem>> -> memref<!tpu.dma_semaphore, #tpu.memory_space<semaphore_mem>>
    %dma_wait3A_285 = arith.constant 2048 : i32
    %dma_wait3A_286 = arith.constant 0 : i32
    %dma_wait3A_287 = tpu.memref_slice %arg5[%dma_wait3A_285, %dma_wait3A_286] : memref<10000x128xf32, #tpu.memory_space<vmem>> -> memref<2048x128xf32, #tpu.memory_space<vmem>>
    %dma_wait3A_288 = arith.constant 2048 : i32
    %dma_wait3A_289 = arith.constant 0 : i32
    %dma_wait3A_290 = tpu.memref_slice %arg0[%dma_wait3A_288, %dma_wait3A_289] : memref<10000x128xf32, #tpu.memory_space<any>> -> memref<2048x128xf32, #tpu.memory_space<any>>
    tpu.wait_dma2 semaphore(%dma_wait3A_284 : memref<!tpu.dma_semaphore, #tpu.memory_space<semaphore_mem>>) src(%dma_wait3A_290 : memref<2048x128xf32, #tpu.memory_space<any>>) dst(%dma_wait3A_287 : memref<2048x128xf32, #tpu.memory_space<vmem>>)
    %get3A_291 = arith.constant 2048 : index
    %get3A_292 = arith.constant 0 : index
    %get3A_293 = vector.load %arg5[%get3A_291, %get3A_292] : memref<10000x128xf32, #tpu.memory_space<vmem>>, vector<2048x128xf32>
    %get3A_294 = arith.constant 0 : index
    %get3A_295 = arith.constant 0 : index
    %get3A_296 = vector.load %arg1[%get3A_294, %get3A_295] : memref<128x128xf32, #tpu.memory_space<vmem>>, vector<128x128xf32>
    %dot_general3A_297 = arith.constant dense<0.000000e+00> : vector<2048x128xf32>
    %dot_general3A_298 = tpu.matmul %get3A_293, %get3A_296, %dot_general3A_297 {dimension_numbers = #tpu.dot_dimension_numbers<[1], [1], [0], [0], [0, 0, 1, 0], [], []>, transpose_lhs_hint = false} : vector<2048x128xf32>, vector<128x128xf32>, vector<2048x128xf32> -> vector<2048x128xf32>
    %get3A_299 = arith.constant 0 : index
    %get3A_300 = vector.load %arg2[%get3A_299] : memref<128xf32, #tpu.memory_space<vmem>>, vector<128xf32>
    %broadcast_in_dim3A_301 = vector.shape_cast %get3A_300 : vector<128xf32> to vector<1x128xf32>
    %add3A_302 = vector.broadcast %broadcast_in_dim3A_301 : vector<1x128xf32> to vector<2048x128xf32>
    %add3A_303 = arith.addf %dot_general3A_298, %add3A_302 : vector<2048x128xf32>
    %max3A_304 = arith.constant 0.000000e+00 : f32
    %max3A_305 = vector.broadcast %max3A_304 : f32 to vector<2048x128xf32>
    %max3A_306 = arith.maximumf %add3A_303, %max3A_305 : vector<2048x128xf32>
    %slice3A_307 = vector.extract_strided_slice %transpose3A {offsets = [0, 16], sizes = [128, 1], strides = [1, 1]} : vector<128x80xf32> to vector<128x1xf32>
    %gt3A_308 = arith.constant 0.000000e+00 : f32
    %gt3A_309 = vector.broadcast %gt3A_308 : f32 to vector<128x1xf32>
    %gt3A_310 = arith.cmpf ogt, %slice3A_307, %gt3A_309 : vector<128x1xf32>
    %slice3A_311 = vector.extract_strided_slice %max3A_306 {offsets = [0, 0], sizes = [128, 128], strides = [1, 1]} : vector<2048x128xf32> to vector<128x128xf32>
    %jit3A_312 = arith.constant 0.000000e+00 : f32
    %broadcast_in_dim3A_313 = vector.shape_cast %gt3A_310 : vector<128x1xi1> to vector<128x1xi1>
    %broadcast_in_dim3A_314 = vector.broadcast %broadcast_in_dim3A_313 : vector<128x1xi1> to vector<128x128xi1>
    %broadcast_in_dim3A_315 = vector.broadcast %jit3A_312 : f32 to vector<128x128xf32>
    %select_n3A_316 = arith.select %broadcast_in_dim3A_314, %slice3A_311, %broadcast_in_dim3A_315 : vector<128x128xi1>, vector<128x128xf32>
    %swap3A_317 = arith.constant 2048 : index
    %swap3A_318 = arith.constant 0 : index
    %swap3A_319 = vector.load %arg6[%swap3A_317, %swap3A_318] : memref<10000x128xf32, #tpu.memory_space<vmem>>, vector<128x128xf32>
    tpu.vector_store %arg6[%swap3A_317, %swap3A_318], %select_n3A_316 {strides = array<i32>} : memref<10000x128xf32, #tpu.memory_space<vmem>>, vector<128x128xf32>,
    %slice3A_320 = vector.extract_strided_slice %transpose3A {offsets = [0, 17], sizes = [128, 1], strides = [1, 1]} : vector<128x80xf32> to vector<128x1xf32>
    %gt3A_321 = arith.constant 0.000000e+00 : f32
    %gt3A_322 = vector.broadcast %gt3A_321 : f32 to vector<128x1xf32>
    %gt3A_323 = arith.cmpf ogt, %slice3A_320, %gt3A_322 : vector<128x1xf32>
    %slice3A_324 = vector.extract_strided_slice %max3A_306 {offsets = [128, 0], sizes = [128, 128], strides = [1, 1]} : vector<2048x128xf32> to vector<128x128xf32>
    %jit3A_325 = arith.constant 0.000000e+00 : f32
    %broadcast_in_dim3A_326 = vector.shape_cast %gt3A_323 : vector<128x1xi1> to vector<128x1xi1>
    %broadcast_in_dim3A_327 = vector.broadcast %broadcast_in_dim3A_326 : vector<128x1xi1> to vector<128x128xi1>
    %broadcast_in_dim3A_328 = vector.broadcast %jit3A_325 : f32 to vector<128x128xf32>
    %select_n3A_329 = arith.select %broadcast_in_dim3A_327, %slice3A_324, %broadcast_in_dim3A_328 : vector<128x128xi1>, vector<128x128xf32>
    %swap3A_330 = arith.constant 2176 : index
    %swap3A_331 = arith.constant 0 : index
    %swap3A_332 = vector.load %arg6[%swap3A_330, %swap3A_331] : memref<10000x128xf32, #tpu.memory_space<vmem>>, vector<128x128xf32>
    tpu.vector_store %arg6[%swap3A_330, %swap3A_331], %select_n3A_329 {strides = array<i32>} : memref<10000x128xf32, #tpu.memory_space<vmem>>, vector<128x128xf32>,
    %slice3A_333 = vector.extract_strided_slice %transpose3A {offsets = [0, 18], sizes = [128, 1], strides = [1, 1]} : vector<128x80xf32> to vector<128x1xf32>
    %gt3A_334 = arith.constant 0.000000e+00 : f32
    %gt3A_335 = vector.broadcast %gt3A_334 : f32 to vector<128x1xf32>
    %gt3A_336 = arith.cmpf ogt, %slice3A_333, %gt3A_335 : vector<128x1xf32>
    %slice3A_337 = vector.extract_strided_slice %max3A_306 {offsets = [256, 0], sizes = [128, 128], strides = [1, 1]} : vector<2048x128xf32> to vector<128x128xf32>
    %jit3A_338 = arith.constant 0.000000e+00 : f32
    %broadcast_in_dim3A_339 = vector.shape_cast %gt3A_336 : vector<128x1xi1> to vector<128x1xi1>
    %broadcast_in_dim3A_340 = vector.broadcast %broadcast_in_dim3A_339 : vector<128x1xi1> to vector<128x128xi1>
    %broadcast_in_dim3A_341 = vector.broadcast %jit3A_338 : f32 to vector<128x128xf32>
    %select_n3A_342 = arith.select %broadcast_in_dim3A_340, %slice3A_337, %broadcast_in_dim3A_341 : vector<128x128xi1>, vector<128x128xf32>
    %swap3A_343 = arith.constant 2304 : index
    %swap3A_344 = arith.constant 0 : index
    %swap3A_345 = vector.load %arg6[%swap3A_343, %swap3A_344] : memref<10000x128xf32, #tpu.memory_space<vmem>>, vector<128x128xf32>
    tpu.vector_store %arg6[%swap3A_343, %swap3A_344], %select_n3A_342 {strides = array<i32>} : memref<10000x128xf32, #tpu.memory_space<vmem>>, vector<128x128xf32>,
    %slice3A_346 = vector.extract_strided_slice %transpose3A {offsets = [0, 19], sizes = [128, 1], strides = [1, 1]} : vector<128x80xf32> to vector<128x1xf32>
    %gt3A_347 = arith.constant 0.000000e+00 : f32
    %gt3A_348 = vector.broadcast %gt3A_347 : f32 to vector<128x1xf32>
    %gt3A_349 = arith.cmpf ogt, %slice3A_346, %gt3A_348 : vector<128x1xf32>
    %slice3A_350 = vector.extract_strided_slice %max3A_306 {offsets = [384, 0], sizes = [128, 128], strides = [1, 1]} : vector<2048x128xf32> to vector<128x128xf32>
    %jit3A_351 = arith.constant 0.000000e+00 : f32
    %broadcast_in_dim3A_352 = vector.shape_cast %gt3A_349 : vector<128x1xi1> to vector<128x1xi1>
    %broadcast_in_dim3A_353 = vector.broadcast %broadcast_in_dim3A_352 : vector<128x1xi1> to vector<128x128xi1>
    %broadcast_in_dim3A_354 = vector.broadcast %jit3A_351 : f32 to vector<128x128xf32>
    %select_n3A_355 = arith.select %broadcast_in_dim3A_353, %slice3A_350, %broadcast_in_dim3A_354 : vector<128x128xi1>, vector<128x128xf32>
    %swap3A_356 = arith.constant 2432 : index
    %swap3A_357 = arith.constant 0 : index
    %swap3A_358 = vector.load %arg6[%swap3A_356, %swap3A_357] : memref<10000x128xf32, #tpu.memory_space<vmem>>, vector<128x128xf32>
    tpu.vector_store %arg6[%swap3A_356, %swap3A_357], %select_n3A_355 {strides = array<i32>} : memref<10000x128xf32, #tpu.memory_space<vmem>>, vector<128x128xf32>,
    %slice3A_359 = vector.extract_strided_slice %transpose3A {offsets = [0, 20], sizes = [128, 1], strides = [1, 1]} : vector<128x80xf32> to vector<128x1xf32>
    %gt3A_360 = arith.constant 0.000000e+00 : f32
    %gt3A_361 = vector.broadcast %gt3A_360 : f32 to vector<128x1xf32>
    %gt3A_362 = arith.cmpf ogt, %slice3A_359, %gt3A_361 : vector<128x1xf32>
    %slice3A_363 = vector.extract_strided_slice %max3A_306 {offsets = [512, 0], sizes = [128, 128], strides = [1, 1]} : vector<2048x128xf32> to vector<128x128xf32>
    %jit3A_364 = arith.constant 0.000000e+00 : f32
    %broadcast_in_dim3A_365 = vector.shape_cast %gt3A_362 : vector<128x1xi1> to vector<128x1xi1>
    %broadcast_in_dim3A_366 = vector.broadcast %broadcast_in_dim3A_365 : vector<128x1xi1> to vector<128x128xi1>
    %broadcast_in_dim3A_367 = vector.broadcast %jit3A_364 : f32 to vector<128x128xf32>
    %select_n3A_368 = arith.select %broadcast_in_dim3A_366, %slice3A_363, %broadcast_in_dim3A_367 : vector<128x128xi1>, vector<128x128xf32>
    %swap3A_369 = arith.constant 2560 : index
    %swap3A_370 = arith.constant 0 : index
    %swap3A_371 = vector.load %arg6[%swap3A_369, %swap3A_370] : memref<10000x128xf32, #tpu.memory_space<vmem>>, vector<128x128xf32>
    tpu.vector_store %arg6[%swap3A_369, %swap3A_370], %select_n3A_368 {strides = array<i32>} : memref<10000x128xf32, #tpu.memory_space<vmem>>, vector<128x128xf32>,
    %slice3A_372 = vector.extract_strided_slice %transpose3A {offsets = [0, 21], sizes = [128, 1], strides = [1, 1]} : vector<128x80xf32> to vector<128x1xf32>
    %gt3A_373 = arith.constant 0.000000e+00 : f32
    %gt3A_374 = vector.broadcast %gt3A_373 : f32 to vector<128x1xf32>
    %gt3A_375 = arith.cmpf ogt, %slice3A_372, %gt3A_374 : vector<128x1xf32>
    %slice3A_376 = vector.extract_strided_slice %max3A_306 {offsets = [640, 0], sizes = [128, 128], strides = [1, 1]} : vector<2048x128xf32> to vector<128x128xf32>
    %jit3A_377 = arith.constant 0.000000e+00 : f32
    %broadcast_in_dim3A_378 = vector.shape_cast %gt3A_375 : vector<128x1xi1> to vector<128x1xi1>
    %broadcast_in_dim3A_379 = vector.broadcast %broadcast_in_dim3A_378 : vector<128x1xi1> to vector<128x128xi1>
    %broadcast_in_dim3A_380 = vector.broadcast %jit3A_377 : f32 to vector<128x128xf32>
    %select_n3A_381 = arith.select %broadcast_in_dim3A_379, %slice3A_376, %broadcast_in_dim3A_380 : vector<128x128xi1>, vector<128x128xf32>
    %swap3A_382 = arith.constant 2688 : index
    %swap3A_383 = arith.constant 0 : index
    %swap3A_384 = vector.load %arg6[%swap3A_382, %swap3A_383] : memref<10000x128xf32, #tpu.memory_space<vmem>>, vector<128x128xf32>
    tpu.vector_store %arg6[%swap3A_382, %swap3A_383], %select_n3A_381 {strides = array<i32>} : memref<10000x128xf32, #tpu.memory_space<vmem>>, vector<128x128xf32>,
    %slice3A_385 = vector.extract_strided_slice %transpose3A {offsets = [0, 22], sizes = [128, 1], strides = [1, 1]} : vector<128x80xf32> to vector<128x1xf32>
    %gt3A_386 = arith.constant 0.000000e+00 : f32
    %gt3A_387 = vector.broadcast %gt3A_386 : f32 to vector<128x1xf32>
    %gt3A_388 = arith.cmpf ogt, %slice3A_385, %gt3A_387 : vector<128x1xf32>
    %slice3A_389 = vector.extract_strided_slice %max3A_306 {offsets = [768, 0], sizes = [128, 128], strides = [1, 1]} : vector<2048x128xf32> to vector<128x128xf32>
    %jit3A_390 = arith.constant 0.000000e+00 : f32
    %broadcast_in_dim3A_391 = vector.shape_cast %gt3A_388 : vector<128x1xi1> to vector<128x1xi1>
    %broadcast_in_dim3A_392 = vector.broadcast %broadcast_in_dim3A_391 : vector<128x1xi1> to vector<128x128xi1>
    %broadcast_in_dim3A_393 = vector.broadcast %jit3A_390 : f32 to vector<128x128xf32>
    %select_n3A_394 = arith.select %broadcast_in_dim3A_392, %slice3A_389, %broadcast_in_dim3A_393 : vector<128x128xi1>, vector<128x128xf32>
    %swap3A_395 = arith.constant 2816 : index
    %swap3A_396 = arith.constant 0 : index
    %swap3A_397 = vector.load %arg6[%swap3A_395, %swap3A_396] : memref<10000x128xf32, #tpu.memory_space<vmem>>, vector<128x128xf32>
    tpu.vector_store %arg6[%swap3A_395, %swap3A_396], %select_n3A_394 {strides = array<i32>} : memref<10000x128xf32, #tpu.memory_space<vmem>>, vector<128x128xf32>,
    %slice3A_398 = vector.extract_strided_slice %transpose3A {offsets = [0, 23], sizes = [128, 1], strides = [1, 1]} : vector<128x80xf32> to vector<128x1xf32>
    %gt3A_399 = arith.constant 0.000000e+00 : f32
    %gt3A_400 = vector.broadcast %gt3A_399 : f32 to vector<128x1xf32>
    %gt3A_401 = arith.cmpf ogt, %slice3A_398, %gt3A_400 : vector<128x1xf32>
    %slice3A_402 = vector.extract_strided_slice %max3A_306 {offsets = [896, 0], sizes = [128, 128], strides = [1, 1]} : vector<2048x128xf32> to vector<128x128xf32>
    %jit3A_403 = arith.constant 0.000000e+00 : f32
    %broadcast_in_dim3A_404 = vector.shape_cast %gt3A_401 : vector<128x1xi1> to vector<128x1xi1>
    %broadcast_in_dim3A_405 = vector.broadcast %broadcast_in_dim3A_404 : vector<128x1xi1> to vector<128x128xi1>
    %broadcast_in_dim3A_406 = vector.broadcast %jit3A_403 : f32 to vector<128x128xf32>
    %select_n3A_407 = arith.select %broadcast_in_dim3A_405, %slice3A_402, %broadcast_in_dim3A_406 : vector<128x128xi1>, vector<128x128xf32>
    %swap3A_408 = arith.constant 2944 : index
    %swap3A_409 = arith.constant 0 : index
    %swap3A_410 = vector.load %arg6[%swap3A_408, %swap3A_409] : memref<10000x128xf32, #tpu.memory_space<vmem>>, vector<128x128xf32>
    tpu.vector_store %arg6[%swap3A_408, %swap3A_409], %select_n3A_407 {strides = array<i32>} : memref<10000x128xf32, #tpu.memory_space<vmem>>, vector<128x128xf32>,
    %slice3A_411 = vector.extract_strided_slice %transpose3A {offsets = [0, 24], sizes = [128, 1], strides = [1, 1]} : vector<128x80xf32> to vector<128x1xf32>
    %gt3A_412 = arith.constant 0.000000e+00 : f32
    %gt3A_413 = vector.broadcast %gt3A_412 : f32 to vector<128x1xf32>
    %gt3A_414 = arith.cmpf ogt, %slice3A_411, %gt3A_413 : vector<128x1xf32>
    %slice3A_415 = vector.extract_strided_slice %max3A_306 {offsets = [1024, 0], sizes = [128, 128], strides = [1, 1]} : vector<2048x128xf32> to vector<128x128xf32>
    %jit3A_416 = arith.constant 0.000000e+00 : f32
    %broadcast_in_dim3A_417 = vector.shape_cast %gt3A_414 : vector<128x1xi1> to vector<128x1xi1>
    %broadcast_in_dim3A_418 = vector.broadcast %broadcast_in_dim3A_417 : vector<128x1xi1> to vector<128x128xi1>
    %broadcast_in_dim3A_419 = vector.broadcast %jit3A_416 : f32 to vector<128x128xf32>
    %select_n3A_420 = arith.select %broadcast_in_dim3A_418, %slice3A_415, %broadcast_in_dim3A_419 : vector<128x128xi1>, vector<128x128xf32>
    %swap3A_421 = arith.constant 3072 : index
    %swap3A_422 = arith.constant 0 : index
    %swap3A_423 = vector.load %arg6[%swap3A_421, %swap3A_422] : memref<10000x128xf32, #tpu.memory_space<vmem>>, vector<128x128xf32>
    tpu.vector_store %arg6[%swap3A_421, %swap3A_422], %select_n3A_420 {strides = array<i32>} : memref<10000x128xf32, #tpu.memory_space<vmem>>, vector<128x128xf32>,
    %slice3A_424 = vector.extract_strided_slice %transpose3A {offsets = [0, 25], sizes = [128, 1], strides = [1, 1]} : vector<128x80xf32> to vector<128x1xf32>
    %gt3A_425 = arith.constant 0.000000e+00 : f32
    %gt3A_426 = vector.broadcast %gt3A_425 : f32 to vector<128x1xf32>
    %gt3A_427 = arith.cmpf ogt, %slice3A_424, %gt3A_426 : vector<128x1xf32>
    %slice3A_428 = vector.extract_strided_slice %max3A_306 {offsets = [1152, 0], sizes = [128, 128], strides = [1, 1]} : vector<2048x128xf32> to vector<128x128xf32>
    %jit3A_429 = arith.constant 0.000000e+00 : f32
    %broadcast_in_dim3A_430 = vector.shape_cast %gt3A_427 : vector<128x1xi1> to vector<128x1xi1>
    %broadcast_in_dim3A_431 = vector.broadcast %broadcast_in_dim3A_430 : vector<128x1xi1> to vector<128x128xi1>
    %broadcast_in_dim3A_432 = vector.broadcast %jit3A_429 : f32 to vector<128x128xf32>
    %select_n3A_433 = arith.select %broadcast_in_dim3A_431, %slice3A_428, %broadcast_in_dim3A_432 : vector<128x128xi1>, vector<128x128xf32>
    %swap3A_434 = arith.constant 3200 : index
    %swap3A_435 = arith.constant 0 : index
    %swap3A_436 = vector.load %arg6[%swap3A_434, %swap3A_435] : memref<10000x128xf32, #tpu.memory_space<vmem>>, vector<128x128xf32>
    tpu.vector_store %arg6[%swap3A_434, %swap3A_435], %select_n3A_433 {strides = array<i32>} : memref<10000x128xf32, #tpu.memory_space<vmem>>, vector<128x128xf32>,
    %slice3A_437 = vector.extract_strided_slice %transpose3A {offsets = [0, 26], sizes = [128, 1], strides = [1, 1]} : vector<128x80xf32> to vector<128x1xf32>
    %gt3A_438 = arith.constant 0.000000e+00 : f32
    %gt3A_439 = vector.broadcast %gt3A_438 : f32 to vector<128x1xf32>
    %gt3A_440 = arith.cmpf ogt, %slice3A_437, %gt3A_439 : vector<128x1xf32>
    %slice3A_441 = vector.extract_strided_slice %max3A_306 {offsets = [1280, 0], sizes = [128, 128], strides = [1, 1]} : vector<2048x128xf32> to vector<128x128xf32>
    %jit3A_442 = arith.constant 0.000000e+00 : f32
    %broadcast_in_dim3A_443 = vector.shape_cast %gt3A_440 : vector<128x1xi1> to vector<128x1xi1>
    %broadcast_in_dim3A_444 = vector.broadcast %broadcast_in_dim3A_443 : vector<128x1xi1> to vector<128x128xi1>
    %broadcast_in_dim3A_445 = vector.broadcast %jit3A_442 : f32 to vector<128x128xf32>
    %select_n3A_446 = arith.select %broadcast_in_dim3A_444, %slice3A_441, %broadcast_in_dim3A_445 : vector<128x128xi1>, vector<128x128xf32>
    %swap3A_447 = arith.constant 3328 : index
    %swap3A_448 = arith.constant 0 : index
    %swap3A_449 = vector.load %arg6[%swap3A_447, %swap3A_448] : memref<10000x128xf32, #tpu.memory_space<vmem>>, vector<128x128xf32>
    tpu.vector_store %arg6[%swap3A_447, %swap3A_448], %select_n3A_446 {strides = array<i32>} : memref<10000x128xf32, #tpu.memory_space<vmem>>, vector<128x128xf32>,
    %slice3A_450 = vector.extract_strided_slice %transpose3A {offsets = [0, 27], sizes = [128, 1], strides = [1, 1]} : vector<128x80xf32> to vector<128x1xf32>
    %gt3A_451 = arith.constant 0.000000e+00 : f32
    %gt3A_452 = vector.broadcast %gt3A_451 : f32 to vector<128x1xf32>
    %gt3A_453 = arith.cmpf ogt, %slice3A_450, %gt3A_452 : vector<128x1xf32>
    %slice3A_454 = vector.extract_strided_slice %max3A_306 {offsets = [1408, 0], sizes = [128, 128], strides = [1, 1]} : vector<2048x128xf32> to vector<128x128xf32>
    %jit3A_455 = arith.constant 0.000000e+00 : f32
    %broadcast_in_dim3A_456 = vector.shape_cast %gt3A_453 : vector<128x1xi1> to vector<128x1xi1>
    %broadcast_in_dim3A_457 = vector.broadcast %broadcast_in_dim3A_456 : vector<128x1xi1> to vector<128x128xi1>
    %broadcast_in_dim3A_458 = vector.broadcast %jit3A_455 : f32 to vector<128x128xf32>
    %select_n3A_459 = arith.select %broadcast_in_dim3A_457, %slice3A_454, %broadcast_in_dim3A_458 : vector<128x128xi1>, vector<128x128xf32>
    %swap3A_460 = arith.constant 3456 : index
    %swap3A_461 = arith.constant 0 : index
    %swap3A_462 = vector.load %arg6[%swap3A_460, %swap3A_461] : memref<10000x128xf32, #tpu.memory_space<vmem>>, vector<128x128xf32>
    tpu.vector_store %arg6[%swap3A_460, %swap3A_461], %select_n3A_459 {strides = array<i32>} : memref<10000x128xf32, #tpu.memory_space<vmem>>, vector<128x128xf32>,
    %slice3A_463 = vector.extract_strided_slice %transpose3A {offsets = [0, 28], sizes = [128, 1], strides = [1, 1]} : vector<128x80xf32> to vector<128x1xf32>
    %gt3A_464 = arith.constant 0.000000e+00 : f32
    %gt3A_465 = vector.broadcast %gt3A_464 : f32 to vector<128x1xf32>
    %gt3A_466 = arith.cmpf ogt, %slice3A_463, %gt3A_465 : vector<128x1xf32>
    %slice3A_467 = vector.extract_strided_slice %max3A_306 {offsets = [1536, 0], sizes = [128, 128], strides = [1, 1]} : vector<2048x128xf32> to vector<128x128xf32>
    %jit3A_468 = arith.constant 0.000000e+00 : f32
    %broadcast_in_dim3A_469 = vector.shape_cast %gt3A_466 : vector<128x1xi1> to vector<128x1xi1>
    %broadcast_in_dim3A_470 = vector.broadcast %broadcast_in_dim3A_469 : vector<128x1xi1> to vector<128x128xi1>
    %broadcast_in_dim3A_471 = vector.broadcast %jit3A_468 : f32 to vector<128x128xf32>
    %select_n3A_472 = arith.select %broadcast_in_dim3A_470, %slice3A_467, %broadcast_in_dim3A_471 : vector<128x128xi1>, vector<128x128xf32>
    %swap3A_473 = arith.constant 3584 : index
    %swap3A_474 = arith.constant 0 : index
    %swap3A_475 = vector.load %arg6[%swap3A_473, %swap3A_474] : memref<10000x128xf32, #tpu.memory_space<vmem>>, vector<128x128xf32>
    tpu.vector_store %arg6[%swap3A_473, %swap3A_474], %select_n3A_472 {strides = array<i32>} : memref<10000x128xf32, #tpu.memory_space<vmem>>, vector<128x128xf32>,
    %slice3A_476 = vector.extract_strided_slice %transpose3A {offsets = [0, 29], sizes = [128, 1], strides = [1, 1]} : vector<128x80xf32> to vector<128x1xf32>
    %gt3A_477 = arith.constant 0.000000e+00 : f32
    %gt3A_478 = vector.broadcast %gt3A_477 : f32 to vector<128x1xf32>
    %gt3A_479 = arith.cmpf ogt, %slice3A_476, %gt3A_478 : vector<128x1xf32>
    %slice3A_480 = vector.extract_strided_slice %max3A_306 {offsets = [1664, 0], sizes = [128, 128], strides = [1, 1]} : vector<2048x128xf32> to vector<128x128xf32>
    %jit3A_481 = arith.constant 0.000000e+00 : f32
    %broadcast_in_dim3A_482 = vector.shape_cast %gt3A_479 : vector<128x1xi1> to vector<128x1xi1>
    %broadcast_in_dim3A_483 = vector.broadcast %broadcast_in_dim3A_482 : vector<128x1xi1> to vector<128x128xi1>
    %broadcast_in_dim3A_484 = vector.broadcast %jit3A_481 : f32 to vector<128x128xf32>
    %select_n3A_485 = arith.select %broadcast_in_dim3A_483, %slice3A_480, %broadcast_in_dim3A_484 : vector<128x128xi1>, vector<128x128xf32>
    %swap3A_486 = arith.constant 3712 : index
    %swap3A_487 = arith.constant 0 : index
    %swap3A_488 = vector.load %arg6[%swap3A_486, %swap3A_487] : memref<10000x128xf32, #tpu.memory_space<vmem>>, vector<128x128xf32>
    tpu.vector_store %arg6[%swap3A_486, %swap3A_487], %select_n3A_485 {strides = array<i32>} : memref<10000x128xf32, #tpu.memory_space<vmem>>, vector<128x128xf32>,
    %slice3A_489 = vector.extract_strided_slice %transpose3A {offsets = [0, 30], sizes = [128, 1], strides = [1, 1]} : vector<128x80xf32> to vector<128x1xf32>
    %gt3A_490 = arith.constant 0.000000e+00 : f32
    %gt3A_491 = vector.broadcast %gt3A_490 : f32 to vector<128x1xf32>
    %gt3A_492 = arith.cmpf ogt, %slice3A_489, %gt3A_491 : vector<128x1xf32>
    %slice3A_493 = vector.extract_strided_slice %max3A_306 {offsets = [1792, 0], sizes = [128, 128], strides = [1, 1]} : vector<2048x128xf32> to vector<128x128xf32>
    %jit3A_494 = arith.constant 0.000000e+00 : f32
    %broadcast_in_dim3A_495 = vector.shape_cast %gt3A_492 : vector<128x1xi1> to vector<128x1xi1>
    %broadcast_in_dim3A_496 = vector.broadcast %broadcast_in_dim3A_495 : vector<128x1xi1> to vector<128x128xi1>
    %broadcast_in_dim3A_497 = vector.broadcast %jit3A_494 : f32 to vector<128x128xf32>
    %select_n3A_498 = arith.select %broadcast_in_dim3A_496, %slice3A_493, %broadcast_in_dim3A_497 : vector<128x128xi1>, vector<128x128xf32>
    %swap3A_499 = arith.constant 3840 : index
    %swap3A_500 = arith.constant 0 : index
    %swap3A_501 = vector.load %arg6[%swap3A_499, %swap3A_500] : memref<10000x128xf32, #tpu.memory_space<vmem>>, vector<128x128xf32>
    tpu.vector_store %arg6[%swap3A_499, %swap3A_500], %select_n3A_498 {strides = array<i32>} : memref<10000x128xf32, #tpu.memory_space<vmem>>, vector<128x128xf32>,
    %slice3A_502 = vector.extract_strided_slice %transpose3A {offsets = [0, 31], sizes = [128, 1], strides = [1, 1]} : vector<128x80xf32> to vector<128x1xf32>
    %gt3A_503 = arith.constant 0.000000e+00 : f32
    %gt3A_504 = vector.broadcast %gt3A_503 : f32 to vector<128x1xf32>
    %gt3A_505 = arith.cmpf ogt, %slice3A_502, %gt3A_504 : vector<128x1xf32>
    %slice3A_506 = vector.extract_strided_slice %max3A_306 {offsets = [1920, 0], sizes = [128, 128], strides = [1, 1]} : vector<2048x128xf32> to vector<128x128xf32>
    %jit3A_507 = arith.constant 0.000000e+00 : f32
    %broadcast_in_dim3A_508 = vector.shape_cast %gt3A_505 : vector<128x1xi1> to vector<128x1xi1>
    %broadcast_in_dim3A_509 = vector.broadcast %broadcast_in_dim3A_508 : vector<128x1xi1> to vector<128x128xi1>
    %broadcast_in_dim3A_510 = vector.broadcast %jit3A_507 : f32 to vector<128x128xf32>
    %select_n3A_511 = arith.select %broadcast_in_dim3A_509, %slice3A_506, %broadcast_in_dim3A_510 : vector<128x128xi1>, vector<128x128xf32>
    %swap3A_512 = arith.constant 3968 : index
    %swap3A_513 = arith.constant 0 : index
    %swap3A_514 = vector.load %arg6[%swap3A_512, %swap3A_513] : memref<10000x128xf32, #tpu.memory_space<vmem>>, vector<128x128xf32>
    tpu.vector_store %arg6[%swap3A_512, %swap3A_513], %select_n3A_511 {strides = array<i32>} : memref<10000x128xf32, #tpu.memory_space<vmem>>, vector<128x128xf32>,
    %dma_start3A_515 = arith.constant 1 : i32
    %dma_start3A_516 = tpu.memref_slice %arg8[%dma_start3A_515] : memref<5x!tpu.dma_semaphore, #tpu.memory_space<semaphore_mem>> -> memref<1x!tpu.dma_semaphore, #tpu.memory_space<semaphore_mem>>
    %dma_start3A_517 = tpu.memref_squeeze %dma_start3A_516 : memref<1x!tpu.dma_semaphore, #tpu.memory_space<semaphore_mem>> -> memref<!tpu.dma_semaphore, #tpu.memory_space<semaphore_mem>>
    %dma_start3A_518 = arith.constant 2048 : i32
    %dma_start3A_519 = arith.constant 0 : i32
    %dma_start3A_520 = tpu.memref_slice %arg4[%dma_start3A_518, %dma_start3A_519] : memref<10000x128xf32, #tpu.memory_space<any>> -> memref<2048x128xf32, #tpu.memory_space<any>>
    %dma_start3A_521 = arith.constant 2048 : i32
    %dma_start3A_522 = arith.constant 0 : i32
    %dma_start3A_523 = tpu.memref_slice %arg6[%dma_start3A_521, %dma_start3A_522] : memref<10000x128xf32, #tpu.memory_space<vmem>> -> memref<2048x128xf32, #tpu.memory_space<vmem>>
    tpu.enqueue_dma source(%dma_start3A_523 : memref<2048x128xf32, #tpu.memory_space<vmem>>) target(%dma_start3A_520 : memref<2048x128xf32, #tpu.memory_space<any>>) target_semaphore(%dma_start3A_517 : memref<!tpu.dma_semaphore, #tpu.memory_space<semaphore_mem>>)
    %dma_wait3A_524 = arith.constant 2 : i32
    %dma_wait3A_525 = tpu.memref_slice %arg7[%dma_wait3A_524] : memref<5x!tpu.dma_semaphore, #tpu.memory_space<semaphore_mem>> -> memref<1x!tpu.dma_semaphore, #tpu.memory_space<semaphore_mem>>
    %dma_wait3A_526 = tpu.memref_squeeze %dma_wait3A_525 : memref<1x!tpu.dma_semaphore, #tpu.memory_space<semaphore_mem>> -> memref<!tpu.dma_semaphore, #tpu.memory_space<semaphore_mem>>
    %dma_wait3A_527 = arith.constant 4096 : i32
    %dma_wait3A_528 = arith.constant 0 : i32
    %dma_wait3A_529 = tpu.memref_slice %arg5[%dma_wait3A_527, %dma_wait3A_528] : memref<10000x128xf32, #tpu.memory_space<vmem>> -> memref<2048x128xf32, #tpu.memory_space<vmem>>
    %dma_wait3A_530 = arith.constant 4096 : i32
    %dma_wait3A_531 = arith.constant 0 : i32
    %dma_wait3A_532 = tpu.memref_slice %arg0[%dma_wait3A_530, %dma_wait3A_531] : memref<10000x128xf32, #tpu.memory_space<any>> -> memref<2048x128xf32, #tpu.memory_space<any>>
    tpu.wait_dma2 semaphore(%dma_wait3A_526 : memref<!tpu.dma_semaphore, #tpu.memory_space<semaphore_mem>>) src(%dma_wait3A_532 : memref<2048x128xf32, #tpu.memory_space<any>>) dst(%dma_wait3A_529 : memref<2048x128xf32, #tpu.memory_space<vmem>>)
    %get3A_533 = arith.constant 4096 : index
    %get3A_534 = arith.constant 0 : index
    %get3A_535 = vector.load %arg5[%get3A_533, %get3A_534] : memref<10000x128xf32, #tpu.memory_space<vmem>>, vector<2048x128xf32>
    %get3A_536 = arith.constant 0 : index
    %get3A_537 = arith.constant 0 : index
    %get3A_538 = vector.load %arg1[%get3A_536, %get3A_537] : memref<128x128xf32, #tpu.memory_space<vmem>>, vector<128x128xf32>
    %dot_general3A_539 = arith.constant dense<0.000000e+00> : vector<2048x128xf32>
    %dot_general3A_540 = tpu.matmul %get3A_535, %get3A_538, %dot_general3A_539 {dimension_numbers = #tpu.dot_dimension_numbers<[1], [1], [0], [0], [0, 0, 1, 0], [], []>, transpose_lhs_hint = false} : vector<2048x128xf32>, vector<128x128xf32>, vector<2048x128xf32> -> vector<2048x128xf32>
    %get3A_541 = arith.constant 0 : index
    %get3A_542 = vector.load %arg2[%get3A_541] : memref<128xf32, #tpu.memory_space<vmem>>, vector<128xf32>
    %broadcast_in_dim3A_543 = vector.shape_cast %get3A_542 : vector<128xf32> to vector<1x128xf32>
    %add3A_544 = vector.broadcast %broadcast_in_dim3A_543 : vector<1x128xf32> to vector<2048x128xf32>
    %add3A_545 = arith.addf %dot_general3A_540, %add3A_544 : vector<2048x128xf32>
    %max3A_546 = arith.constant 0.000000e+00 : f32
    %max3A_547 = vector.broadcast %max3A_546 : f32 to vector<2048x128xf32>
    %max3A_548 = arith.maximumf %add3A_545, %max3A_547 : vector<2048x128xf32>
    %slice3A_549 = vector.extract_strided_slice %transpose3A {offsets = [0, 32], sizes = [128, 1], strides = [1, 1]} : vector<128x80xf32> to vector<128x1xf32>
    %gt3A_550 = arith.constant 0.000000e+00 : f32
    %gt3A_551 = vector.broadcast %gt3A_550 : f32 to vector<128x1xf32>
    %gt3A_552 = arith.cmpf ogt, %slice3A_549, %gt3A_551 : vector<128x1xf32>
    %slice3A_553 = vector.extract_strided_slice %max3A_548 {offsets = [0, 0], sizes = [128, 128], strides = [1, 1]} : vector<2048x128xf32> to vector<128x128xf32>
    %jit3A_554 = arith.constant 0.000000e+00 : f32
    %broadcast_in_dim3A_555 = vector.shape_cast %gt3A_552 : vector<128x1xi1> to vector<128x1xi1>
    %broadcast_in_dim3A_556 = vector.broadcast %broadcast_in_dim3A_555 : vector<128x1xi1> to vector<128x128xi1>
    %broadcast_in_dim3A_557 = vector.broadcast %jit3A_554 : f32 to vector<128x128xf32>
    %select_n3A_558 = arith.select %broadcast_in_dim3A_556, %slice3A_553, %broadcast_in_dim3A_557 : vector<128x128xi1>, vector<128x128xf32>
    %swap3A_559 = arith.constant 4096 : index
    %swap3A_560 = arith.constant 0 : index
    %swap3A_561 = vector.load %arg6[%swap3A_559, %swap3A_560] : memref<10000x128xf32, #tpu.memory_space<vmem>>, vector<128x128xf32>
    tpu.vector_store %arg6[%swap3A_559, %swap3A_560], %select_n3A_558 {strides = array<i32>} : memref<10000x128xf32, #tpu.memory_space<vmem>>, vector<128x128xf32>,
    %slice3A_562 = vector.extract_strided_slice %transpose3A {offsets = [0, 33], sizes = [128, 1], strides = [1, 1]} : vector<128x80xf32> to vector<128x1xf32>
    %gt3A_563 = arith.constant 0.000000e+00 : f32
    %gt3A_564 = vector.broadcast %gt3A_563 : f32 to vector<128x1xf32>
    %gt3A_565 = arith.cmpf ogt, %slice3A_562, %gt3A_564 : vector<128x1xf32>
    %slice3A_566 = vector.extract_strided_slice %max3A_548 {offsets = [128, 0], sizes = [128, 128], strides = [1, 1]} : vector<2048x128xf32> to vector<128x128xf32>
    %jit3A_567 = arith.constant 0.000000e+00 : f32
    %broadcast_in_dim3A_568 = vector.shape_cast %gt3A_565 : vector<128x1xi1> to vector<128x1xi1>
    %broadcast_in_dim3A_569 = vector.broadcast %broadcast_in_dim3A_568 : vector<128x1xi1> to vector<128x128xi1>
    %broadcast_in_dim3A_570 = vector.broadcast %jit3A_567 : f32 to vector<128x128xf32>
    %select_n3A_571 = arith.select %broadcast_in_dim3A_569, %slice3A_566, %broadcast_in_dim3A_570 : vector<128x128xi1>, vector<128x128xf32>
    %swap3A_572 = arith.constant 4224 : index
    %swap3A_573 = arith.constant 0 : index
    %swap3A_574 = vector.load %arg6[%swap3A_572, %swap3A_573] : memref<10000x128xf32, #tpu.memory_space<vmem>>, vector<128x128xf32>
    tpu.vector_store %arg6[%swap3A_572, %swap3A_573], %select_n3A_571 {strides = array<i32>} : memref<10000x128xf32, #tpu.memory_space<vmem>>, vector<128x128xf32>,
    %slice3A_575 = vector.extract_strided_slice %transpose3A {offsets = [0, 34], sizes = [128, 1], strides = [1, 1]} : vector<128x80xf32> to vector<128x1xf32>
    %gt3A_576 = arith.constant 0.000000e+00 : f32
    %gt3A_577 = vector.broadcast %gt3A_576 : f32 to vector<128x1xf32>
    %gt3A_578 = arith.cmpf ogt, %slice3A_575, %gt3A_577 : vector<128x1xf32>
    %slice3A_579 = vector.extract_strided_slice %max3A_548 {offsets = [256, 0], sizes = [128, 128], strides = [1, 1]} : vector<2048x128xf32> to vector<128x128xf32>
    %jit3A_580 = arith.constant 0.000000e+00 : f32
    %broadcast_in_dim3A_581 = vector.shape_cast %gt3A_578 : vector<128x1xi1> to vector<128x1xi1>
    %broadcast_in_dim3A_582 = vector.broadcast %broadcast_in_dim3A_581 : vector<128x1xi1> to vector<128x128xi1>
    %broadcast_in_dim3A_583 = vector.broadcast %jit3A_580 : f32 to vector<128x128xf32>
    %select_n3A_584 = arith.select %broadcast_in_dim3A_582, %slice3A_579, %broadcast_in_dim3A_583 : vector<128x128xi1>, vector<128x128xf32>
    %swap3A_585 = arith.constant 4352 : index
    %swap3A_586 = arith.constant 0 : index
    %swap3A_587 = vector.load %arg6[%swap3A_585, %swap3A_586] : memref<10000x128xf32, #tpu.memory_space<vmem>>, vector<128x128xf32>
    tpu.vector_store %arg6[%swap3A_585, %swap3A_586], %select_n3A_584 {strides = array<i32>} : memref<10000x128xf32, #tpu.memory_space<vmem>>, vector<128x128xf32>,
    %slice3A_588 = vector.extract_strided_slice %transpose3A {offsets = [0, 35], sizes = [128, 1], strides = [1, 1]} : vector<128x80xf32> to vector<128x1xf32>
    %gt3A_589 = arith.constant 0.000000e+00 : f32
    %gt3A_590 = vector.broadcast %gt3A_589 : f32 to vector<128x1xf32>
    %gt3A_591 = arith.cmpf ogt, %slice3A_588, %gt3A_590 : vector<128x1xf32>
    %slice3A_592 = vector.extract_strided_slice %max3A_548 {offsets = [384, 0], sizes = [128, 128], strides = [1, 1]} : vector<2048x128xf32> to vector<128x128xf32>
    %jit3A_593 = arith.constant 0.000000e+00 : f32
    %broadcast_in_dim3A_594 = vector.shape_cast %gt3A_591 : vector<128x1xi1> to vector<128x1xi1>
    %broadcast_in_dim3A_595 = vector.broadcast %broadcast_in_dim3A_594 : vector<128x1xi1> to vector<128x128xi1>
    %broadcast_in_dim3A_596 = vector.broadcast %jit3A_593 : f32 to vector<128x128xf32>
    %select_n3A_597 = arith.select %broadcast_in_dim3A_595, %slice3A_592, %broadcast_in_dim3A_596 : vector<128x128xi1>, vector<128x128xf32>
    %swap3A_598 = arith.constant 4480 : index
    %swap3A_599 = arith.constant 0 : index
    %swap3A_600 = vector.load %arg6[%swap3A_598, %swap3A_599] : memref<10000x128xf32, #tpu.memory_space<vmem>>, vector<128x128xf32>
    tpu.vector_store %arg6[%swap3A_598, %swap3A_599], %select_n3A_597 {strides = array<i32>} : memref<10000x128xf32, #tpu.memory_space<vmem>>, vector<128x128xf32>,
    %slice3A_601 = vector.extract_strided_slice %transpose3A {offsets = [0, 36], sizes = [128, 1], strides = [1, 1]} : vector<128x80xf32> to vector<128x1xf32>
    %gt3A_602 = arith.constant 0.000000e+00 : f32
    %gt3A_603 = vector.broadcast %gt3A_602 : f32 to vector<128x1xf32>
    %gt3A_604 = arith.cmpf ogt, %slice3A_601, %gt3A_603 : vector<128x1xf32>
    %slice3A_605 = vector.extract_strided_slice %max3A_548 {offsets = [512, 0], sizes = [128, 128], strides = [1, 1]} : vector<2048x128xf32> to vector<128x128xf32>
    %jit3A_606 = arith.constant 0.000000e+00 : f32
    %broadcast_in_dim3A_607 = vector.shape_cast %gt3A_604 : vector<128x1xi1> to vector<128x1xi1>
    %broadcast_in_dim3A_608 = vector.broadcast %broadcast_in_dim3A_607 : vector<128x1xi1> to vector<128x128xi1>
    %broadcast_in_dim3A_609 = vector.broadcast %jit3A_606 : f32 to vector<128x128xf32>
    %select_n3A_610 = arith.select %broadcast_in_dim3A_608, %slice3A_605, %broadcast_in_dim3A_609 : vector<128x128xi1>, vector<128x128xf32>
    %swap3A_611 = arith.constant 4608 : index
    %swap3A_612 = arith.constant 0 : index
    %swap3A_613 = vector.load %arg6[%swap3A_611, %swap3A_612] : memref<10000x128xf32, #tpu.memory_space<vmem>>, vector<128x128xf32>
    tpu.vector_store %arg6[%swap3A_611, %swap3A_612], %select_n3A_610 {strides = array<i32>} : memref<10000x128xf32, #tpu.memory_space<vmem>>, vector<128x128xf32>,
    %slice3A_614 = vector.extract_strided_slice %transpose3A {offsets = [0, 37], sizes = [128, 1], strides = [1, 1]} : vector<128x80xf32> to vector<128x1xf32>
    %gt3A_615 = arith.constant 0.000000e+00 : f32
    %gt3A_616 = vector.broadcast %gt3A_615 : f32 to vector<128x1xf32>
    %gt3A_617 = arith.cmpf ogt, %slice3A_614, %gt3A_616 : vector<128x1xf32>
    %slice3A_618 = vector.extract_strided_slice %max3A_548 {offsets = [640, 0], sizes = [128, 128], strides = [1, 1]} : vector<2048x128xf32> to vector<128x128xf32>
    %jit3A_619 = arith.constant 0.000000e+00 : f32
    %broadcast_in_dim3A_620 = vector.shape_cast %gt3A_617 : vector<128x1xi1> to vector<128x1xi1>
    %broadcast_in_dim3A_621 = vector.broadcast %broadcast_in_dim3A_620 : vector<128x1xi1> to vector<128x128xi1>
    %broadcast_in_dim3A_622 = vector.broadcast %jit3A_619 : f32 to vector<128x128xf32>
    %select_n3A_623 = arith.select %broadcast_in_dim3A_621, %slice3A_618, %broadcast_in_dim3A_622 : vector<128x128xi1>, vector<128x128xf32>
    %swap3A_624 = arith.constant 4736 : index
    %swap3A_625 = arith.constant 0 : index
    %swap3A_626 = vector.load %arg6[%swap3A_624, %swap3A_625] : memref<10000x128xf32, #tpu.memory_space<vmem>>, vector<128x128xf32>
    tpu.vector_store %arg6[%swap3A_624, %swap3A_625], %select_n3A_623 {strides = array<i32>} : memref<10000x128xf32, #tpu.memory_space<vmem>>, vector<128x128xf32>,
    %slice3A_627 = vector.extract_strided_slice %transpose3A {offsets = [0, 38], sizes = [128, 1], strides = [1, 1]} : vector<128x80xf32> to vector<128x1xf32>
    %gt3A_628 = arith.constant 0.000000e+00 : f32
    %gt3A_629 = vector.broadcast %gt3A_628 : f32 to vector<128x1xf32>
    %gt3A_630 = arith.cmpf ogt, %slice3A_627, %gt3A_629 : vector<128x1xf32>
    %slice3A_631 = vector.extract_strided_slice %max3A_548 {offsets = [768, 0], sizes = [128, 128], strides = [1, 1]} : vector<2048x128xf32> to vector<128x128xf32>
    %jit3A_632 = arith.constant 0.000000e+00 : f32
    %broadcast_in_dim3A_633 = vector.shape_cast %gt3A_630 : vector<128x1xi1> to vector<128x1xi1>
    %broadcast_in_dim3A_634 = vector.broadcast %broadcast_in_dim3A_633 : vector<128x1xi1> to vector<128x128xi1>
    %broadcast_in_dim3A_635 = vector.broadcast %jit3A_632 : f32 to vector<128x128xf32>
    %select_n3A_636 = arith.select %broadcast_in_dim3A_634, %slice3A_631, %broadcast_in_dim3A_635 : vector<128x128xi1>, vector<128x128xf32>
    %swap3A_637 = arith.constant 4864 : index
    %swap3A_638 = arith.constant 0 : index
    %swap3A_639 = vector.load %arg6[%swap3A_637, %swap3A_638] : memref<10000x128xf32, #tpu.memory_space<vmem>>, vector<128x128xf32>
    tpu.vector_store %arg6[%swap3A_637, %swap3A_638], %select_n3A_636 {strides = array<i32>} : memref<10000x128xf32, #tpu.memory_space<vmem>>, vector<128x128xf32>,
    %slice3A_640 = vector.extract_strided_slice %transpose3A {offsets = [0, 39], sizes = [128, 1], strides = [1, 1]} : vector<128x80xf32> to vector<128x1xf32>
    %gt3A_641 = arith.constant 0.000000e+00 : f32
    %gt3A_642 = vector.broadcast %gt3A_641 : f32 to vector<128x1xf32>
    %gt3A_643 = arith.cmpf ogt, %slice3A_640, %gt3A_642 : vector<128x1xf32>
    %slice3A_644 = vector.extract_strided_slice %max3A_548 {offsets = [896, 0], sizes = [128, 128], strides = [1, 1]} : vector<2048x128xf32> to vector<128x128xf32>
    %jit3A_645 = arith.constant 0.000000e+00 : f32
    %broadcast_in_dim3A_646 = vector.shape_cast %gt3A_643 : vector<128x1xi1> to vector<128x1xi1>
    %broadcast_in_dim3A_647 = vector.broadcast %broadcast_in_dim3A_646 : vector<128x1xi1> to vector<128x128xi1>
    %broadcast_in_dim3A_648 = vector.broadcast %jit3A_645 : f32 to vector<128x128xf32>
    %select_n3A_649 = arith.select %broadcast_in_dim3A_647, %slice3A_644, %broadcast_in_dim3A_648 : vector<128x128xi1>, vector<128x128xf32>
    %swap3A_650 = arith.constant 4992 : index
    %swap3A_651 = arith.constant 0 : index
    %swap3A_652 = vector.load %arg6[%swap3A_650, %swap3A_651] : memref<10000x128xf32, #tpu.memory_space<vmem>>, vector<128x128xf32>
    tpu.vector_store %arg6[%swap3A_650, %swap3A_651], %select_n3A_649 {strides = array<i32>} : memref<10000x128xf32, #tpu.memory_space<vmem>>, vector<128x128xf32>,
    %slice3A_653 = vector.extract_strided_slice %transpose3A {offsets = [0, 40], sizes = [128, 1], strides = [1, 1]} : vector<128x80xf32> to vector<128x1xf32>
    %gt3A_654 = arith.constant 0.000000e+00 : f32
    %gt3A_655 = vector.broadcast %gt3A_654 : f32 to vector<128x1xf32>
    %gt3A_656 = arith.cmpf ogt, %slice3A_653, %gt3A_655 : vector<128x1xf32>
    %slice3A_657 = vector.extract_strided_slice %max3A_548 {offsets = [1024, 0], sizes = [128, 128], strides = [1, 1]} : vector<2048x128xf32> to vector<128x128xf32>
    %jit3A_658 = arith.constant 0.000000e+00 : f32
    %broadcast_in_dim3A_659 = vector.shape_cast %gt3A_656 : vector<128x1xi1> to vector<128x1xi1>
    %broadcast_in_dim3A_660 = vector.broadcast %broadcast_in_dim3A_659 : vector<128x1xi1> to vector<128x128xi1>
    %broadcast_in_dim3A_661 = vector.broadcast %jit3A_658 : f32 to vector<128x128xf32>
    %select_n3A_662 = arith.select %broadcast_in_dim3A_660, %slice3A_657, %broadcast_in_dim3A_661 : vector<128x128xi1>, vector<128x128xf32>
    %swap3A_663 = arith.constant 5120 : index
    %swap3A_664 = arith.constant 0 : index
    %swap3A_665 = vector.load %arg6[%swap3A_663, %swap3A_664] : memref<10000x128xf32, #tpu.memory_space<vmem>>, vector<128x128xf32>
    tpu.vector_store %arg6[%swap3A_663, %swap3A_664], %select_n3A_662 {strides = array<i32>} : memref<10000x128xf32, #tpu.memory_space<vmem>>, vector<128x128xf32>,
    %slice3A_666 = vector.extract_strided_slice %transpose3A {offsets = [0, 41], sizes = [128, 1], strides = [1, 1]} : vector<128x80xf32> to vector<128x1xf32>
    %gt3A_667 = arith.constant 0.000000e+00 : f32
    %gt3A_668 = vector.broadcast %gt3A_667 : f32 to vector<128x1xf32>
    %gt3A_669 = arith.cmpf ogt, %slice3A_666, %gt3A_668 : vector<128x1xf32>
    %slice3A_670 = vector.extract_strided_slice %max3A_548 {offsets = [1152, 0], sizes = [128, 128], strides = [1, 1]} : vector<2048x128xf32> to vector<128x128xf32>
    %jit3A_671 = arith.constant 0.000000e+00 : f32
    %broadcast_in_dim3A_672 = vector.shape_cast %gt3A_669 : vector<128x1xi1> to vector<128x1xi1>
    %broadcast_in_dim3A_673 = vector.broadcast %broadcast_in_dim3A_672 : vector<128x1xi1> to vector<128x128xi1>
    %broadcast_in_dim3A_674 = vector.broadcast %jit3A_671 : f32 to vector<128x128xf32>
    %select_n3A_675 = arith.select %broadcast_in_dim3A_673, %slice3A_670, %broadcast_in_dim3A_674 : vector<128x128xi1>, vector<128x128xf32>
    %swap3A_676 = arith.constant 5248 : index
    %swap3A_677 = arith.constant 0 : index
    %swap3A_678 = vector.load %arg6[%swap3A_676, %swap3A_677] : memref<10000x128xf32, #tpu.memory_space<vmem>>, vector<128x128xf32>
    tpu.vector_store %arg6[%swap3A_676, %swap3A_677], %select_n3A_675 {strides = array<i32>} : memref<10000x128xf32, #tpu.memory_space<vmem>>, vector<128x128xf32>,
    %slice3A_679 = vector.extract_strided_slice %transpose3A {offsets = [0, 42], sizes = [128, 1], strides = [1, 1]} : vector<128x80xf32> to vector<128x1xf32>
    %gt3A_680 = arith.constant 0.000000e+00 : f32
    %gt3A_681 = vector.broadcast %gt3A_680 : f32 to vector<128x1xf32>
    %gt3A_682 = arith.cmpf ogt, %slice3A_679, %gt3A_681 : vector<128x1xf32>
    %slice3A_683 = vector.extract_strided_slice %max3A_548 {offsets = [1280, 0], sizes = [128, 128], strides = [1, 1]} : vector<2048x128xf32> to vector<128x128xf32>
    %jit3A_684 = arith.constant 0.000000e+00 : f32
    %broadcast_in_dim3A_685 = vector.shape_cast %gt3A_682 : vector<128x1xi1> to vector<128x1xi1>
    %broadcast_in_dim3A_686 = vector.broadcast %broadcast_in_dim3A_685 : vector<128x1xi1> to vector<128x128xi1>
    %broadcast_in_dim3A_687 = vector.broadcast %jit3A_684 : f32 to vector<128x128xf32>
    %select_n3A_688 = arith.select %broadcast_in_dim3A_686, %slice3A_683, %broadcast_in_dim3A_687 : vector<128x128xi1>, vector<128x128xf32>
    %swap3A_689 = arith.constant 5376 : index
    %swap3A_690 = arith.constant 0 : index
    %swap3A_691 = vector.load %arg6[%swap3A_689, %swap3A_690] : memref<10000x128xf32, #tpu.memory_space<vmem>>, vector<128x128xf32>
    tpu.vector_store %arg6[%swap3A_689, %swap3A_690], %select_n3A_688 {strides = array<i32>} : memref<10000x128xf32, #tpu.memory_space<vmem>>, vector<128x128xf32>,
    %slice3A_692 = vector.extract_strided_slice %transpose3A {offsets = [0, 43], sizes = [128, 1], strides = [1, 1]} : vector<128x80xf32> to vector<128x1xf32>
    %gt3A_693 = arith.constant 0.000000e+00 : f32
    %gt3A_694 = vector.broadcast %gt3A_693 : f32 to vector<128x1xf32>
    %gt3A_695 = arith.cmpf ogt, %slice3A_692, %gt3A_694 : vector<128x1xf32>
    %slice3A_696 = vector.extract_strided_slice %max3A_548 {offsets = [1408, 0], sizes = [128, 128], strides = [1, 1]} : vector<2048x128xf32> to vector<128x128xf32>
    %jit3A_697 = arith.constant 0.000000e+00 : f32
    %broadcast_in_dim3A_698 = vector.shape_cast %gt3A_695 : vector<128x1xi1> to vector<128x1xi1>
    %broadcast_in_dim3A_699 = vector.broadcast %broadcast_in_dim3A_698 : vector<128x1xi1> to vector<128x128xi1>
    %broadcast_in_dim3A_700 = vector.broadcast %jit3A_697 : f32 to vector<128x128xf32>
    %select_n3A_701 = arith.select %broadcast_in_dim3A_699, %slice3A_696, %broadcast_in_dim3A_700 : vector<128x128xi1>, vector<128x128xf32>
    %swap3A_702 = arith.constant 5504 : index
    %swap3A_703 = arith.constant 0 : index
    %swap3A_704 = vector.load %arg6[%swap3A_702, %swap3A_703] : memref<10000x128xf32, #tpu.memory_space<vmem>>, vector<128x128xf32>
    tpu.vector_store %arg6[%swap3A_702, %swap3A_703], %select_n3A_701 {strides = array<i32>} : memref<10000x128xf32, #tpu.memory_space<vmem>>, vector<128x128xf32>,
    %slice3A_705 = vector.extract_strided_slice %transpose3A {offsets = [0, 44], sizes = [128, 1], strides = [1, 1]} : vector<128x80xf32> to vector<128x1xf32>
    %gt3A_706 = arith.constant 0.000000e+00 : f32
    %gt3A_707 = vector.broadcast %gt3A_706 : f32 to vector<128x1xf32>
    %gt3A_708 = arith.cmpf ogt, %slice3A_705, %gt3A_707 : vector<128x1xf32>
    %slice3A_709 = vector.extract_strided_slice %max3A_548 {offsets = [1536, 0], sizes = [128, 128], strides = [1, 1]} : vector<2048x128xf32> to vector<128x128xf32>
    %jit3A_710 = arith.constant 0.000000e+00 : f32
    %broadcast_in_dim3A_711 = vector.shape_cast %gt3A_708 : vector<128x1xi1> to vector<128x1xi1>
    %broadcast_in_dim3A_712 = vector.broadcast %broadcast_in_dim3A_711 : vector<128x1xi1> to vector<128x128xi1>
    %broadcast_in_dim3A_713 = vector.broadcast %jit3A_710 : f32 to vector<128x128xf32>
    %select_n3A_714 = arith.select %broadcast_in_dim3A_712, %slice3A_709, %broadcast_in_dim3A_713 : vector<128x128xi1>, vector<128x128xf32>
    %swap3A_715 = arith.constant 5632 : index
    %swap3A_716 = arith.constant 0 : index
    %swap3A_717 = vector.load %arg6[%swap3A_715, %swap3A_716] : memref<10000x128xf32, #tpu.memory_space<vmem>>, vector<128x128xf32>
    tpu.vector_store %arg6[%swap3A_715, %swap3A_716], %select_n3A_714 {strides = array<i32>} : memref<10000x128xf32, #tpu.memory_space<vmem>>, vector<128x128xf32>,
    %slice3A_718 = vector.extract_strided_slice %transpose3A {offsets = [0, 45], sizes = [128, 1], strides = [1, 1]} : vector<128x80xf32> to vector<128x1xf32>
    %gt3A_719 = arith.constant 0.000000e+00 : f32
    %gt3A_720 = vector.broadcast %gt3A_719 : f32 to vector<128x1xf32>
    %gt3A_721 = arith.cmpf ogt, %slice3A_718, %gt3A_720 : vector<128x1xf32>
    %slice3A_722 = vector.extract_strided_slice %max3A_548 {offsets = [1664, 0], sizes = [128, 128], strides = [1, 1]} : vector<2048x128xf32> to vector<128x128xf32>
    %jit3A_723 = arith.constant 0.000000e+00 : f32
    %broadcast_in_dim3A_724 = vector.shape_cast %gt3A_721 : vector<128x1xi1> to vector<128x1xi1>
    %broadcast_in_dim3A_725 = vector.broadcast %broadcast_in_dim3A_724 : vector<128x1xi1> to vector<128x128xi1>
    %broadcast_in_dim3A_726 = vector.broadcast %jit3A_723 : f32 to vector<128x128xf32>
    %select_n3A_727 = arith.select %broadcast_in_dim3A_725, %slice3A_722, %broadcast_in_dim3A_726 : vector<128x128xi1>, vector<128x128xf32>
    %swap3A_728 = arith.constant 5760 : index
    %swap3A_729 = arith.constant 0 : index
    %swap3A_730 = vector.load %arg6[%swap3A_728, %swap3A_729] : memref<10000x128xf32, #tpu.memory_space<vmem>>, vector<128x128xf32>
    tpu.vector_store %arg6[%swap3A_728, %swap3A_729], %select_n3A_727 {strides = array<i32>} : memref<10000x128xf32, #tpu.memory_space<vmem>>, vector<128x128xf32>,
    %slice3A_731 = vector.extract_strided_slice %transpose3A {offsets = [0, 46], sizes = [128, 1], strides = [1, 1]} : vector<128x80xf32> to vector<128x1xf32>
    %gt3A_732 = arith.constant 0.000000e+00 : f32
    %gt3A_733 = vector.broadcast %gt3A_732 : f32 to vector<128x1xf32>
    %gt3A_734 = arith.cmpf ogt, %slice3A_731, %gt3A_733 : vector<128x1xf32>
    %slice3A_735 = vector.extract_strided_slice %max3A_548 {offsets = [1792, 0], sizes = [128, 128], strides = [1, 1]} : vector<2048x128xf32> to vector<128x128xf32>
    %jit3A_736 = arith.constant 0.000000e+00 : f32
    %broadcast_in_dim3A_737 = vector.shape_cast %gt3A_734 : vector<128x1xi1> to vector<128x1xi1>
    %broadcast_in_dim3A_738 = vector.broadcast %broadcast_in_dim3A_737 : vector<128x1xi1> to vector<128x128xi1>
    %broadcast_in_dim3A_739 = vector.broadcast %jit3A_736 : f32 to vector<128x128xf32>
    %select_n3A_740 = arith.select %broadcast_in_dim3A_738, %slice3A_735, %broadcast_in_dim3A_739 : vector<128x128xi1>, vector<128x128xf32>
    %swap3A_741 = arith.constant 5888 : index
    %swap3A_742 = arith.constant 0 : index
    %swap3A_743 = vector.load %arg6[%swap3A_741, %swap3A_742] : memref<10000x128xf32, #tpu.memory_space<vmem>>, vector<128x128xf32>
    tpu.vector_store %arg6[%swap3A_741, %swap3A_742], %select_n3A_740 {strides = array<i32>} : memref<10000x128xf32, #tpu.memory_space<vmem>>, vector<128x128xf32>,
    %slice3A_744 = vector.extract_strided_slice %transpose3A {offsets = [0, 47], sizes = [128, 1], strides = [1, 1]} : vector<128x80xf32> to vector<128x1xf32>
    %gt3A_745 = arith.constant 0.000000e+00 : f32
    %gt3A_746 = vector.broadcast %gt3A_745 : f32 to vector<128x1xf32>
    %gt3A_747 = arith.cmpf ogt, %slice3A_744, %gt3A_746 : vector<128x1xf32>
    %slice3A_748 = vector.extract_strided_slice %max3A_548 {offsets = [1920, 0], sizes = [128, 128], strides = [1, 1]} : vector<2048x128xf32> to vector<128x128xf32>
    %jit3A_749 = arith.constant 0.000000e+00 : f32
    %broadcast_in_dim3A_750 = vector.shape_cast %gt3A_747 : vector<128x1xi1> to vector<128x1xi1>
    %broadcast_in_dim3A_751 = vector.broadcast %broadcast_in_dim3A_750 : vector<128x1xi1> to vector<128x128xi1>
    %broadcast_in_dim3A_752 = vector.broadcast %jit3A_749 : f32 to vector<128x128xf32>
    %select_n3A_753 = arith.select %broadcast_in_dim3A_751, %slice3A_748, %broadcast_in_dim3A_752 : vector<128x128xi1>, vector<128x128xf32>
    %swap3A_754 = arith.constant 6016 : index
    %swap3A_755 = arith.constant 0 : index
    %swap3A_756 = vector.load %arg6[%swap3A_754, %swap3A_755] : memref<10000x128xf32, #tpu.memory_space<vmem>>, vector<128x128xf32>
    tpu.vector_store %arg6[%swap3A_754, %swap3A_755], %select_n3A_753 {strides = array<i32>} : memref<10000x128xf32, #tpu.memory_space<vmem>>, vector<128x128xf32>,
    %dma_start3A_757 = arith.constant 2 : i32
    %dma_start3A_758 = tpu.memref_slice %arg8[%dma_start3A_757] : memref<5x!tpu.dma_semaphore, #tpu.memory_space<semaphore_mem>> -> memref<1x!tpu.dma_semaphore, #tpu.memory_space<semaphore_mem>>
    %dma_start3A_759 = tpu.memref_squeeze %dma_start3A_758 : memref<1x!tpu.dma_semaphore, #tpu.memory_space<semaphore_mem>> -> memref<!tpu.dma_semaphore, #tpu.memory_space<semaphore_mem>>
    %dma_start3A_760 = arith.constant 4096 : i32
    %dma_start3A_761 = arith.constant 0 : i32
    %dma_start3A_762 = tpu.memref_slice %arg4[%dma_start3A_760, %dma_start3A_761] : memref<10000x128xf32, #tpu.memory_space<any>> -> memref<2048x128xf32, #tpu.memory_space<any>>
    %dma_start3A_763 = arith.constant 4096 : i32
    %dma_start3A_764 = arith.constant 0 : i32
    %dma_start3A_765 = tpu.memref_slice %arg6[%dma_start3A_763, %dma_start3A_764] : memref<10000x128xf32, #tpu.memory_space<vmem>> -> memref<2048x128xf32, #tpu.memory_space<vmem>>
    tpu.enqueue_dma source(%dma_start3A_765 : memref<2048x128xf32, #tpu.memory_space<vmem>>) target(%dma_start3A_762 : memref<2048x128xf32, #tpu.memory_space<any>>) target_semaphore(%dma_start3A_759 : memref<!tpu.dma_semaphore, #tpu.memory_space<semaphore_mem>>)
    %dma_wait3A_766 = arith.constant 3 : i32
    %dma_wait3A_767 = tpu.memref_slice %arg7[%dma_wait3A_766] : memref<5x!tpu.dma_semaphore, #tpu.memory_space<semaphore_mem>> -> memref<1x!tpu.dma_semaphore, #tpu.memory_space<semaphore_mem>>
    %dma_wait3A_768 = tpu.memref_squeeze %dma_wait3A_767 : memref<1x!tpu.dma_semaphore, #tpu.memory_space<semaphore_mem>> -> memref<!tpu.dma_semaphore, #tpu.memory_space<semaphore_mem>>
    %dma_wait3A_769 = arith.constant 6144 : i32
    %dma_wait3A_770 = arith.constant 0 : i32
    %dma_wait3A_771 = tpu.memref_slice %arg5[%dma_wait3A_769, %dma_wait3A_770] : memref<10000x128xf32, #tpu.memory_space<vmem>> -> memref<2048x128xf32, #tpu.memory_space<vmem>>
    %dma_wait3A_772 = arith.constant 6144 : i32
    %dma_wait3A_773 = arith.constant 0 : i32
    %dma_wait3A_774 = tpu.memref_slice %arg0[%dma_wait3A_772, %dma_wait3A_773] : memref<10000x128xf32, #tpu.memory_space<any>> -> memref<2048x128xf32, #tpu.memory_space<any>>
    tpu.wait_dma2 semaphore(%dma_wait3A_768 : memref<!tpu.dma_semaphore, #tpu.memory_space<semaphore_mem>>) src(%dma_wait3A_774 : memref<2048x128xf32, #tpu.memory_space<any>>) dst(%dma_wait3A_771 : memref<2048x128xf32, #tpu.memory_space<vmem>>)
    %get3A_775 = arith.constant 6144 : index
    %get3A_776 = arith.constant 0 : index
    %get3A_777 = vector.load %arg5[%get3A_775, %get3A_776] : memref<10000x128xf32, #tpu.memory_space<vmem>>, vector<2048x128xf32>
    %get3A_778 = arith.constant 0 : index
    %get3A_779 = arith.constant 0 : index
    %get3A_780 = vector.load %arg1[%get3A_778, %get3A_779] : memref<128x128xf32, #tpu.memory_space<vmem>>, vector<128x128xf32>
    %dot_general3A_781 = arith.constant dense<0.000000e+00> : vector<2048x128xf32>
    %dot_general3A_782 = tpu.matmul %get3A_777, %get3A_780, %dot_general3A_781 {dimension_numbers = #tpu.dot_dimension_numbers<[1], [1], [0], [0], [0, 0, 1, 0], [], []>, transpose_lhs_hint = false} : vector<2048x128xf32>, vector<128x128xf32>, vector<2048x128xf32> -> vector<2048x128xf32>
    %get3A_783 = arith.constant 0 : index
    %get3A_784 = vector.load %arg2[%get3A_783] : memref<128xf32, #tpu.memory_space<vmem>>, vector<128xf32>
    %broadcast_in_dim3A_785 = vector.shape_cast %get3A_784 : vector<128xf32> to vector<1x128xf32>
    %add3A_786 = vector.broadcast %broadcast_in_dim3A_785 : vector<1x128xf32> to vector<2048x128xf32>
    %add3A_787 = arith.addf %dot_general3A_782, %add3A_786 : vector<2048x128xf32>
    %max3A_788 = arith.constant 0.000000e+00 : f32
    %max3A_789 = vector.broadcast %max3A_788 : f32 to vector<2048x128xf32>
    %max3A_790 = arith.maximumf %add3A_787, %max3A_789 : vector<2048x128xf32>
    %slice3A_791 = vector.extract_strided_slice %transpose3A {offsets = [0, 48], sizes = [128, 1], strides = [1, 1]} : vector<128x80xf32> to vector<128x1xf32>
    %gt3A_792 = arith.constant 0.000000e+00 : f32
    %gt3A_793 = vector.broadcast %gt3A_792 : f32 to vector<128x1xf32>
    %gt3A_794 = arith.cmpf ogt, %slice3A_791, %gt3A_793 : vector<128x1xf32>
    %slice3A_795 = vector.extract_strided_slice %max3A_790 {offsets = [0, 0], sizes = [128, 128], strides = [1, 1]} : vector<2048x128xf32> to vector<128x128xf32>
    %jit3A_796 = arith.constant 0.000000e+00 : f32
    %broadcast_in_dim3A_797 = vector.shape_cast %gt3A_794 : vector<128x1xi1> to vector<128x1xi1>
    %broadcast_in_dim3A_798 = vector.broadcast %broadcast_in_dim3A_797 : vector<128x1xi1> to vector<128x128xi1>
    %broadcast_in_dim3A_799 = vector.broadcast %jit3A_796 : f32 to vector<128x128xf32>
    %select_n3A_800 = arith.select %broadcast_in_dim3A_798, %slice3A_795, %broadcast_in_dim3A_799 : vector<128x128xi1>, vector<128x128xf32>
    %swap3A_801 = arith.constant 6144 : index
    %swap3A_802 = arith.constant 0 : index
    %swap3A_803 = vector.load %arg6[%swap3A_801, %swap3A_802] : memref<10000x128xf32, #tpu.memory_space<vmem>>, vector<128x128xf32>
    tpu.vector_store %arg6[%swap3A_801, %swap3A_802], %select_n3A_800 {strides = array<i32>} : memref<10000x128xf32, #tpu.memory_space<vmem>>, vector<128x128xf32>,
    %slice3A_804 = vector.extract_strided_slice %transpose3A {offsets = [0, 49], sizes = [128, 1], strides = [1, 1]} : vector<128x80xf32> to vector<128x1xf32>
    %gt3A_805 = arith.constant 0.000000e+00 : f32
    %gt3A_806 = vector.broadcast %gt3A_805 : f32 to vector<128x1xf32>
    %gt3A_807 = arith.cmpf ogt, %slice3A_804, %gt3A_806 : vector<128x1xf32>
    %slice3A_808 = vector.extract_strided_slice %max3A_790 {offsets = [128, 0], sizes = [128, 128], strides = [1, 1]} : vector<2048x128xf32> to vector<128x128xf32>
    %jit3A_809 = arith.constant 0.000000e+00 : f32
    %broadcast_in_dim3A_810 = vector.shape_cast %gt3A_807 : vector<128x1xi1> to vector<128x1xi1>
    %broadcast_in_dim3A_811 = vector.broadcast %broadcast_in_dim3A_810 : vector<128x1xi1> to vector<128x128xi1>
    %broadcast_in_dim3A_812 = vector.broadcast %jit3A_809 : f32 to vector<128x128xf32>
    %select_n3A_813 = arith.select %broadcast_in_dim3A_811, %slice3A_808, %broadcast_in_dim3A_812 : vector<128x128xi1>, vector<128x128xf32>
    %swap3A_814 = arith.constant 6272 : index
    %swap3A_815 = arith.constant 0 : index
    %swap3A_816 = vector.load %arg6[%swap3A_814, %swap3A_815] : memref<10000x128xf32, #tpu.memory_space<vmem>>, vector<128x128xf32>
    tpu.vector_store %arg6[%swap3A_814, %swap3A_815], %select_n3A_813 {strides = array<i32>} : memref<10000x128xf32, #tpu.memory_space<vmem>>, vector<128x128xf32>,
    %slice3A_817 = vector.extract_strided_slice %transpose3A {offsets = [0, 50], sizes = [128, 1], strides = [1, 1]} : vector<128x80xf32> to vector<128x1xf32>
    %gt3A_818 = arith.constant 0.000000e+00 : f32
    %gt3A_819 = vector.broadcast %gt3A_818 : f32 to vector<128x1xf32>
    %gt3A_820 = arith.cmpf ogt, %slice3A_817, %gt3A_819 : vector<128x1xf32>
    %slice3A_821 = vector.extract_strided_slice %max3A_790 {offsets = [256, 0], sizes = [128, 128], strides = [1, 1]} : vector<2048x128xf32> to vector<128x128xf32>
    %jit3A_822 = arith.constant 0.000000e+00 : f32
    %broadcast_in_dim3A_823 = vector.shape_cast %gt3A_820 : vector<128x1xi1> to vector<128x1xi1>
    %broadcast_in_dim3A_824 = vector.broadcast %broadcast_in_dim3A_823 : vector<128x1xi1> to vector<128x128xi1>
    %broadcast_in_dim3A_825 = vector.broadcast %jit3A_822 : f32 to vector<128x128xf32>
    %select_n3A_826 = arith.select %broadcast_in_dim3A_824, %slice3A_821, %broadcast_in_dim3A_825 : vector<128x128xi1>, vector<128x128xf32>
    %swap3A_827 = arith.constant 6400 : index
    %swap3A_828 = arith.constant 0 : index
    %swap3A_829 = vector.load %arg6[%swap3A_827, %swap3A_828] : memref<10000x128xf32, #tpu.memory_space<vmem>>, vector<128x128xf32>
    tpu.vector_store %arg6[%swap3A_827, %swap3A_828], %select_n3A_826 {strides = array<i32>} : memref<10000x128xf32, #tpu.memory_space<vmem>>, vector<128x128xf32>,
    %slice3A_830 = vector.extract_strided_slice %transpose3A {offsets = [0, 51], sizes = [128, 1], strides = [1, 1]} : vector<128x80xf32> to vector<128x1xf32>
    %gt3A_831 = arith.constant 0.000000e+00 : f32
    %gt3A_832 = vector.broadcast %gt3A_831 : f32 to vector<128x1xf32>
    %gt3A_833 = arith.cmpf ogt, %slice3A_830, %gt3A_832 : vector<128x1xf32>
    %slice3A_834 = vector.extract_strided_slice %max3A_790 {offsets = [384, 0], sizes = [128, 128], strides = [1, 1]} : vector<2048x128xf32> to vector<128x128xf32>
    %jit3A_835 = arith.constant 0.000000e+00 : f32
    %broadcast_in_dim3A_836 = vector.shape_cast %gt3A_833 : vector<128x1xi1> to vector<128x1xi1>
    %broadcast_in_dim3A_837 = vector.broadcast %broadcast_in_dim3A_836 : vector<128x1xi1> to vector<128x128xi1>
    %broadcast_in_dim3A_838 = vector.broadcast %jit3A_835 : f32 to vector<128x128xf32>
    %select_n3A_839 = arith.select %broadcast_in_dim3A_837, %slice3A_834, %broadcast_in_dim3A_838 : vector<128x128xi1>, vector<128x128xf32>
    %swap3A_840 = arith.constant 6528 : index
    %swap3A_841 = arith.constant 0 : index
    %swap3A_842 = vector.load %arg6[%swap3A_840, %swap3A_841] : memref<10000x128xf32, #tpu.memory_space<vmem>>, vector<128x128xf32>
    tpu.vector_store %arg6[%swap3A_840, %swap3A_841], %select_n3A_839 {strides = array<i32>} : memref<10000x128xf32, #tpu.memory_space<vmem>>, vector<128x128xf32>,
    %slice3A_843 = vector.extract_strided_slice %transpose3A {offsets = [0, 52], sizes = [128, 1], strides = [1, 1]} : vector<128x80xf32> to vector<128x1xf32>
    %gt3A_844 = arith.constant 0.000000e+00 : f32
    %gt3A_845 = vector.broadcast %gt3A_844 : f32 to vector<128x1xf32>
    %gt3A_846 = arith.cmpf ogt, %slice3A_843, %gt3A_845 : vector<128x1xf32>
    %slice3A_847 = vector.extract_strided_slice %max3A_790 {offsets = [512, 0], sizes = [128, 128], strides = [1, 1]} : vector<2048x128xf32> to vector<128x128xf32>
    %jit3A_848 = arith.constant 0.000000e+00 : f32
    %broadcast_in_dim3A_849 = vector.shape_cast %gt3A_846 : vector<128x1xi1> to vector<128x1xi1>
    %broadcast_in_dim3A_850 = vector.broadcast %broadcast_in_dim3A_849 : vector<128x1xi1> to vector<128x128xi1>
    %broadcast_in_dim3A_851 = vector.broadcast %jit3A_848 : f32 to vector<128x128xf32>
    %select_n3A_852 = arith.select %broadcast_in_dim3A_850, %slice3A_847, %broadcast_in_dim3A_851 : vector<128x128xi1>, vector<128x128xf32>
    %swap3A_853 = arith.constant 6656 : index
    %swap3A_854 = arith.constant 0 : index
    %swap3A_855 = vector.load %arg6[%swap3A_853, %swap3A_854] : memref<10000x128xf32, #tpu.memory_space<vmem>>, vector<128x128xf32>
    tpu.vector_store %arg6[%swap3A_853, %swap3A_854], %select_n3A_852 {strides = array<i32>} : memref<10000x128xf32, #tpu.memory_space<vmem>>, vector<128x128xf32>,
    %slice3A_856 = vector.extract_strided_slice %transpose3A {offsets = [0, 53], sizes = [128, 1], strides = [1, 1]} : vector<128x80xf32> to vector<128x1xf32>
    %gt3A_857 = arith.constant 0.000000e+00 : f32
    %gt3A_858 = vector.broadcast %gt3A_857 : f32 to vector<128x1xf32>
    %gt3A_859 = arith.cmpf ogt, %slice3A_856, %gt3A_858 : vector<128x1xf32>
    %slice3A_860 = vector.extract_strided_slice %max3A_790 {offsets = [640, 0], sizes = [128, 128], strides = [1, 1]} : vector<2048x128xf32> to vector<128x128xf32>
    %jit3A_861 = arith.constant 0.000000e+00 : f32
    %broadcast_in_dim3A_862 = vector.shape_cast %gt3A_859 : vector<128x1xi1> to vector<128x1xi1>
    %broadcast_in_dim3A_863 = vector.broadcast %broadcast_in_dim3A_862 : vector<128x1xi1> to vector<128x128xi1>
    %broadcast_in_dim3A_864 = vector.broadcast %jit3A_861 : f32 to vector<128x128xf32>
    %select_n3A_865 = arith.select %broadcast_in_dim3A_863, %slice3A_860, %broadcast_in_dim3A_864 : vector<128x128xi1>, vector<128x128xf32>
    %swap3A_866 = arith.constant 6784 : index
    %swap3A_867 = arith.constant 0 : index
    %swap3A_868 = vector.load %arg6[%swap3A_866, %swap3A_867] : memref<10000x128xf32, #tpu.memory_space<vmem>>, vector<128x128xf32>
    tpu.vector_store %arg6[%swap3A_866, %swap3A_867], %select_n3A_865 {strides = array<i32>} : memref<10000x128xf32, #tpu.memory_space<vmem>>, vector<128x128xf32>,
    %slice3A_869 = vector.extract_strided_slice %transpose3A {offsets = [0, 54], sizes = [128, 1], strides = [1, 1]} : vector<128x80xf32> to vector<128x1xf32>
    %gt3A_870 = arith.constant 0.000000e+00 : f32
    %gt3A_871 = vector.broadcast %gt3A_870 : f32 to vector<128x1xf32>
    %gt3A_872 = arith.cmpf ogt, %slice3A_869, %gt3A_871 : vector<128x1xf32>
    %slice3A_873 = vector.extract_strided_slice %max3A_790 {offsets = [768, 0], sizes = [128, 128], strides = [1, 1]} : vector<2048x128xf32> to vector<128x128xf32>
    %jit3A_874 = arith.constant 0.000000e+00 : f32
    %broadcast_in_dim3A_875 = vector.shape_cast %gt3A_872 : vector<128x1xi1> to vector<128x1xi1>
    %broadcast_in_dim3A_876 = vector.broadcast %broadcast_in_dim3A_875 : vector<128x1xi1> to vector<128x128xi1>
    %broadcast_in_dim3A_877 = vector.broadcast %jit3A_874 : f32 to vector<128x128xf32>
    %select_n3A_878 = arith.select %broadcast_in_dim3A_876, %slice3A_873, %broadcast_in_dim3A_877 : vector<128x128xi1>, vector<128x128xf32>
    %swap3A_879 = arith.constant 6912 : index
    %swap3A_880 = arith.constant 0 : index
    %swap3A_881 = vector.load %arg6[%swap3A_879, %swap3A_880] : memref<10000x128xf32, #tpu.memory_space<vmem>>, vector<128x128xf32>
    tpu.vector_store %arg6[%swap3A_879, %swap3A_880], %select_n3A_878 {strides = array<i32>} : memref<10000x128xf32, #tpu.memory_space<vmem>>, vector<128x128xf32>,
    %slice3A_882 = vector.extract_strided_slice %transpose3A {offsets = [0, 55], sizes = [128, 1], strides = [1, 1]} : vector<128x80xf32> to vector<128x1xf32>
    %gt3A_883 = arith.constant 0.000000e+00 : f32
    %gt3A_884 = vector.broadcast %gt3A_883 : f32 to vector<128x1xf32>
    %gt3A_885 = arith.cmpf ogt, %slice3A_882, %gt3A_884 : vector<128x1xf32>
    %slice3A_886 = vector.extract_strided_slice %max3A_790 {offsets = [896, 0], sizes = [128, 128], strides = [1, 1]} : vector<2048x128xf32> to vector<128x128xf32>
    %jit3A_887 = arith.constant 0.000000e+00 : f32
    %broadcast_in_dim3A_888 = vector.shape_cast %gt3A_885 : vector<128x1xi1> to vector<128x1xi1>
    %broadcast_in_dim3A_889 = vector.broadcast %broadcast_in_dim3A_888 : vector<128x1xi1> to vector<128x128xi1>
    %broadcast_in_dim3A_890 = vector.broadcast %jit3A_887 : f32 to vector<128x128xf32>
    %select_n3A_891 = arith.select %broadcast_in_dim3A_889, %slice3A_886, %broadcast_in_dim3A_890 : vector<128x128xi1>, vector<128x128xf32>
    %swap3A_892 = arith.constant 7040 : index
    %swap3A_893 = arith.constant 0 : index
    %swap3A_894 = vector.load %arg6[%swap3A_892, %swap3A_893] : memref<10000x128xf32, #tpu.memory_space<vmem>>, vector<128x128xf32>
    tpu.vector_store %arg6[%swap3A_892, %swap3A_893], %select_n3A_891 {strides = array<i32>} : memref<10000x128xf32, #tpu.memory_space<vmem>>, vector<128x128xf32>,
    %slice3A_895 = vector.extract_strided_slice %transpose3A {offsets = [0, 56], sizes = [128, 1], strides = [1, 1]} : vector<128x80xf32> to vector<128x1xf32>
    %gt3A_896 = arith.constant 0.000000e+00 : f32
    %gt3A_897 = vector.broadcast %gt3A_896 : f32 to vector<128x1xf32>
    %gt3A_898 = arith.cmpf ogt, %slice3A_895, %gt3A_897 : vector<128x1xf32>
    %slice3A_899 = vector.extract_strided_slice %max3A_790 {offsets = [1024, 0], sizes = [128, 128], strides = [1, 1]} : vector<2048x128xf32> to vector<128x128xf32>
    %jit3A_900 = arith.constant 0.000000e+00 : f32
    %broadcast_in_dim3A_901 = vector.shape_cast %gt3A_898 : vector<128x1xi1> to vector<128x1xi1>
    %broadcast_in_dim3A_902 = vector.broadcast %broadcast_in_dim3A_901 : vector<128x1xi1> to vector<128x128xi1>
    %broadcast_in_dim3A_903 = vector.broadcast %jit3A_900 : f32 to vector<128x128xf32>
    %select_n3A_904 = arith.select %broadcast_in_dim3A_902, %slice3A_899, %broadcast_in_dim3A_903 : vector<128x128xi1>, vector<128x128xf32>
    %swap3A_905 = arith.constant 7168 : index
    %swap3A_906 = arith.constant 0 : index
    %swap3A_907 = vector.load %arg6[%swap3A_905, %swap3A_906] : memref<10000x128xf32, #tpu.memory_space<vmem>>, vector<128x128xf32>
    tpu.vector_store %arg6[%swap3A_905, %swap3A_906], %select_n3A_904 {strides = array<i32>} : memref<10000x128xf32, #tpu.memory_space<vmem>>, vector<128x128xf32>,
    %slice3A_908 = vector.extract_strided_slice %transpose3A {offsets = [0, 57], sizes = [128, 1], strides = [1, 1]} : vector<128x80xf32> to vector<128x1xf32>
    %gt3A_909 = arith.constant 0.000000e+00 : f32
    %gt3A_910 = vector.broadcast %gt3A_909 : f32 to vector<128x1xf32>
    %gt3A_911 = arith.cmpf ogt, %slice3A_908, %gt3A_910 : vector<128x1xf32>
    %slice3A_912 = vector.extract_strided_slice %max3A_790 {offsets = [1152, 0], sizes = [128, 128], strides = [1, 1]} : vector<2048x128xf32> to vector<128x128xf32>
    %jit3A_913 = arith.constant 0.000000e+00 : f32
    %broadcast_in_dim3A_914 = vector.shape_cast %gt3A_911 : vector<128x1xi1> to vector<128x1xi1>
    %broadcast_in_dim3A_915 = vector.broadcast %broadcast_in_dim3A_914 : vector<128x1xi1> to vector<128x128xi1>
    %broadcast_in_dim3A_916 = vector.broadcast %jit3A_913 : f32 to vector<128x128xf32>
    %select_n3A_917 = arith.select %broadcast_in_dim3A_915, %slice3A_912, %broadcast_in_dim3A_916 : vector<128x128xi1>, vector<128x128xf32>
    %swap3A_918 = arith.constant 7296 : index
    %swap3A_919 = arith.constant 0 : index
    %swap3A_920 = vector.load %arg6[%swap3A_918, %swap3A_919] : memref<10000x128xf32, #tpu.memory_space<vmem>>, vector<128x128xf32>
    tpu.vector_store %arg6[%swap3A_918, %swap3A_919], %select_n3A_917 {strides = array<i32>} : memref<10000x128xf32, #tpu.memory_space<vmem>>, vector<128x128xf32>,
    %slice3A_921 = vector.extract_strided_slice %transpose3A {offsets = [0, 58], sizes = [128, 1], strides = [1, 1]} : vector<128x80xf32> to vector<128x1xf32>
    %gt3A_922 = arith.constant 0.000000e+00 : f32
    %gt3A_923 = vector.broadcast %gt3A_922 : f32 to vector<128x1xf32>
    %gt3A_924 = arith.cmpf ogt, %slice3A_921, %gt3A_923 : vector<128x1xf32>
    %slice3A_925 = vector.extract_strided_slice %max3A_790 {offsets = [1280, 0], sizes = [128, 128], strides = [1, 1]} : vector<2048x128xf32> to vector<128x128xf32>
    %jit3A_926 = arith.constant 0.000000e+00 : f32
    %broadcast_in_dim3A_927 = vector.shape_cast %gt3A_924 : vector<128x1xi1> to vector<128x1xi1>
    %broadcast_in_dim3A_928 = vector.broadcast %broadcast_in_dim3A_927 : vector<128x1xi1> to vector<128x128xi1>
    %broadcast_in_dim3A_929 = vector.broadcast %jit3A_926 : f32 to vector<128x128xf32>
    %select_n3A_930 = arith.select %broadcast_in_dim3A_928, %slice3A_925, %broadcast_in_dim3A_929 : vector<128x128xi1>, vector<128x128xf32>
    %swap3A_931 = arith.constant 7424 : index
    %swap3A_932 = arith.constant 0 : index
    %swap3A_933 = vector.load %arg6[%swap3A_931, %swap3A_932] : memref<10000x128xf32, #tpu.memory_space<vmem>>, vector<128x128xf32>
    tpu.vector_store %arg6[%swap3A_931, %swap3A_932], %select_n3A_930 {strides = array<i32>} : memref<10000x128xf32, #tpu.memory_space<vmem>>, vector<128x128xf32>,
    %slice3A_934 = vector.extract_strided_slice %transpose3A {offsets = [0, 59], sizes = [128, 1], strides = [1, 1]} : vector<128x80xf32> to vector<128x1xf32>
    %gt3A_935 = arith.constant 0.000000e+00 : f32
    %gt3A_936 = vector.broadcast %gt3A_935 : f32 to vector<128x1xf32>
    %gt3A_937 = arith.cmpf ogt, %slice3A_934, %gt3A_936 : vector<128x1xf32>
    %slice3A_938 = vector.extract_strided_slice %max3A_790 {offsets = [1408, 0], sizes = [128, 128], strides = [1, 1]} : vector<2048x128xf32> to vector<128x128xf32>
    %jit3A_939 = arith.constant 0.000000e+00 : f32
    %broadcast_in_dim3A_940 = vector.shape_cast %gt3A_937 : vector<128x1xi1> to vector<128x1xi1>
    %broadcast_in_dim3A_941 = vector.broadcast %broadcast_in_dim3A_940 : vector<128x1xi1> to vector<128x128xi1>
    %broadcast_in_dim3A_942 = vector.broadcast %jit3A_939 : f32 to vector<128x128xf32>
    %select_n3A_943 = arith.select %broadcast_in_dim3A_941, %slice3A_938, %broadcast_in_dim3A_942 : vector<128x128xi1>, vector<128x128xf32>
    %swap3A_944 = arith.constant 7552 : index
    %swap3A_945 = arith.constant 0 : index
    %swap3A_946 = vector.load %arg6[%swap3A_944, %swap3A_945] : memref<10000x128xf32, #tpu.memory_space<vmem>>, vector<128x128xf32>
    tpu.vector_store %arg6[%swap3A_944, %swap3A_945], %select_n3A_943 {strides = array<i32>} : memref<10000x128xf32, #tpu.memory_space<vmem>>, vector<128x128xf32>,
    %slice3A_947 = vector.extract_strided_slice %transpose3A {offsets = [0, 60], sizes = [128, 1], strides = [1, 1]} : vector<128x80xf32> to vector<128x1xf32>
    %gt3A_948 = arith.constant 0.000000e+00 : f32
    %gt3A_949 = vector.broadcast %gt3A_948 : f32 to vector<128x1xf32>
    %gt3A_950 = arith.cmpf ogt, %slice3A_947, %gt3A_949 : vector<128x1xf32>
    %slice3A_951 = vector.extract_strided_slice %max3A_790 {offsets = [1536, 0], sizes = [128, 128], strides = [1, 1]} : vector<2048x128xf32> to vector<128x128xf32>
    %jit3A_952 = arith.constant 0.000000e+00 : f32
    %broadcast_in_dim3A_953 = vector.shape_cast %gt3A_950 : vector<128x1xi1> to vector<128x1xi1>
    %broadcast_in_dim3A_954 = vector.broadcast %broadcast_in_dim3A_953 : vector<128x1xi1> to vector<128x128xi1>
    %broadcast_in_dim3A_955 = vector.broadcast %jit3A_952 : f32 to vector<128x128xf32>
    %select_n3A_956 = arith.select %broadcast_in_dim3A_954, %slice3A_951, %broadcast_in_dim3A_955 : vector<128x128xi1>, vector<128x128xf32>
    %swap3A_957 = arith.constant 7680 : index
    %swap3A_958 = arith.constant 0 : index
    %swap3A_959 = vector.load %arg6[%swap3A_957, %swap3A_958] : memref<10000x128xf32, #tpu.memory_space<vmem>>, vector<128x128xf32>
    tpu.vector_store %arg6[%swap3A_957, %swap3A_958], %select_n3A_956 {strides = array<i32>} : memref<10000x128xf32, #tpu.memory_space<vmem>>, vector<128x128xf32>,
    %slice3A_960 = vector.extract_strided_slice %transpose3A {offsets = [0, 61], sizes = [128, 1], strides = [1, 1]} : vector<128x80xf32> to vector<128x1xf32>
    %gt3A_961 = arith.constant 0.000000e+00 : f32
    %gt3A_962 = vector.broadcast %gt3A_961 : f32 to vector<128x1xf32>
    %gt3A_963 = arith.cmpf ogt, %slice3A_960, %gt3A_962 : vector<128x1xf32>
    %slice3A_964 = vector.extract_strided_slice %max3A_790 {offsets = [1664, 0], sizes = [128, 128], strides = [1, 1]} : vector<2048x128xf32> to vector<128x128xf32>
    %jit3A_965 = arith.constant 0.000000e+00 : f32
    %broadcast_in_dim3A_966 = vector.shape_cast %gt3A_963 : vector<128x1xi1> to vector<128x1xi1>
    %broadcast_in_dim3A_967 = vector.broadcast %broadcast_in_dim3A_966 : vector<128x1xi1> to vector<128x128xi1>
    %broadcast_in_dim3A_968 = vector.broadcast %jit3A_965 : f32 to vector<128x128xf32>
    %select_n3A_969 = arith.select %broadcast_in_dim3A_967, %slice3A_964, %broadcast_in_dim3A_968 : vector<128x128xi1>, vector<128x128xf32>
    %swap3A_970 = arith.constant 7808 : index
    %swap3A_971 = arith.constant 0 : index
    %swap3A_972 = vector.load %arg6[%swap3A_970, %swap3A_971] : memref<10000x128xf32, #tpu.memory_space<vmem>>, vector<128x128xf32>
    tpu.vector_store %arg6[%swap3A_970, %swap3A_971], %select_n3A_969 {strides = array<i32>} : memref<10000x128xf32, #tpu.memory_space<vmem>>, vector<128x128xf32>,
    %slice3A_973 = vector.extract_strided_slice %transpose3A {offsets = [0, 62], sizes = [128, 1], strides = [1, 1]} : vector<128x80xf32> to vector<128x1xf32>
    %gt3A_974 = arith.constant 0.000000e+00 : f32
    %gt3A_975 = vector.broadcast %gt3A_974 : f32 to vector<128x1xf32>
    %gt3A_976 = arith.cmpf ogt, %slice3A_973, %gt3A_975 : vector<128x1xf32>
    %slice3A_977 = vector.extract_strided_slice %max3A_790 {offsets = [1792, 0], sizes = [128, 128], strides = [1, 1]} : vector<2048x128xf32> to vector<128x128xf32>
    %jit3A_978 = arith.constant 0.000000e+00 : f32
    %broadcast_in_dim3A_979 = vector.shape_cast %gt3A_976 : vector<128x1xi1> to vector<128x1xi1>
    %broadcast_in_dim3A_980 = vector.broadcast %broadcast_in_dim3A_979 : vector<128x1xi1> to vector<128x128xi1>
    %broadcast_in_dim3A_981 = vector.broadcast %jit3A_978 : f32 to vector<128x128xf32>
    %select_n3A_982 = arith.select %broadcast_in_dim3A_980, %slice3A_977, %broadcast_in_dim3A_981 : vector<128x128xi1>, vector<128x128xf32>
    %swap3A_983 = arith.constant 7936 : index
    %swap3A_984 = arith.constant 0 : index
    %swap3A_985 = vector.load %arg6[%swap3A_983, %swap3A_984] : memref<10000x128xf32, #tpu.memory_space<vmem>>, vector<128x128xf32>
    tpu.vector_store %arg6[%swap3A_983, %swap3A_984], %select_n3A_982 {strides = array<i32>} : memref<10000x128xf32, #tpu.memory_space<vmem>>, vector<128x128xf32>,
    %slice3A_986 = vector.extract_strided_slice %transpose3A {offsets = [0, 63], sizes = [128, 1], strides = [1, 1]} : vector<128x80xf32> to vector<128x1xf32>
    %gt3A_987 = arith.constant 0.000000e+00 : f32
    %gt3A_988 = vector.broadcast %gt3A_987 : f32 to vector<128x1xf32>
    %gt3A_989 = arith.cmpf ogt, %slice3A_986, %gt3A_988 : vector<128x1xf32>
    %slice3A_990 = vector.extract_strided_slice %max3A_790 {offsets = [1920, 0], sizes = [128, 128], strides = [1, 1]} : vector<2048x128xf32> to vector<128x128xf32>
    %jit3A_991 = arith.constant 0.000000e+00 : f32
    %broadcast_in_dim3A_992 = vector.shape_cast %gt3A_989 : vector<128x1xi1> to vector<128x1xi1>
    %broadcast_in_dim3A_993 = vector.broadcast %broadcast_in_dim3A_992 : vector<128x1xi1> to vector<128x128xi1>
    %broadcast_in_dim3A_994 = vector.broadcast %jit3A_991 : f32 to vector<128x128xf32>
    %select_n3A_995 = arith.select %broadcast_in_dim3A_993, %slice3A_990, %broadcast_in_dim3A_994 : vector<128x128xi1>, vector<128x128xf32>
    %swap3A_996 = arith.constant 8064 : index
    %swap3A_997 = arith.constant 0 : index
    %swap3A_998 = vector.load %arg6[%swap3A_996, %swap3A_997] : memref<10000x128xf32, #tpu.memory_space<vmem>>, vector<128x128xf32>
    tpu.vector_store %arg6[%swap3A_996, %swap3A_997], %select_n3A_995 {strides = array<i32>} : memref<10000x128xf32, #tpu.memory_space<vmem>>, vector<128x128xf32>,
    %dma_start3A_999 = arith.constant 3 : i32
    %dma_start3A_1000 = tpu.memref_slice %arg8[%dma_start3A_999] : memref<5x!tpu.dma_semaphore, #tpu.memory_space<semaphore_mem>> -> memref<1x!tpu.dma_semaphore, #tpu.memory_space<semaphore_mem>>
    %dma_start3A_1001 = tpu.memref_squeeze %dma_start3A_1000 : memref<1x!tpu.dma_semaphore, #tpu.memory_space<semaphore_mem>> -> memref<!tpu.dma_semaphore, #tpu.memory_space<semaphore_mem>>
    %dma_start3A_1002 = arith.constant 6144 : i32
    %dma_start3A_1003 = arith.constant 0 : i32
    %dma_start3A_1004 = tpu.memref_slice %arg4[%dma_start3A_1002, %dma_start3A_1003] : memref<10000x128xf32, #tpu.memory_space<any>> -> memref<2048x128xf32, #tpu.memory_space<any>>
    %dma_start3A_1005 = arith.constant 6144 : i32
    %dma_start3A_1006 = arith.constant 0 : i32
    %dma_start3A_1007 = tpu.memref_slice %arg6[%dma_start3A_1005, %dma_start3A_1006] : memref<10000x128xf32, #tpu.memory_space<vmem>> -> memref<2048x128xf32, #tpu.memory_space<vmem>>
    tpu.enqueue_dma source(%dma_start3A_1007 : memref<2048x128xf32, #tpu.memory_space<vmem>>) target(%dma_start3A_1004 : memref<2048x128xf32, #tpu.memory_space<any>>) target_semaphore(%dma_start3A_1001 : memref<!tpu.dma_semaphore, #tpu.memory_space<semaphore_mem>>)
    %dma_wait3A_1008 = arith.constant 4 : i32
    %dma_wait3A_1009 = tpu.memref_slice %arg7[%dma_wait3A_1008] : memref<5x!tpu.dma_semaphore, #tpu.memory_space<semaphore_mem>> -> memref<1x!tpu.dma_semaphore, #tpu.memory_space<semaphore_mem>>
    %dma_wait3A_1010 = tpu.memref_squeeze %dma_wait3A_1009 : memref<1x!tpu.dma_semaphore, #tpu.memory_space<semaphore_mem>> -> memref<!tpu.dma_semaphore, #tpu.memory_space<semaphore_mem>>
    %dma_wait3A_1011 = arith.constant 8192 : i32
    %dma_wait3A_1012 = arith.constant 0 : i32
    %dma_wait3A_1013 = tpu.memref_slice %arg5[%dma_wait3A_1011, %dma_wait3A_1012] : memref<10000x128xf32, #tpu.memory_space<vmem>> -> memref<1808x128xf32, #tpu.memory_space<vmem>>
    %dma_wait3A_1014 = arith.constant 8192 : i32
    %dma_wait3A_1015 = arith.constant 0 : i32
    %dma_wait3A_1016 = tpu.memref_slice %arg0[%dma_wait3A_1014, %dma_wait3A_1015] : memref<10000x128xf32, #tpu.memory_space<any>> -> memref<1808x128xf32, #tpu.memory_space<any>>
    tpu.wait_dma2 semaphore(%dma_wait3A_1010 : memref<!tpu.dma_semaphore, #tpu.memory_space<semaphore_mem>>) src(%dma_wait3A_1016 : memref<1808x128xf32, #tpu.memory_space<any>>) dst(%dma_wait3A_1013 : memref<1808x128xf32, #tpu.memory_space<vmem>>)
    %get3A_1017 = arith.constant 8192 : index
    %get3A_1018 = arith.constant 0 : index
    %get3A_1019 = vector.load %arg5[%get3A_1017, %get3A_1018] : memref<10000x128xf32, #tpu.memory_space<vmem>>, vector<1808x128xf32>
    %get3A_1020 = arith.constant 0 : index
    %get3A_1021 = arith.constant 0 : index
    %get3A_1022 = vector.load %arg1[%get3A_1020, %get3A_1021] : memref<128x128xf32, #tpu.memory_space<vmem>>, vector<128x128xf32>
    %dot_general3A_1023 = arith.constant dense<0.000000e+00> : vector<1808x128xf32>
    %dot_general3A_1024 = tpu.matmul %get3A_1019, %get3A_1022, %dot_general3A_1023 {dimension_numbers = #tpu.dot_dimension_numbers<[1], [1], [0], [0], [0, 0, 1, 0], [], []>, transpose_lhs_hint = false} : vector<1808x128xf32>, vector<128x128xf32>, vector<1808x128xf32> -> vector<1808x128xf32>
    %get3A_1025 = arith.constant 0 : index
    %get3A_1026 = vector.load %arg2[%get3A_1025] : memref<128xf32, #tpu.memory_space<vmem>>, vector<128xf32>
    %broadcast_in_dim3A_1027 = vector.shape_cast %get3A_1026 : vector<128xf32> to vector<1x128xf32>
    %add3A_1028 = vector.broadcast %broadcast_in_dim3A_1027 : vector<1x128xf32> to vector<1808x128xf32>
    %add3A_1029 = arith.addf %dot_general3A_1024, %add3A_1028 : vector<1808x128xf32>
    %max3A_1030 = arith.constant 0.000000e+00 : f32
    %max3A_1031 = vector.broadcast %max3A_1030 : f32 to vector<1808x128xf32>
    %max3A_1032 = arith.maximumf %add3A_1029, %max3A_1031 : vector<1808x128xf32>
    %slice3A_1033 = vector.extract_strided_slice %transpose3A {offsets = [0, 64], sizes = [128, 1], strides = [1, 1]} : vector<128x80xf32> to vector<128x1xf32>
    %gt3A_1034 = arith.constant 0.000000e+00 : f32
    %gt3A_1035 = vector.broadcast %gt3A_1034 : f32 to vector<128x1xf32>
    %gt3A_1036 = arith.cmpf ogt, %slice3A_1033, %gt3A_1035 : vector<128x1xf32>
    %slice3A_1037 = vector.extract_strided_slice %max3A_1032 {offsets = [0, 0], sizes = [128, 128], strides = [1, 1]} : vector<1808x128xf32> to vector<128x128xf32>
    %jit3A_1038 = arith.constant 0.000000e+00 : f32
    %broadcast_in_dim3A_1039 = vector.shape_cast %gt3A_1036 : vector<128x1xi1> to vector<128x1xi1>
    %broadcast_in_dim3A_1040 = vector.broadcast %broadcast_in_dim3A_1039 : vector<128x1xi1> to vector<128x128xi1>
    %broadcast_in_dim3A_1041 = vector.broadcast %jit3A_1038 : f32 to vector<128x128xf32>
    %select_n3A_1042 = arith.select %broadcast_in_dim3A_1040, %slice3A_1037, %broadcast_in_dim3A_1041 : vector<128x128xi1>, vector<128x128xf32>
    %swap3A_1043 = arith.constant 8192 : index
    %swap3A_1044 = arith.constant 0 : index
    %swap3A_1045 = vector.load %arg6[%swap3A_1043, %swap3A_1044] : memref<10000x128xf32, #tpu.memory_space<vmem>>, vector<128x128xf32>
    tpu.vector_store %arg6[%swap3A_1043, %swap3A_1044], %select_n3A_1042 {strides = array<i32>} : memref<10000x128xf32, #tpu.memory_space<vmem>>, vector<128x128xf32>,
    %slice3A_1046 = vector.extract_strided_slice %transpose3A {offsets = [0, 65], sizes = [128, 1], strides = [1, 1]} : vector<128x80xf32> to vector<128x1xf32>
    %gt3A_1047 = arith.constant 0.000000e+00 : f32
    %gt3A_1048 = vector.broadcast %gt3A_1047 : f32 to vector<128x1xf32>
    %gt3A_1049 = arith.cmpf ogt, %slice3A_1046, %gt3A_1048 : vector<128x1xf32>
    %slice3A_1050 = vector.extract_strided_slice %max3A_1032 {offsets = [128, 0], sizes = [128, 128], strides = [1, 1]} : vector<1808x128xf32> to vector<128x128xf32>
    %jit3A_1051 = arith.constant 0.000000e+00 : f32
    %broadcast_in_dim3A_1052 = vector.shape_cast %gt3A_1049 : vector<128x1xi1> to vector<128x1xi1>
    %broadcast_in_dim3A_1053 = vector.broadcast %broadcast_in_dim3A_1052 : vector<128x1xi1> to vector<128x128xi1>
    %broadcast_in_dim3A_1054 = vector.broadcast %jit3A_1051 : f32 to vector<128x128xf32>
    %select_n3A_1055 = arith.select %broadcast_in_dim3A_1053, %slice3A_1050, %broadcast_in_dim3A_1054 : vector<128x128xi1>, vector<128x128xf32>
    %swap3A_1056 = arith.constant 8320 : index
    %swap3A_1057 = arith.constant 0 : index
    %swap3A_1058 = vector.load %arg6[%swap3A_1056, %swap3A_1057] : memref<10000x128xf32, #tpu.memory_space<vmem>>, vector<128x128xf32>
    tpu.vector_store %arg6[%swap3A_1056, %swap3A_1057], %select_n3A_1055 {strides = array<i32>} : memref<10000x128xf32, #tpu.memory_space<vmem>>, vector<128x128xf32>,
    %slice3A_1059 = vector.extract_strided_slice %transpose3A {offsets = [0, 66], sizes = [128, 1], strides = [1, 1]} : vector<128x80xf32> to vector<128x1xf32>
    %gt3A_1060 = arith.constant 0.000000e+00 : f32
    %gt3A_1061 = vector.broadcast %gt3A_1060 : f32 to vector<128x1xf32>
    %gt3A_1062 = arith.cmpf ogt, %slice3A_1059, %gt3A_1061 : vector<128x1xf32>
    %slice3A_1063 = vector.extract_strided_slice %max3A_1032 {offsets = [256, 0], sizes = [128, 128], strides = [1, 1]} : vector<1808x128xf32> to vector<128x128xf32>
    %jit3A_1064 = arith.constant 0.000000e+00 : f32
    %broadcast_in_dim3A_1065 = vector.shape_cast %gt3A_1062 : vector<128x1xi1> to vector<128x1xi1>
    %broadcast_in_dim3A_1066 = vector.broadcast %broadcast_in_dim3A_1065 : vector<128x1xi1> to vector<128x128xi1>
    %broadcast_in_dim3A_1067 = vector.broadcast %jit3A_1064 : f32 to vector<128x128xf32>
    %select_n3A_1068 = arith.select %broadcast_in_dim3A_1066, %slice3A_1063, %broadcast_in_dim3A_1067 : vector<128x128xi1>, vector<128x128xf32>
    %swap3A_1069 = arith.constant 8448 : index
    %swap3A_1070 = arith.constant 0 : index
    %swap3A_1071 = vector.load %arg6[%swap3A_1069, %swap3A_1070] : memref<10000x128xf32, #tpu.memory_space<vmem>>, vector<128x128xf32>
    tpu.vector_store %arg6[%swap3A_1069, %swap3A_1070], %select_n3A_1068 {strides = array<i32>} : memref<10000x128xf32, #tpu.memory_space<vmem>>, vector<128x128xf32>,
    %slice3A_1072 = vector.extract_strided_slice %transpose3A {offsets = [0, 67], sizes = [128, 1], strides = [1, 1]} : vector<128x80xf32> to vector<128x1xf32>
    %gt3A_1073 = arith.constant 0.000000e+00 : f32
    %gt3A_1074 = vector.broadcast %gt3A_1073 : f32 to vector<128x1xf32>
    %gt3A_1075 = arith.cmpf ogt, %slice3A_1072, %gt3A_1074 : vector<128x1xf32>
    %slice3A_1076 = vector.extract_strided_slice %max3A_1032 {offsets = [384, 0], sizes = [128, 128], strides = [1, 1]} : vector<1808x128xf32> to vector<128x128xf32>
    %jit3A_1077 = arith.constant 0.000000e+00 : f32
    %broadcast_in_dim3A_1078 = vector.shape_cast %gt3A_1075 : vector<128x1xi1> to vector<128x1xi1>
    %broadcast_in_dim3A_1079 = vector.broadcast %broadcast_in_dim3A_1078 : vector<128x1xi1> to vector<128x128xi1>
    %broadcast_in_dim3A_1080 = vector.broadcast %jit3A_1077 : f32 to vector<128x128xf32>
    %select_n3A_1081 = arith.select %broadcast_in_dim3A_1079, %slice3A_1076, %broadcast_in_dim3A_1080 : vector<128x128xi1>, vector<128x128xf32>
    %swap3A_1082 = arith.constant 8576 : index
    %swap3A_1083 = arith.constant 0 : index
    %swap3A_1084 = vector.load %arg6[%swap3A_1082, %swap3A_1083] : memref<10000x128xf32, #tpu.memory_space<vmem>>, vector<128x128xf32>
    tpu.vector_store %arg6[%swap3A_1082, %swap3A_1083], %select_n3A_1081 {strides = array<i32>} : memref<10000x128xf32, #tpu.memory_space<vmem>>, vector<128x128xf32>,
    %slice3A_1085 = vector.extract_strided_slice %transpose3A {offsets = [0, 68], sizes = [128, 1], strides = [1, 1]} : vector<128x80xf32> to vector<128x1xf32>
    %gt3A_1086 = arith.constant 0.000000e+00 : f32
    %gt3A_1087 = vector.broadcast %gt3A_1086 : f32 to vector<128x1xf32>
    %gt3A_1088 = arith.cmpf ogt, %slice3A_1085, %gt3A_1087 : vector<128x1xf32>
    %slice3A_1089 = vector.extract_strided_slice %max3A_1032 {offsets = [512, 0], sizes = [128, 128], strides = [1, 1]} : vector<1808x128xf32> to vector<128x128xf32>
    %jit3A_1090 = arith.constant 0.000000e+00 : f32
    %broadcast_in_dim3A_1091 = vector.shape_cast %gt3A_1088 : vector<128x1xi1> to vector<128x1xi1>
    %broadcast_in_dim3A_1092 = vector.broadcast %broadcast_in_dim3A_1091 : vector<128x1xi1> to vector<128x128xi1>
    %broadcast_in_dim3A_1093 = vector.broadcast %jit3A_1090 : f32 to vector<128x128xf32>
    %select_n3A_1094 = arith.select %broadcast_in_dim3A_1092, %slice3A_1089, %broadcast_in_dim3A_1093 : vector<128x128xi1>, vector<128x128xf32>
    %swap3A_1095 = arith.constant 8704 : index
    %swap3A_1096 = arith.constant 0 : index
    %swap3A_1097 = vector.load %arg6[%swap3A_1095, %swap3A_1096] : memref<10000x128xf32, #tpu.memory_space<vmem>>, vector<128x128xf32>
    tpu.vector_store %arg6[%swap3A_1095, %swap3A_1096], %select_n3A_1094 {strides = array<i32>} : memref<10000x128xf32, #tpu.memory_space<vmem>>, vector<128x128xf32>,
    %slice3A_1098 = vector.extract_strided_slice %transpose3A {offsets = [0, 69], sizes = [128, 1], strides = [1, 1]} : vector<128x80xf32> to vector<128x1xf32>
    %gt3A_1099 = arith.constant 0.000000e+00 : f32
    %gt3A_1100 = vector.broadcast %gt3A_1099 : f32 to vector<128x1xf32>
    %gt3A_1101 = arith.cmpf ogt, %slice3A_1098, %gt3A_1100 : vector<128x1xf32>
    %slice3A_1102 = vector.extract_strided_slice %max3A_1032 {offsets = [640, 0], sizes = [128, 128], strides = [1, 1]} : vector<1808x128xf32> to vector<128x128xf32>
    %jit3A_1103 = arith.constant 0.000000e+00 : f32
    %broadcast_in_dim3A_1104 = vector.shape_cast %gt3A_1101 : vector<128x1xi1> to vector<128x1xi1>
    %broadcast_in_dim3A_1105 = vector.broadcast %broadcast_in_dim3A_1104 : vector<128x1xi1> to vector<128x128xi1>
    %broadcast_in_dim3A_1106 = vector.broadcast %jit3A_1103 : f32 to vector<128x128xf32>
    %select_n3A_1107 = arith.select %broadcast_in_dim3A_1105, %slice3A_1102, %broadcast_in_dim3A_1106 : vector<128x128xi1>, vector<128x128xf32>
    %swap3A_1108 = arith.constant 8832 : index
    %swap3A_1109 = arith.constant 0 : index
    %swap3A_1110 = vector.load %arg6[%swap3A_1108, %swap3A_1109] : memref<10000x128xf32, #tpu.memory_space<vmem>>, vector<128x128xf32>
    tpu.vector_store %arg6[%swap3A_1108, %swap3A_1109], %select_n3A_1107 {strides = array<i32>} : memref<10000x128xf32, #tpu.memory_space<vmem>>, vector<128x128xf32>,
    %slice3A_1111 = vector.extract_strided_slice %transpose3A {offsets = [0, 70], sizes = [128, 1], strides = [1, 1]} : vector<128x80xf32> to vector<128x1xf32>
    %gt3A_1112 = arith.constant 0.000000e+00 : f32
    %gt3A_1113 = vector.broadcast %gt3A_1112 : f32 to vector<128x1xf32>
    %gt3A_1114 = arith.cmpf ogt, %slice3A_1111, %gt3A_1113 : vector<128x1xf32>
    %slice3A_1115 = vector.extract_strided_slice %max3A_1032 {offsets = [768, 0], sizes = [128, 128], strides = [1, 1]} : vector<1808x128xf32> to vector<128x128xf32>
    %jit3A_1116 = arith.constant 0.000000e+00 : f32
    %broadcast_in_dim3A_1117 = vector.shape_cast %gt3A_1114 : vector<128x1xi1> to vector<128x1xi1>
    %broadcast_in_dim3A_1118 = vector.broadcast %broadcast_in_dim3A_1117 : vector<128x1xi1> to vector<128x128xi1>
    %broadcast_in_dim3A_1119 = vector.broadcast %jit3A_1116 : f32 to vector<128x128xf32>
    %select_n3A_1120 = arith.select %broadcast_in_dim3A_1118, %slice3A_1115, %broadcast_in_dim3A_1119 : vector<128x128xi1>, vector<128x128xf32>
    %swap3A_1121 = arith.constant 8960 : index
    %swap3A_1122 = arith.constant 0 : index
    %swap3A_1123 = vector.load %arg6[%swap3A_1121, %swap3A_1122] : memref<10000x128xf32, #tpu.memory_space<vmem>>, vector<128x128xf32>
    tpu.vector_store %arg6[%swap3A_1121, %swap3A_1122], %select_n3A_1120 {strides = array<i32>} : memref<10000x128xf32, #tpu.memory_space<vmem>>, vector<128x128xf32>,
    %slice3A_1124 = vector.extract_strided_slice %transpose3A {offsets = [0, 71], sizes = [128, 1], strides = [1, 1]} : vector<128x80xf32> to vector<128x1xf32>
    %gt3A_1125 = arith.constant 0.000000e+00 : f32
    %gt3A_1126 = vector.broadcast %gt3A_1125 : f32 to vector<128x1xf32>
    %gt3A_1127 = arith.cmpf ogt, %slice3A_1124, %gt3A_1126 : vector<128x1xf32>
    %slice3A_1128 = vector.extract_strided_slice %max3A_1032 {offsets = [896, 0], sizes = [128, 128], strides = [1, 1]} : vector<1808x128xf32> to vector<128x128xf32>
    %jit3A_1129 = arith.constant 0.000000e+00 : f32
    %broadcast_in_dim3A_1130 = vector.shape_cast %gt3A_1127 : vector<128x1xi1> to vector<128x1xi1>
    %broadcast_in_dim3A_1131 = vector.broadcast %broadcast_in_dim3A_1130 : vector<128x1xi1> to vector<128x128xi1>
    %broadcast_in_dim3A_1132 = vector.broadcast %jit3A_1129 : f32 to vector<128x128xf32>
    %select_n3A_1133 = arith.select %broadcast_in_dim3A_1131, %slice3A_1128, %broadcast_in_dim3A_1132 : vector<128x128xi1>, vector<128x128xf32>
    %swap3A_1134 = arith.constant 9088 : index
    %swap3A_1135 = arith.constant 0 : index
    %swap3A_1136 = vector.load %arg6[%swap3A_1134, %swap3A_1135] : memref<10000x128xf32, #tpu.memory_space<vmem>>, vector<128x128xf32>
    tpu.vector_store %arg6[%swap3A_1134, %swap3A_1135], %select_n3A_1133 {strides = array<i32>} : memref<10000x128xf32, #tpu.memory_space<vmem>>, vector<128x128xf32>,
    %slice3A_1137 = vector.extract_strided_slice %transpose3A {offsets = [0, 72], sizes = [128, 1], strides = [1, 1]} : vector<128x80xf32> to vector<128x1xf32>
    %gt3A_1138 = arith.constant 0.000000e+00 : f32
    %gt3A_1139 = vector.broadcast %gt3A_1138 : f32 to vector<128x1xf32>
    %gt3A_1140 = arith.cmpf ogt, %slice3A_1137, %gt3A_1139 : vector<128x1xf32>
    %slice3A_1141 = vector.extract_strided_slice %max3A_1032 {offsets = [1024, 0], sizes = [128, 128], strides = [1, 1]} : vector<1808x128xf32> to vector<128x128xf32>
    %jit3A_1142 = arith.constant 0.000000e+00 : f32
    %broadcast_in_dim3A_1143 = vector.shape_cast %gt3A_1140 : vector<128x1xi1> to vector<128x1xi1>
    %broadcast_in_dim3A_1144 = vector.broadcast %broadcast_in_dim3A_1143 : vector<128x1xi1> to vector<128x128xi1>
    %broadcast_in_dim3A_1145 = vector.broadcast %jit3A_1142 : f32 to vector<128x128xf32>
    %select_n3A_1146 = arith.select %broadcast_in_dim3A_1144, %slice3A_1141, %broadcast_in_dim3A_1145 : vector<128x128xi1>, vector<128x128xf32>
    %swap3A_1147 = arith.constant 9216 : index
    %swap3A_1148 = arith.constant 0 : index
    %swap3A_1149 = vector.load %arg6[%swap3A_1147, %swap3A_1148] : memref<10000x128xf32, #tpu.memory_space<vmem>>, vector<128x128xf32>
    tpu.vector_store %arg6[%swap3A_1147, %swap3A_1148], %select_n3A_1146 {strides = array<i32>} : memref<10000x128xf32, #tpu.memory_space<vmem>>, vector<128x128xf32>,
    %slice3A_1150 = vector.extract_strided_slice %transpose3A {offsets = [0, 73], sizes = [128, 1], strides = [1, 1]} : vector<128x80xf32> to vector<128x1xf32>
    %gt3A_1151 = arith.constant 0.000000e+00 : f32
    %gt3A_1152 = vector.broadcast %gt3A_1151 : f32 to vector<128x1xf32>
    %gt3A_1153 = arith.cmpf ogt, %slice3A_1150, %gt3A_1152 : vector<128x1xf32>
    %slice3A_1154 = vector.extract_strided_slice %max3A_1032 {offsets = [1152, 0], sizes = [128, 128], strides = [1, 1]} : vector<1808x128xf32> to vector<128x128xf32>
    %jit3A_1155 = arith.constant 0.000000e+00 : f32
    %broadcast_in_dim3A_1156 = vector.shape_cast %gt3A_1153 : vector<128x1xi1> to vector<128x1xi1>
    %broadcast_in_dim3A_1157 = vector.broadcast %broadcast_in_dim3A_1156 : vector<128x1xi1> to vector<128x128xi1>
    %broadcast_in_dim3A_1158 = vector.broadcast %jit3A_1155 : f32 to vector<128x128xf32>
    %select_n3A_1159 = arith.select %broadcast_in_dim3A_1157, %slice3A_1154, %broadcast_in_dim3A_1158 : vector<128x128xi1>, vector<128x128xf32>
    %swap3A_1160 = arith.constant 9344 : index
    %swap3A_1161 = arith.constant 0 : index
    %swap3A_1162 = vector.load %arg6[%swap3A_1160, %swap3A_1161] : memref<10000x128xf32, #tpu.memory_space<vmem>>, vector<128x128xf32>
    tpu.vector_store %arg6[%swap3A_1160, %swap3A_1161], %select_n3A_1159 {strides = array<i32>} : memref<10000x128xf32, #tpu.memory_space<vmem>>, vector<128x128xf32>,
    %slice3A_1163 = vector.extract_strided_slice %transpose3A {offsets = [0, 74], sizes = [128, 1], strides = [1, 1]} : vector<128x80xf32> to vector<128x1xf32>
    %gt3A_1164 = arith.constant 0.000000e+00 : f32
    %gt3A_1165 = vector.broadcast %gt3A_1164 : f32 to vector<128x1xf32>
    %gt3A_1166 = arith.cmpf ogt, %slice3A_1163, %gt3A_1165 : vector<128x1xf32>
    %slice3A_1167 = vector.extract_strided_slice %max3A_1032 {offsets = [1280, 0], sizes = [128, 128], strides = [1, 1]} : vector<1808x128xf32> to vector<128x128xf32>
    %jit3A_1168 = arith.constant 0.000000e+00 : f32
    %broadcast_in_dim3A_1169 = vector.shape_cast %gt3A_1166 : vector<128x1xi1> to vector<128x1xi1>
    %broadcast_in_dim3A_1170 = vector.broadcast %broadcast_in_dim3A_1169 : vector<128x1xi1> to vector<128x128xi1>
    %broadcast_in_dim3A_1171 = vector.broadcast %jit3A_1168 : f32 to vector<128x128xf32>
    %select_n3A_1172 = arith.select %broadcast_in_dim3A_1170, %slice3A_1167, %broadcast_in_dim3A_1171 : vector<128x128xi1>, vector<128x128xf32>
    %swap3A_1173 = arith.constant 9472 : index
    %swap3A_1174 = arith.constant 0 : index
    %swap3A_1175 = vector.load %arg6[%swap3A_1173, %swap3A_1174] : memref<10000x128xf32, #tpu.memory_space<vmem>>, vector<128x128xf32>
    tpu.vector_store %arg6[%swap3A_1173, %swap3A_1174], %select_n3A_1172 {strides = array<i32>} : memref<10000x128xf32, #tpu.memory_space<vmem>>, vector<128x128xf32>,
    %slice3A_1176 = vector.extract_strided_slice %transpose3A {offsets = [0, 75], sizes = [128, 1], strides = [1, 1]} : vector<128x80xf32> to vector<128x1xf32>
    %gt3A_1177 = arith.constant 0.000000e+00 : f32
    %gt3A_1178 = vector.broadcast %gt3A_1177 : f32 to vector<128x1xf32>
    %gt3A_1179 = arith.cmpf ogt, %slice3A_1176, %gt3A_1178 : vector<128x1xf32>
    %slice3A_1180 = vector.extract_strided_slice %max3A_1032 {offsets = [1408, 0], sizes = [128, 128], strides = [1, 1]} : vector<1808x128xf32> to vector<128x128xf32>
    %jit3A_1181 = arith.constant 0.000000e+00 : f32
    %broadcast_in_dim3A_1182 = vector.shape_cast %gt3A_1179 : vector<128x1xi1> to vector<128x1xi1>
    %broadcast_in_dim3A_1183 = vector.broadcast %broadcast_in_dim3A_1182 : vector<128x1xi1> to vector<128x128xi1>
    %broadcast_in_dim3A_1184 = vector.broadcast %jit3A_1181 : f32 to vector<128x128xf32>
    %select_n3A_1185 = arith.select %broadcast_in_dim3A_1183, %slice3A_1180, %broadcast_in_dim3A_1184 : vector<128x128xi1>, vector<128x128xf32>
    %swap3A_1186 = arith.constant 9600 : index
    %swap3A_1187 = arith.constant 0 : index
    %swap3A_1188 = vector.load %arg6[%swap3A_1186, %swap3A_1187] : memref<10000x128xf32, #tpu.memory_space<vmem>>, vector<128x128xf32>
    tpu.vector_store %arg6[%swap3A_1186, %swap3A_1187], %select_n3A_1185 {strides = array<i32>} : memref<10000x128xf32, #tpu.memory_space<vmem>>, vector<128x128xf32>,
    %slice3A_1189 = vector.extract_strided_slice %transpose3A {offsets = [0, 76], sizes = [128, 1], strides = [1, 1]} : vector<128x80xf32> to vector<128x1xf32>
    %gt3A_1190 = arith.constant 0.000000e+00 : f32
    %gt3A_1191 = vector.broadcast %gt3A_1190 : f32 to vector<128x1xf32>
    %gt3A_1192 = arith.cmpf ogt, %slice3A_1189, %gt3A_1191 : vector<128x1xf32>
    %slice3A_1193 = vector.extract_strided_slice %max3A_1032 {offsets = [1536, 0], sizes = [128, 128], strides = [1, 1]} : vector<1808x128xf32> to vector<128x128xf32>
    %jit3A_1194 = arith.constant 0.000000e+00 : f32
    %broadcast_in_dim3A_1195 = vector.shape_cast %gt3A_1192 : vector<128x1xi1> to vector<128x1xi1>
    %broadcast_in_dim3A_1196 = vector.broadcast %broadcast_in_dim3A_1195 : vector<128x1xi1> to vector<128x128xi1>
    %broadcast_in_dim3A_1197 = vector.broadcast %jit3A_1194 : f32 to vector<128x128xf32>
    %select_n3A_1198 = arith.select %broadcast_in_dim3A_1196, %slice3A_1193, %broadcast_in_dim3A_1197 : vector<128x128xi1>, vector<128x128xf32>
    %swap3A_1199 = arith.constant 9728 : index
    %swap3A_1200 = arith.constant 0 : index
    %swap3A_1201 = vector.load %arg6[%swap3A_1199, %swap3A_1200] : memref<10000x128xf32, #tpu.memory_space<vmem>>, vector<128x128xf32>
    tpu.vector_store %arg6[%swap3A_1199, %swap3A_1200], %select_n3A_1198 {strides = array<i32>} : memref<10000x128xf32, #tpu.memory_space<vmem>>, vector<128x128xf32>,
    %slice3A_1202 = vector.extract_strided_slice %transpose3A {offsets = [0, 77], sizes = [128, 1], strides = [1, 1]} : vector<128x80xf32> to vector<128x1xf32>
    %gt3A_1203 = arith.constant 0.000000e+00 : f32
    %gt3A_1204 = vector.broadcast %gt3A_1203 : f32 to vector<128x1xf32>
    %gt3A_1205 = arith.cmpf ogt, %slice3A_1202, %gt3A_1204 : vector<128x1xf32>
    %slice3A_1206 = vector.extract_strided_slice %max3A_1032 {offsets = [1664, 0], sizes = [128, 128], strides = [1, 1]} : vector<1808x128xf32> to vector<128x128xf32>
    %jit3A_1207 = arith.constant 0.000000e+00 : f32
    %broadcast_in_dim3A_1208 = vector.shape_cast %gt3A_1205 : vector<128x1xi1> to vector<128x1xi1>
    %broadcast_in_dim3A_1209 = vector.broadcast %broadcast_in_dim3A_1208 : vector<128x1xi1> to vector<128x128xi1>
    %broadcast_in_dim3A_1210 = vector.broadcast %jit3A_1207 : f32 to vector<128x128xf32>
    %select_n3A_1211 = arith.select %broadcast_in_dim3A_1209, %slice3A_1206, %broadcast_in_dim3A_1210 : vector<128x128xi1>, vector<128x128xf32>
    %swap3A_1212 = arith.constant 9856 : index
    %swap3A_1213 = arith.constant 0 : index
    %swap3A_1214 = vector.load %arg6[%swap3A_1212, %swap3A_1213] : memref<10000x128xf32, #tpu.memory_space<vmem>>, vector<128x128xf32>
    tpu.vector_store %arg6[%swap3A_1212, %swap3A_1213], %select_n3A_1211 {strides = array<i32>} : memref<10000x128xf32, #tpu.memory_space<vmem>>, vector<128x128xf32>,
    %slice3A_1215 = vector.extract_strided_slice %transpose3A {offsets = [0, 78], sizes = [16, 1], strides = [1, 1]} : vector<128x80xf32> to vector<16x1xf32>
    %gt3A_1216 = arith.constant 0.000000e+00 : f32
    %gt3A_1217 = vector.broadcast %gt3A_1216 : f32 to vector<16x1xf32>
    %gt3A_1218 = arith.cmpf ogt, %slice3A_1215, %gt3A_1217 : vector<16x1xf32>
    %slice3A_1219 = vector.extract_strided_slice %max3A_1032 {offsets = [1792, 0], sizes = [16, 128], strides = [1, 1]} : vector<1808x128xf32> to vector<16x128xf32>
    %jit3A_1220 = arith.constant 0.000000e+00 : f32
    %broadcast_in_dim3A_1221 = vector.shape_cast %gt3A_1218 : vector<16x1xi1> to vector<16x1xi1>
    %broadcast_in_dim3A_1222 = vector.broadcast %broadcast_in_dim3A_1221 : vector<16x1xi1> to vector<16x128xi1>
    %broadcast_in_dim3A_1223 = vector.broadcast %jit3A_1220 : f32 to vector<16x128xf32>
    %select_n3A_1224 = arith.select %broadcast_in_dim3A_1222, %slice3A_1219, %broadcast_in_dim3A_1223 : vector<16x128xi1>, vector<16x128xf32>
    %swap3A_1225 = arith.constant 9984 : index
    %swap3A_1226 = arith.constant 0 : index
    %swap3A_1227 = vector.load %arg6[%swap3A_1225, %swap3A_1226] : memref<10000x128xf32, #tpu.memory_space<vmem>>, vector<16x128xf32>
    tpu.vector_store %arg6[%swap3A_1225, %swap3A_1226], %select_n3A_1224 {strides = array<i32>} : memref<10000x128xf32, #tpu.memory_space<vmem>>, vector<16x128xf32>,
    %dma_start3A_1228 = arith.constant 4 : i32
    %dma_start3A_1229 = tpu.memref_slice %arg8[%dma_start3A_1228] : memref<5x!tpu.dma_semaphore, #tpu.memory_space<semaphore_mem>> -> memref<1x!tpu.dma_semaphore, #tpu.memory_space<semaphore_mem>>
    %dma_start3A_1230 = tpu.memref_squeeze %dma_start3A_1229 : memref<1x!tpu.dma_semaphore, #tpu.memory_space<semaphore_mem>> -> memref<!tpu.dma_semaphore, #tpu.memory_space<semaphore_mem>>
    %dma_start3A_1231 = arith.constant 8192 : i32
    %dma_start3A_1232 = arith.constant 0 : i32
    %dma_start3A_1233 = tpu.memref_slice %arg4[%dma_start3A_1231, %dma_start3A_1232] : memref<10000x128xf32, #tpu.memory_space<any>> -> memref<1808x128xf32, #tpu.memory_space<any>>
    %dma_start3A_1234 = arith.constant 8192 : i32
    %dma_start3A_1235 = arith.constant 0 : i32
    %dma_start3A_1236 = tpu.memref_slice %arg6[%dma_start3A_1234, %dma_start3A_1235] : memref<10000x128xf32, #tpu.memory_space<vmem>> -> memref<1808x128xf32, #tpu.memory_space<vmem>>
    tpu.enqueue_dma source(%dma_start3A_1236 : memref<1808x128xf32, #tpu.memory_space<vmem>>) target(%dma_start3A_1233 : memref<1808x128xf32, #tpu.memory_space<any>>) target_semaphore(%dma_start3A_1230 : memref<!tpu.dma_semaphore, #tpu.memory_space<semaphore_mem>>)
    %dma_wait3A_1237 = arith.constant 0 : i32
    %dma_wait3A_1238 = tpu.memref_slice %arg8[%dma_wait3A_1237] : memref<5x!tpu.dma_semaphore, #tpu.memory_space<semaphore_mem>> -> memref<1x!tpu.dma_semaphore, #tpu.memory_space<semaphore_mem>>
    %dma_wait3A_1239 = tpu.memref_squeeze %dma_wait3A_1238 : memref<1x!tpu.dma_semaphore, #tpu.memory_space<semaphore_mem>> -> memref<!tpu.dma_semaphore, #tpu.memory_space<semaphore_mem>>
    %dma_wait3A_1240 = arith.constant 0 : i32
    %dma_wait3A_1241 = arith.constant 0 : i32
    %dma_wait3A_1242 = tpu.memref_slice %arg4[%dma_wait3A_1240, %dma_wait3A_1241] : memref<10000x128xf32, #tpu.memory_space<any>> -> memref<2048x128xf32, #tpu.memory_space<any>>
    %dma_wait3A_1243 = arith.constant 0 : i32
    %dma_wait3A_1244 = arith.constant 0 : i32
    %dma_wait3A_1245 = tpu.memref_slice %arg6[%dma_wait3A_1243, %dma_wait3A_1244] : memref<10000x128xf32, #tpu.memory_space<vmem>> -> memref<2048x128xf32, #tpu.memory_space<vmem>>
    tpu.wait_dma2 semaphore(%dma_wait3A_1239 : memref<!tpu.dma_semaphore, #tpu.memory_space<semaphore_mem>>) src(%dma_wait3A_1245 : memref<2048x128xf32, #tpu.memory_space<vmem>>) dst(%dma_wait3A_1242 : memref<2048x128xf32, #tpu.memory_space<any>>)
    %dma_wait3A_1246 = arith.constant 1 : i32
    %dma_wait3A_1247 = tpu.memref_slice %arg8[%dma_wait3A_1246] : memref<5x!tpu.dma_semaphore, #tpu.memory_space<semaphore_mem>> -> memref<1x!tpu.dma_semaphore, #tpu.memory_space<semaphore_mem>>
    %dma_wait3A_1248 = tpu.memref_squeeze %dma_wait3A_1247 : memref<1x!tpu.dma_semaphore, #tpu.memory_space<semaphore_mem>> -> memref<!tpu.dma_semaphore, #tpu.memory_space<semaphore_mem>>
    %dma_wait3A_1249 = arith.constant 2048 : i32
    %dma_wait3A_1250 = arith.constant 0 : i32
    %dma_wait3A_1251 = tpu.memref_slice %arg4[%dma_wait3A_1249, %dma_wait3A_1250] : memref<10000x128xf32, #tpu.memory_space<any>> -> memref<2048x128xf32, #tpu.memory_space<any>>
    %dma_wait3A_1252 = arith.constant 2048 : i32
    %dma_wait3A_1253 = arith.constant 0 : i32
    %dma_wait3A_1254 = tpu.memref_slice %arg6[%dma_wait3A_1252, %dma_wait3A_1253] : memref<10000x128xf32, #tpu.memory_space<vmem>> -> memref<2048x128xf32, #tpu.memory_space<vmem>>
    tpu.wait_dma2 semaphore(%dma_wait3A_1248 : memref<!tpu.dma_semaphore, #tpu.memory_space<semaphore_mem>>) src(%dma_wait3A_1254 : memref<2048x128xf32, #tpu.memory_space<vmem>>) dst(%dma_wait3A_1251 : memref<2048x128xf32, #tpu.memory_space<any>>)
    %dma_wait3A_1255 = arith.constant 2 : i32
    %dma_wait3A_1256 = tpu.memref_slice %arg8[%dma_wait3A_1255] : memref<5x!tpu.dma_semaphore, #tpu.memory_space<semaphore_mem>> -> memref<1x!tpu.dma_semaphore, #tpu.memory_space<semaphore_mem>>
    %dma_wait3A_1257 = tpu.memref_squeeze %dma_wait3A_1256 : memref<1x!tpu.dma_semaphore, #tpu.memory_space<semaphore_mem>> -> memref<!tpu.dma_semaphore, #tpu.memory_space<semaphore_mem>>
    %dma_wait3A_1258 = arith.constant 4096 : i32
    %dma_wait3A_1259 = arith.constant 0 : i32
    %dma_wait3A_1260 = tpu.memref_slice %arg4[%dma_wait3A_1258, %dma_wait3A_1259] : memref<10000x128xf32, #tpu.memory_space<any>> -> memref<2048x128xf32, #tpu.memory_space<any>>
    %dma_wait3A_1261 = arith.constant 4096 : i32
    %dma_wait3A_1262 = arith.constant 0 : i32
    %dma_wait3A_1263 = tpu.memref_slice %arg6[%dma_wait3A_1261, %dma_wait3A_1262] : memref<10000x128xf32, #tpu.memory_space<vmem>> -> memref<2048x128xf32, #tpu.memory_space<vmem>>
    tpu.wait_dma2 semaphore(%dma_wait3A_1257 : memref<!tpu.dma_semaphore, #tpu.memory_space<semaphore_mem>>) src(%dma_wait3A_1263 : memref<2048x128xf32, #tpu.memory_space<vmem>>) dst(%dma_wait3A_1260 : memref<2048x128xf32, #tpu.memory_space<any>>)
    %dma_wait3A_1264 = arith.constant 3 : i32
    %dma_wait3A_1265 = tpu.memref_slice %arg8[%dma_wait3A_1264] : memref<5x!tpu.dma_semaphore, #tpu.memory_space<semaphore_mem>> -> memref<1x!tpu.dma_semaphore, #tpu.memory_space<semaphore_mem>>
    %dma_wait3A_1266 = tpu.memref_squeeze %dma_wait3A_1265 : memref<1x!tpu.dma_semaphore, #tpu.memory_space<semaphore_mem>> -> memref<!tpu.dma_semaphore, #tpu.memory_space<semaphore_mem>>
    %dma_wait3A_1267 = arith.constant 6144 : i32
    %dma_wait3A_1268 = arith.constant 0 : i32
    %dma_wait3A_1269 = tpu.memref_slice %arg4[%dma_wait3A_1267, %dma_wait3A_1268] : memref<10000x128xf32, #tpu.memory_space<any>> -> memref<2048x128xf32, #tpu.memory_space<any>>
    %dma_wait3A_1270 = arith.constant 6144 : i32
    %dma_wait3A_1271 = arith.constant 0 : i32
    %dma_wait3A_1272 = tpu.memref_slice %arg6[%dma_wait3A_1270, %dma_wait3A_1271] : memref<10000x128xf32, #tpu.memory_space<vmem>> -> memref<2048x128xf32, #tpu.memory_space<vmem>>
    tpu.wait_dma2 semaphore(%dma_wait3A_1266 : memref<!tpu.dma_semaphore, #tpu.memory_space<semaphore_mem>>) src(%dma_wait3A_1272 : memref<2048x128xf32, #tpu.memory_space<vmem>>) dst(%dma_wait3A_1269 : memref<2048x128xf32, #tpu.memory_space<any>>)
    %dma_wait3A_1273 = arith.constant 4 : i32
    %dma_wait3A_1274 = tpu.memref_slice %arg8[%dma_wait3A_1273] : memref<5x!tpu.dma_semaphore, #tpu.memory_space<semaphore_mem>> -> memref<1x!tpu.dma_semaphore, #tpu.memory_space<semaphore_mem>>
    %dma_wait3A_1275 = tpu.memref_squeeze %dma_wait3A_1274 : memref<1x!tpu.dma_semaphore, #tpu.memory_space<semaphore_mem>> -> memref<!tpu.dma_semaphore, #tpu.memory_space<semaphore_mem>>
    %dma_wait3A_1276 = arith.constant 8192 : i32
    %dma_wait3A_1277 = arith.constant 0 : i32
    %dma_wait3A_1278 = tpu.memref_slice %arg4[%dma_wait3A_1276, %dma_wait3A_1277] : memref<10000x128xf32, #tpu.memory_space<any>> -> memref<1808x128xf32, #tpu.memory_space<any>>
    %dma_wait3A_1279 = arith.constant 8192 : i32
    %dma_wait3A_1280 = arith.constant 0 : i32
    %dma_wait3A_1281 = tpu.memref_slice %arg6[%dma_wait3A_1279, %dma_wait3A_1280] : memref<10000x128xf32, #tpu.memory_space<vmem>> -> memref<1808x128xf32, #tpu.memory_space<vmem>>
    tpu.wait_dma2 semaphore(%dma_wait3A_1275 : memref<!tpu.dma_semaphore, #tpu.memory_space<semaphore_mem>>) src(%dma_wait3A_1281 : memref<1808x128xf32, #tpu.memory_space<vmem>>) dst(%dma_wait3A_1278 : memref<1808x128xf32, #tpu.memory_space<any>>)
    return
  }
}

</mosaic_0001>

<sc_bundles>
// kernel: kernel.4.cloned.1.call-start
scs
__scs_entry_jumppad:
0x0: {  	(pc) =	sbr.rel $0x88, $3  }
0x1: {  	(tag) =	ssettag $0x0;
	lr =	simm.s32 $0x1  }
0x2: {  	[smem:$0x3F9D] =	sst lr;
	_ =	strace $0xD0000000  }
0x3: {  	_ = 	snop  }
0x4: {  	_ = 	snop  }
0x5: {  	_ = 	snop  }
0x6: {  	_ = 	snop  }
0x7: {  	_ = 	snop  }
__scs_overlays_trampoline_lowered:
0x8: {  	[smem:$0x3FAC] =	sst s0  }
0x9: {  	[smem:$0x3FAD] =	sst s1  }
0xa: {  	[smem:$0x3FAE] =	sst s2  }
0xb: {  	[smem:$0x3FAF] =	sst s3  }
0xc: {  	[smem:$0x3FB0] =	sst s4  }
0xd: {  	[smem:$0x3FB1] =	sst s5  }
0xe: {  	[smem:$0x3FB2] =	sst s6  }
0xf: {  	[smem:$0x3FB3] =	sst s7  }
0x10: {  	[smem:$0x3FB4] =	sst s8  }
0x11: {  	[smem:$0x3FB5] =	sst s9;
	s0 =	simm.s32 @!p0 $0x0  }
0x12: {  	s1 =	sld [smem:$0x3F9B];
	s0 =	simm.s32 @p0 $0x1  }
0x13: {  	[smem:$0x3FB6] =	sst s0;
	s0 =	simm.s32 @!p1 $0x0  }
0x14: {  	s2 =	sld [smem:$0x3F9A];
	s0 =	simm.s32 @p1 $0x1  }
0x15: {  	[smem:$0x3FB7] =	sst s0;
	s0 =	simm.s32 @!p2 $0x0  }
0x16: {  	s3 =	sld [smem:$0x3FDB];
	s0 =	simm.s32 @p2 $0x1  }
0x17: {  	s4 =	simm.s32 $0x1BF5;
	[smem:$0x3FB9] =	sst s0  }
0x18: {  	s0 =	sld [smem:$0x3F9C];
	_ =	swait.ge [sflag:s4], $0x0  }
0x19: {  	s7 =	sld [smem:$0x3F9D]  }
0x1a: {  	s8 =	sadd.s32 $0xFFFFE003, lr  }
0x1b: {  	s9 =	sadd.s32 $0xFFFFFEF7, lr;
	s5 =	simm.s32 $0xFFFFFFFF;
	p2 =	slt.u32 s8, $0xFFFFF086  }
0x1c: {  	p1 =	slt.u32 s9, $0xF7A;
	s5 =	simm.s32 @!p2 $0x0  }
0x1d: {  	s5 =	simm.s32 @p1 $0x1;
	p0 =	seq.s32 s7, s2  }
0x1e: {  	s7 =	smul.u32 @!p0 $0xF7A, s2;
	p2 =	seq.s32 @!p0 s5, $0x0  }
0x1f: {  	s9 =	smul.u32 $0xF7A, s1;
	s8 =	simm.s32 @!p0 $0x1BF5;
	p2 =	por !p2, p0  }
0x20: {  	[sflag:s8] =	ssyncset.s32 @!p0 $0xFFFFF086;
	s6 =	sadd.s32 @!p0 s3, s7;
	s7 =	simm.s32 @!p0 $0x108  }
0x21: {  	s3 =	sadd.s32 s3, s9;
	s6 =	sadd.s32 @!p0 $0x88, s6;
	s7 =	simm.s32 @p2 $0x1082  }
0x22: {  	[simem:s7], [sflag:s8] =	dma.local @!p0 [hbm:s6], $0xF7A  }
0x23: {  	s9 =	sor.u32 $0xD0000000, s2;
	s6 =	simm.s32 $0x108;
	_ =	swait.ge @!p0 [sflag:s8], $0x0  }
0x24: {  	s3 =	sadd.s32 $0x88, s3;
	s6 =	simm.s32 @!p1 $0x1082;
	[sflag:s4] =	ssyncset.s32 $0xFFFFF086  }
0x25: {  	[simem:s6], [sflag:s4] =	dma.local [hbm:s3], $0xF7A  }
0x26: {  	[smem:$0x3F9D] =	sst s1;
	(tag) =	ssettag s2;
	_ =	strace s9  }
0x27: {  	s1 =	sld [smem:$0x3FAD]  }
0x28: {  	s2 =	sld [smem:$0x3FAE]  }
0x29: {  	s4 =	sld [smem:$0x3FB0]  }
0x2a: {  	p0 =	seq.s32 s5, $0x0;
	s5 =	sld [smem:$0x3FB1]  }
0x2b: {  	s6 =	sld [smem:$0x3FB2]  }
0x2c: {  	s7 =	sld [smem:$0x3FB3]  }
0x2d: {  	s3 =	simm.s32 $0x108;
	s8 =	sld [smem:$0x3FB4]  }
0x2e: {  	s3 =	simm.s32 @!p0 $0x1082;
	s9 =	sld [smem:$0x3FB5]  }
0x2f: {  	lr =	sadd.s32 s0, s3;
	s0 =	sld [smem:$0x3FAC]  }
0x30: {  	s3 =	sld [smem:$0x3FAF]  }
0x31: {  	[smem:$0x3FB8] =	sst s10  }
0x32: {  	s10 =	sld [smem:$0x3FB6];
	_ =	sdelay $0x3  }
0x33: {  	p0 =	seq.s32 s10, $0x1;
	s10 =	sld [smem:$0x3FB8];
	_ =	sdelay $0x3  }
0x34: {  	[smem:$0x3FB8] =	sst s10  }
0x35: {  	s10 =	sld [smem:$0x3FB7];
	_ =	sdelay $0x3  }
0x36: {  	p1 =	seq.s32 s10, $0x1;
	s10 =	sld [smem:$0x3FB8];
	_ =	sdelay $0x3  }
0x37: {  	[smem:$0x3FB8] =	sst s10  }
0x38: {  	s10 =	sld [smem:$0x3FB9]  }
0x39: {  	_ = 	snop;
	(pc) =	sbr.ind lr, $3  }
0x3a: {  	_ = 	snop  }
0x3b: {  	_ = 	snop  }
0x3c: {  	p2 =	seq.s32 s10, $0x1;
	s10 =	sld [smem:$0x3FB8]  }
0x3d: {  	_ =	shalt  }
0x3e: {  	_ =	shalt  }
0x3f: {  	_ =	shalt  }
0x40: {  	_ =	shalt  }
0x41: {  	_ =	shalt  }
0x42: {  	_ =	shalt  }
0x43: {  	_ =	shalt  }
0x44: {  	_ =	shalt  }
0x45: {  	_ =	shalt  }
0x46: {  	_ =	shalt  }
0x47: {  	_ =	shalt  }
0x48: {  	_ =	shalt  }
0x49: {  	_ =	shalt  }
0x4a: {  	_ =	shalt  }
0x4b: {  	_ =	shalt  }
0x4c: {  	_ =	shalt  }
0x4d: {  	_ =	shalt  }
0x4e: {  	_ =	shalt  }
0x4f: {  	_ =	shalt  }
0x50: {  	_ =	shalt  }
0x51: {  	_ =	shalt  }
0x52: {  	_ =	shalt  }
0x53: {  	_ =	shalt  }
0x54: {  	_ =	shalt  }
0x55: {  	_ =	shalt  }
0x56: {  	_ =	shalt  }
0x57: {  	_ =	shalt  }
0x58: {  	_ =	shalt  }
0x59: {  	_ =	shalt  }
0x5a: {  	_ =	shalt  }
0x5b: {  	_ =	shalt  }
0x5c: {  	_ =	shalt  }
0x5d: {  	_ =	shalt  }
0x5e: {  	_ =	shalt  }
0x5f: {  	_ =	shalt  }
0x60: {  	_ =	shalt  }
0x61: {  	_ =	shalt  }
0x62: {  	_ =	shalt  }
0x63: {  	_ =	shalt  }
0x64: {  	_ =	shalt  }
0x65: {  	_ =	shalt  }
0x66: {  	_ =	shalt  }
0x67: {  	_ =	shalt  }
0x68: {  	_ =	shalt  }
0x69: {  	_ =	shalt  }
0x6a: {  	_ =	shalt  }
0x6b: {  	_ =	shalt  }
0x6c: {  	_ =	shalt  }
0x6d: {  	_ =	shalt  }
0x6e: {  	_ =	shalt  }
0x6f: {  	_ =	shalt  }
0x70: {  	_ =	shalt  }
0x71: {  	_ =	shalt  }
0x72: {  	_ =	shalt  }
0x73: {  	_ =	shalt  }
0x74: {  	_ =	shalt  }
0x75: {  	_ =	shalt  }
0x76: {  	_ =	shalt  }
0x77: {  	_ =	shalt  }
0x78: {  	_ =	shalt  }
0x79: {  	_ =	shalt  }
0x7a: {  	_ =	shalt  }
0x7b: {  	_ =	shalt  }
0x7c: {  	_ =	shalt  }
0x7d: {  	_ =	shalt  }
0x7e: {  	_ =	shalt  }
0x7f: {  	_ =	shalt  }
0x80: {  	_ =	shalt  }
0x81: {  	_ =	shalt  }
0x82: {  	_ =	shalt  }
0x83: {  	_ =	shalt  }
0x84: {  	_ =	shalt  }
0x85: {  	_ =	shalt  }
0x86: {  	_ =	shalt  }
0x87: {  	_ =	shalt  }
.Lfunc_end0:
.L_simem_size_0:
called_computation_lowered:
.L_overlay_start_0:
0x88: {  	s2 =	sld [smem:$0x3FD9]  }
0x89: {  	s3 =	sld [smem:$0x3FFE];
	_ =	sdelay $0x1  }
0x8a: {  	s1 =	srdreg.scid  }
0x8b: {  	s0 =	sand.u32 $0x1, s1  }
0x8c: {  	s18 =	sshll.u32 s0, $0xA;
	s2 =	sadd.s32 s3, s2  }
0x8d: {  	s2 =	sadd.s32 s2, s18  }
0x8e: {  	[smem:$0x3FC4] =	sst s2  }
0x8f: {  	_ = 	snop  }
0x90: {  	s2 =	sld [smem:$0x3FC8]  }
0x91: {  	s19 =	sld [smem:$0x3FD0];
	(tm) =	ssettm $0x1  }
0x92: {  	s4 =	sld [smem:$0x3FFB];
	_ =	sdelay $0x3  }
0x93: {  	_ =	strace s4  }
0x94: {  	s4 =	sld [smem:$0x3FFC];
	_ =	sdelay $0x3  }
0x95: {  	_ =	strace s4  }
0x96: {  	s4 =	sld [smem:$0x3FFD];
	_ =	sdelay $0x3  }
0x97: {  	_ =	strace s4  }
0x98: {  	_ =	strace $0x8FFFFFFF  }
0x99: {  	s20 =	sld [smem:$0x3FDB];
	_ =	sdelay $0x1  }
0x9a: {  	s5 =	simm.s32 $_scs_section_size  }
0x9b: {  	s6 =	simm.s32 $_size__tile_overlayer_lowered;
	s7 =	simm.s32 $_tile_overlayer_lowered  }
0x9c: {  	s23 =	simm.s32 $0x1BFF;
	s22 =	sshll.u32 s7, $0x1;
	s4 =	sadd.s32 s5, s20  }
0x9d: {  	s8 =	simm.s32 $0x0;
	s21 =	sshll.u32 s6, $0x1;
	s6 =	sadd.s32 s22, s4  }
0x9e: {  	[timem:s8], [sflag:s23] =	dma.local [hbm:s6], s21  }
0x9f: {  	_ =	swait.ge [sflag:s23], s21  }
0xa0: {  	s5 =	ssub.s32 $0x0, s21;
	[sflag:s23] =	ssyncset.done $0x0  }
0xa1: {  	[sflag:s23] =	ssyncadd.s32 s5;
	_ =	sdelay $0x1  }
0xa2: {  	s24 =	simm.s32 $0x1B8B  }
0xa3: {  	_ =	swait.ge [sflag:s24], $0x1  }
0xa4: {  	[sflag:s24] =	ssyncset.done $0x0  }
0xa5: {  	s25 =	simm.s32 $0x1B8E;
	[sflag:s24] =	ssyncadd.s32 $0xFFFFFFFF  }
0xa6: {  	s26 =	simm.s32 $execute0_lowered;
	[smem:$0x3FD2] =	sst s25  }
0xa7: {  	s5 =	sshll.u32 s26, $0x1;
	_ =	strace $0x80000046;
	[dreg:$0x1] =	wrdreg $0xFFFFFFFF  }
0xa8: {  	s28 =	simm.s32 $_size_execute0_lowered;
	s4 =	sadd.s32 s4, s5;
	[dreg:$0x0] =	wrdreg $0x0  }
0xa9: {  	s5 =	sshll.u32 s28, $0x1;
	[dreg:$0x2] =	wrdreg s4  }
0xaa: {  	[dreg:$0x3] =	wrdreg s5  }
0xab: {  	[dreg:$0x4] =	wrdreg $0xC0  }
0xac: {  	_ =	task [dreg:s8], $0x5FFFF  }
0xad: {  	[dreg:$0x1] =	wrdreg $0xFFFFFFFF  }
0xae: {  	[dreg:$0x0] =	wrdreg $0x60  }
0xaf: {  	[dreg:$0x2] =	wrdreg s2  }
0xb0: {  	[dreg:$0x3] =	wrdreg s19  }
0xb1: {  	[dreg:$0x4] =	wrdreg $0x78000  }
0xb2: {  	[dreg:$0x5] =	wrdreg $0x9  }
0xb3: {  	_ =	task.clear_ibuf [dreg:s8], $0x6FFFF;
	_ =	strace $0x90000046  }
0xb4: {  	s29 =	simm.s32 $0x9;
	_ =	strace $0x80000048  }
0xb5: {  	_ =	swait.ge [sflag:s29], $0x1  }
0xb6: {  	[sflag:s29] =	ssyncadd.s32 $0xFFFFFFFF  }
0xb7: {  	_ =	strace $0x90000048  }
0xb8: {  	_ =	sfence  }
0xb9: {  	s30 =	sld [smem:$0x0];
	_ =	sdelay $0x2  }
0xba: {  	s31 =	sshll.u32 s1, $0xD;
	s1 =	sshrl.u32 s1, $0x2  }
0xbb: {  	s3 =	sand.u32 $0x4000, s31;
	s1 =	sadd.s32 s1, s30  }
0xbc: {  	s0 =	sor.u32 s3, s0;
	s1 =	sshll.u32 s1, $0x11  }
0xbd: {  	s0 =	sor.u32 s1, s0  }
0xbe: {  	s0 =	sadd.s32 $0x8F2B, s0  }
0xbf: {  	[sflag:s0] =	ssyncadd.remote.s32 $0x1  }
0xc0: {  	_ =	sfence.sel $0xFFFF  }
0xc1: {  	[dreg:$0x0] =	wrdreg $0xFFFFFFFF;
	(pc) =	sbr.abs _section_cstart, $3  }
0xc2: {  	[dreg:$0x1] =	wrdreg $0xFFFFFFFF  }
0xc3: {  	_ =	task.clear_ibuf [dreg:s8], $0x2FFFF;
	_ =	strace $0x9FFFFFFF  }
0xc4: {  	(tm) =	ssettm $0x7FFFFFFF  }
0xc5: {  	_ =	shalt  }
tec
execute0_lowered:
.L_overlay_start_1:
0x0: {  	(tag) =	ssettag $0x1  }
0x1: {  	s1 =	rddreg [dreg:$0x0]  }
0x2: {  	s0 =	srdreg.scid;
	s3 =	rddreg [dreg:$0x1]  }
0x3: {  	s17 =	stileid.u32;
	s5 =	rddreg [dreg:$0x2]  }
0x4: {  	s6 =	simm.s32 $0x0;
	s28 =	simm.s32 $0x1;
	s29 =	simm.s32 $0x2800  }
0x5: {  	s30 =	simm.s32 $0x2;
	s31 =	simm.s32 $0x400;
	s0 =	sand.u32 $0x1, s0  }
0x6: {  	s4 =	sshrl.u32 s17, $0x3;
	[smem:$0x7FF] =	sst s6;
	s24 =	smul.u32 $0x280, s17  }
0x7: {  	s8 =	sshll.u32 s17, $0x7;
	s25 =	smul.u32 $0xA000, s17;
	s2 =	sshll.u32 s0, $0x4  }
0x8: {  	s19 =	ssub.s32 $0x2, s0;
	s4 =	smul.u32 $0x5000, s4;
	_ =	strace $0x80000047  }
0x9: {  	s20 =	sand.u32 $0x380, s8;
	s0 =	smul.u32 $0x2800, s0;
	s2 =	sor.u32 s17, s2  }
0xa: {  	s7 =	sshrl.u32 s19, $0x1;
	s26 =	sshrl.u32 s25, $0x2;
	s25 =	simm.s32 $0x100  }
0xb: {  	s2 =	smul.u32 $0x975, s2;
	s4 =	sshrl.u32 s4, $0x2;
	s6 =	ssub.s32 s19, s7  }
0xc: {  	s0 =	sadd.s32 s24, s0;
	s24 =	simm.s32 $0x80;
	s4 =	sadd.s32 s4, s5  }
0xd: {  	s0 =	sshrl.u32 s0, $0x3;
	s2 =	smulhi.u32 $0x8421085, s2;
	s4 =	sadd.s32 s20, s4  }
0xe: {  	s22 =	sadd.s32 $0x2800, s4;
	s23 =	sadd.s32 $0x5000, s4;
	s8 =	sadd.s32 $0x7800, s4  }
0xf: {  	s9 =	sadd.s32 $0xA000, s4;
	s10 =	sadd.s32 $0xC800, s4;
	s11 =	sadd.s32 $0xF000, s4  }
0x10: {  	s12 =	sadd.s32 $0x11800, s4;
	s13 =	sadd.s32 $0x14000, s4;
	s14 =	sadd.s32 $0x16800, s4  }
0x11: {  	s15 =	sadd.s32 $0x19000, s4;
	s16 =	sadd.s32 $0x1B800, s4;
	s17 =	sadd.s32 $0x1E000, s4  }
0x12: {  	s18 =	sadd.s32 $0x20800, s4;
	s19 =	sadd.s32 $0x23000, s4;
	s2 =	sshll.u32 s2, $0x5  }
0x13: {  	s20 =	sadd.s32 $0x25800, s4;
	[dreg:$0x6] =	wrdreg s22;
	s1 =	sadd.s32 s2, s1  }
0x14: {  	[dreg:$0x7] =	wrdreg s23;
	s22 =	sadd.s32 s3, s0;
	s21 =	sadd.s32 $0x10, s1  }
0x15: {  	s23 =	smax.u32 s6, $0x1;
	s1 =	sadd.s32 $0x4F0, s1;
	[dreg:$0x4] =	wrdreg s21  }
0x16: {  	s0 =	simm.s32 $0x0;
	s2 =	simm.s32 $0x0;
	[dreg:$0x5] =	wrdreg s1  }
0x17: {  	v0 =	vimm.f32 $0.0e+00;
	v1 =	vimm.f32 $1.000000000e+00;
	s21 =	sadd.s32 s26, s5;
	s1 =	simm.s32 $0x3;
	s26 =	simm.s32 $0x4  }
.LBB2_1:
0x18: {  	s3 =	rddreg [dreg:$0x4]  }
0x19: {  	s6 =	rddreg [dreg:$0x5]  }
0x1a: {  	[tilespmem:s2], [sflag:$0x1] =	stream.strided.gather [hbm4b:s3+s24], $0x1380, s25, s24, $0x38;
	[tilespmem:$0xA000] =	vst v63  }
0x1b: {  	s7 =	simm.s32 $0x1380;
	s2 =	simm.s32 $0x0;
	s3 =	simm.s32 $0x200  }
0x1c: {  	[tilespmem:s7], [sflag:$0x2] =	stream.strided.gather [hbm4b:s6+s24], $0x1400, s25, s24, $0x38;
	[tilespmem:$0xA000] =	vst v63  }
.LBB2_2:
0x1d: {  	p0 =	sne.s32 s3, $0x9E00;
	[tilespmem:s2+$0x2870] =	vst v0  }
0x1e: {  	[tilespmem:s2+$0x2800] =	vst v0  }
0x1f: {  	[tilespmem:s2+$0x2810] =	vst v0  }
.Ltmp0:
0x20: {  	[tilespmem:s2+$0x2820] =	vst v0;
	(pc) =	sbr.rel @p0 .LBB2_2-.Ltmp0, $4  }
0x21: {  	[tilespmem:s2+$0x2830] =	vst v0  }
0x22: {  	[tilespmem:s2+$0x2840] =	vst v0  }
0x23: {  	[tilespmem:s2+$0x2850] =	vst v0  }
0x24: {  	[tilespmem:s2+$0x2860] =	vst v0;
	s2 =	sshra.s32 s3, $0x2;
	s3 =	sadd.s32 $0x200, s3  }
0x25: {  	[tilespmem:s2+$0x2870] =	vst v0  }
0x26: {  	[tilespmem:s2+$0x2800] =	vst v0  }
0x27: {  	[tilespmem:s2+$0x2810] =	vst v0  }
0x28: {  	[tilespmem:s2+$0x2820] =	vst v0  }
0x29: {  	[tilespmem:s2+$0x2830] =	vst v0  }
0x2a: {  	[tilespmem:s2+$0x2840] =	vst v0  }
0x2b: {  	[tilespmem:s2+$0x2850] =	vst v0  }
0x2c: {  	[tilespmem:s2+$0x2860] =	vst v0  }
0x2d: {  	_ =	swait.ge [sflag:s28], $0x1380  }
0x2e: {  	[sflag:s28] =	ssyncset.done $0x0  }
0x2f: {  	s2 =	simm.s32 $0x0;
	[sflag:s28] =	ssyncadd.s32 $0xFFFFEC80  }
.LBB2_4:
0x30: {  	s3 =	sshra.s32 s2, $0x2  }
0x31: {  	v2 =	vld [tilespmem:s3+$0x0];
	_ =	sdelay $0x7  }
0x32: {  	[tilespmem:v2+s29+$0x0] =	vst.idx.msk $0xffff, v1  }
0x33: {  	v2 =	vld [tilespmem:s3+$0x10];
	_ =	sdelay $0x7  }
0x34: {  	[tilespmem:v2+s29+$0x0] =	vst.idx.msk $0xffff, v1  }
0x35: {  	v2 =	vld [tilespmem:s3+$0x20];
	_ =	sdelay $0x7  }
0x36: {  	[tilespmem:v2+s29+$0x0] =	vst.idx.msk $0xffff, v1  }
0x37: {  	v2 =	vld [tilespmem:s3+$0x30];
	_ =	sdelay $0x7  }
0x38: {  	[tilespmem:v2+s29+$0x0] =	vst.idx.msk $0xffff, v1  }
0x39: {  	v2 =	vld [tilespmem:s3+$0x40];
	_ =	sdelay $0x7  }
0x3a: {  	[tilespmem:v2+s29+$0x0] =	vst.idx.msk $0xffff, v1  }
0x3b: {  	v2 =	vld [tilespmem:s3+$0x50];
	_ =	sdelay $0x7  }
0x3c: {  	[tilespmem:v2+s29+$0x0] =	vst.idx.msk $0xffff, v1  }
0x3d: {  	v2 =	vld [tilespmem:s3+$0x60];
	_ =	sdelay $0x7  }
0x3e: {  	[tilespmem:v2+s29+$0x0] =	vst.idx.msk $0xffff, v1  }
0x3f: {  	v2 =	vld [tilespmem:s3+$0x70];
	_ =	sdelay $0x2  }
0x40: {  	p0 =	sne.s32 s2, $0x4C00  }
.Ltmp1:
0x41: {  	_ = 	snop;
	(pc) =	sbr.rel @p0 .LBB2_4-.Ltmp1, $2  }
0x42: {  	_ =	sdelay $0x2  }
0x43: {  	s2 =	sadd.s32 $0x200, s2;
	[tilespmem:v2+s29+$0x0] =	vst.idx.msk $0xffff, v1  }
0x44: {  	_ =	swait.ge [sflag:s30], $0x1400  }
0x45: {  	[sflag:s30] =	ssyncset.done $0x0  }
0x46: {  	s2 =	simm.s32 $0x0;
	[sflag:s30] =	ssyncadd.s32 $0xFFFFEC00  }
.LBB2_6:
0x47: {  	s3 =	sshra.s32 s2, $0x2  }
0x48: {  	v2 =	vld [tilespmem:s3+$0x1380];
	_ =	sdelay $0x7  }
0x49: {  	[tilespmem:v2+s29+$0x0] =	vst.idx.msk $0xffff, v1  }
0x4a: {  	v2 =	vld [tilespmem:s3+$0x1390];
	_ =	sdelay $0x7  }
0x4b: {  	[tilespmem:v2+s29+$0x0] =	vst.idx.msk $0xffff, v1  }
0x4c: {  	v2 =	vld [tilespmem:s3+$0x13A0];
	_ =	sdelay $0x7  }
0x4d: {  	[tilespmem:v2+s29+$0x0] =	vst.idx.msk $0xffff, v1  }
0x4e: {  	v2 =	vld [tilespmem:s3+$0x13B0];
	_ =	sdelay $0x7  }
0x4f: {  	[tilespmem:v2+s29+$0x0] =	vst.idx.msk $0xffff, v1  }
0x50: {  	v2 =	vld [tilespmem:s3+$0x13C0];
	_ =	sdelay $0x7  }
0x51: {  	[tilespmem:v2+s29+$0x0] =	vst.idx.msk $0xffff, v1  }
0x52: {  	v2 =	vld [tilespmem:s3+$0x13D0];
	_ =	sdelay $0x7  }
0x53: {  	[tilespmem:v2+s29+$0x0] =	vst.idx.msk $0xffff, v1  }
0x54: {  	v2 =	vld [tilespmem:s3+$0x13E0];
	_ =	sdelay $0x7  }
0x55: {  	[tilespmem:v2+s29+$0x0] =	vst.idx.msk $0xffff, v1  }
0x56: {  	v2 =	vld [tilespmem:s3+$0x13F0];
	_ =	sdelay $0x2  }
0x57: {  	p0 =	sne.s32 s2, $0x4E00  }
.Ltmp2:
0x58: {  	_ = 	snop;
	(pc) =	sbr.rel @p0 .LBB2_6-.Ltmp2, $2  }
0x59: {  	_ =	sdelay $0x2  }
0x5a: {  	s2 =	sadd.s32 $0x200, s2;
	[tilespmem:v2+s29+$0x0] =	vst.idx.msk $0xffff, v1  }
0x5b: {  	s2 =	simm.s32 $0x2800  }
0x5c: {  	[spmem:s4] =	stream.strided.scatter [tilespmem:s2], [sflag:$0x3], $0x280, s31, s24, $0x38;
	[tilespmem:$0xA000] =	vst v63  }
0x5d: {  	s3 =	rddreg [dreg:$0x6];
	s5 =	simm.s32 $0x2A80  }
0x5e: {  	[spmem:s3] =	stream.strided.scatter [tilespmem:s5], [sflag:$0x3], $0x280, s31, s24, $0x38;
	[tilespmem:$0xA000] =	vst v63  }
0x5f: {  	s6 =	rddreg [dreg:$0x7];
	s7 =	simm.s32 $0x2D00  }
0x60: {  	[spmem:s6] =	stream.strided.scatter [tilespmem:s7], [sflag:$0x3], $0x280, s31, s24, $0x38;
	[tilespmem:$0xA000] =	vst v63  }
0x61: {  	s6 =	simm.s32 $0x2F80  }
0x62: {  	[spmem:s8] =	stream.strided.scatter [tilespmem:s6], [sflag:$0x3], $0x280, s31, s24, $0x38;
	[tilespmem:$0xA000] =	vst v63  }
0x63: {  	s7 =	simm.s32 $0x3200  }
0x64: {  	[spmem:s9] =	stream.strided.scatter [tilespmem:s7], [sflag:$0x3], $0x280, s31, s24, $0x38;
	[tilespmem:$0xA000] =	vst v63  }
0x65: {  	s5 =	simm.s32 $0x3480  }
0x66: {  	[spmem:s10] =	stream.strided.scatter [tilespmem:s5], [sflag:$0x3], $0x280, s31, s24, $0x38;
	[tilespmem:$0xA000] =	vst v63  }
0x67: {  	s6 =	simm.s32 $0x3700  }
0x68: {  	[spmem:s11] =	stream.strided.scatter [tilespmem:s6], [sflag:$0x3], $0x280, s31, s24, $0x38;
	[tilespmem:$0xA000] =	vst v63  }
0x69: {  	s7 =	simm.s32 $0x3980  }
0x6a: {  	[spmem:s12] =	stream.strided.scatter [tilespmem:s7], [sflag:$0x3], $0x280, s31, s24, $0x38;
	[tilespmem:$0xA000] =	vst v63  }
0x6b: {  	s5 =	simm.s32 $0x3C00  }
0x6c: {  	[spmem:s13] =	stream.strided.scatter [tilespmem:s5], [sflag:$0x3], $0x280, s31, s24, $0x38;
	[tilespmem:$0xA000] =	vst v63  }
0x6d: {  	s6 =	simm.s32 $0x3E80  }
0x6e: {  	[spmem:s14] =	stream.strided.scatter [tilespmem:s6], [sflag:$0x3], $0x280, s31, s24, $0x38;
	[tilespmem:$0xA000] =	vst v63  }
0x6f: {  	s7 =	simm.s32 $0x4100  }
0x70: {  	[spmem:s15] =	stream.strided.scatter [tilespmem:s7], [sflag:$0x3], $0x280, s31, s24, $0x38;
	[tilespmem:$0xA000] =	vst v63  }
0x71: {  	s5 =	simm.s32 $0x4380  }
0x72: {  	[spmem:s16] =	stream.strided.scatter [tilespmem:s5], [sflag:$0x3], $0x280, s31, s24, $0x38;
	[tilespmem:$0xA000] =	vst v63  }
0x73: {  	s6 =	simm.s32 $0x4600  }
0x74: {  	[spmem:s17] =	stream.strided.scatter [tilespmem:s6], [sflag:$0x3], $0x280, s31, s24, $0x38;
	[tilespmem:$0xA000] =	vst v63  }
0x75: {  	s7 =	simm.s32 $0x4880  }
0x76: {  	[spmem:s18] =	stream.strided.scatter [tilespmem:s7], [sflag:$0x3], $0x280, s31, s24, $0x38;
	[tilespmem:$0xA000] =	vst v63  }
0x77: {  	s5 =	simm.s32 $0x4B00  }
0x78: {  	[spmem:s19] =	stream.strided.scatter [tilespmem:s5], [sflag:$0x3], $0x280, s31, s24, $0x38;
	[tilespmem:$0xA000] =	vst v63  }
0x79: {  	s6 =	simm.s32 $0x4D80  }
0x7a: {  	[spmem:s20] =	stream.strided.scatter [tilespmem:s6], [sflag:$0x3], $0x280, s31, s24, $0x38;
	[tilespmem:$0xA000] =	vst v63  }
0x7b: {  	_ =	swait.ge [sflag:s1], $0x280  }
0x7c: {  	[sflag:s1] =	ssyncset.done $0x0  }
0x7d: {  	[sflag:s1] =	ssyncadd.s32 $0xFFFFFD80  }
0x7e: {  	_ =	swait.ge [sflag:s1], $0x280  }
0x7f: {  	[sflag:s1] =	ssyncset.done $0x0  }
0x80: {  	[sflag:s1] =	ssyncadd.s32 $0xFFFFFD80  }
0x81: {  	_ =	swait.ge [sflag:s1], $0x280  }
0x82: {  	[sflag:s1] =	ssyncset.done $0x0  }
0x83: {  	[sflag:s1] =	ssyncadd.s32 $0xFFFFFD80  }
0x84: {  	_ =	swait.ge [sflag:s1], $0x280  }
0x85: {  	[sflag:s1] =	ssyncset.done $0x0  }
0x86: {  	[sflag:s1] =	ssyncadd.s32 $0xFFFFFD80  }
0x87: {  	_ =	swait.ge [sflag:s1], $0x280  }
0x88: {  	[sflag:s1] =	ssyncset.done $0x0  }
0x89: {  	[sflag:s1] =	ssyncadd.s32 $0xFFFFFD80  }
0x8a: {  	_ =	swait.ge [sflag:s1], $0x280  }
0x8b: {  	[sflag:s1] =	ssyncset.done $0x0  }
0x8c: {  	[sflag:s1] =	ssyncadd.s32 $0xFFFFFD80  }
0x8d: {  	_ =	swait.ge [sflag:s1], $0x280  }
0x8e: {  	[sflag:s1] =	ssyncset.done $0x0  }
0x8f: {  	[sflag:s1] =	ssyncadd.s32 $0xFFFFFD80  }
0x90: {  	_ =	swait.ge [sflag:s1], $0x280  }
0x91: {  	[sflag:s1] =	ssyncset.done $0x0  }
0x92: {  	[sflag:s1] =	ssyncadd.s32 $0xFFFFFD80  }
0x93: {  	_ =	swait.ge [sflag:s1], $0x280  }
0x94: {  	[sflag:s1] =	ssyncset.done $0x0  }
0x95: {  	[sflag:s1] =	ssyncadd.s32 $0xFFFFFD80  }
0x96: {  	_ =	swait.ge [sflag:s1], $0x280  }
0x97: {  	[sflag:s1] =	ssyncset.done $0x0  }
0x98: {  	[sflag:s1] =	ssyncadd.s32 $0xFFFFFD80  }
0x99: {  	_ =	swait.ge [sflag:s1], $0x280  }
0x9a: {  	[sflag:s1] =	ssyncset.done $0x0  }
0x9b: {  	[sflag:s1] =	ssyncadd.s32 $0xFFFFFD80  }
0x9c: {  	_ =	swait.ge [sflag:s1], $0x280  }
0x9d: {  	[sflag:s1] =	ssyncset.done $0x0  }
0x9e: {  	[sflag:s1] =	ssyncadd.s32 $0xFFFFFD80  }
0x9f: {  	_ =	swait.ge [sflag:s1], $0x280  }
0xa0: {  	[sflag:s1] =	ssyncset.done $0x0  }
0xa1: {  	[sflag:s1] =	ssyncadd.s32 $0xFFFFFD80  }
0xa2: {  	_ =	swait.ge [sflag:s1], $0x280  }
0xa3: {  	[sflag:s1] =	ssyncset.done $0x0  }
0xa4: {  	[sflag:s1] =	ssyncadd.s32 $0xFFFFFD80  }
0xa5: {  	_ =	swait.ge [sflag:s1], $0x280  }
0xa6: {  	[sflag:s1] =	ssyncset.done $0x0  }
0xa7: {  	[sflag:s1] =	ssyncadd.s32 $0xFFFFFD80  }
0xa8: {  	_ =	swait.ge [sflag:s1], $0x280  }
0xa9: {  	[sflag:s1] =	ssyncset.done $0x0  }
0xaa: {  	[sflag:s1] =	ssyncadd.s32 $0xFFFFFD80  }
0xab: {  	s7 =	simm.s32 $0x5000;
	[bflag:$0x0] =	sbarrier.arrive $0xFFFF  }
0xac: {  	[tilespmem:s7], [sflag:$0x4] =	stream.linear.gather [spmem:s21], $0x2800, $0x38;
	[tilespmem:$0xA000] =	vst v63  }
0xad: {  	s5 =	simm.s32 $0x0;
	_ =	swait.ge [sflag:s26], $0x2800  }
0xae: {  	s3 =	sand.u32 $0x1C00, s5;
	s6 =	sand.u32 $0x70, s5;
	[sflag:s26] =	ssyncset.done $0x0  }
0xaf: {  	s3 =	sor.u32 s6, s3;
	[sflag:s26] =	ssyncadd.s32 $0xFFFFD800  }
0xb0: {  	v2 =	vld [tilespmem:s3+$0x5000];
	_ =	sdelay $0x1  }
0xb1: {  	v3 =	vld [tilespmem:s3+$0x5080];
	_ =	sdelay $0x1  }
0xb2: {  	v4 =	vld [tilespmem:s3+$0x5100]  }
0xb3: {  	v2 =	vadd.f32 $0.0e+00, v2  }
0xb4: {  	v5 =	vld [tilespmem:s3+$0x5180]  }
0xb5: {  	v2 =	vadd.f32 v3, v2  }
0xb6: {  	v3 =	vld [tilespmem:s3+$0x5200]  }
0xb7: {  	v2 =	vadd.f32 v4, v2  }
0xb8: {  	v56 =	vld [tilespmem:s3+$0x5280]  }
0xb9: {  	v2 =	vadd.f32 v5, v2  }
0xba: {  	v57 =	vld [tilespmem:s3+$0x5300]  }
0xbb: {  	v2 =	vadd.f32 v3, v2  }
0xbc: {  	v3 =	vld [tilespmem:s3+$0x5380]  }
0xbd: {  	v2 =	vadd.f32 v56, v2  }
0xbe: {  	v58 =	vld [tilespmem:s3+$0x6400]  }
0xbf: {  	v2 =	vadd.f32 v57, v2  }
0xc0: {  	v59 =	vld [tilespmem:s3+$0x6480]  }
0xc1: {  	v2 =	vadd.f32 v3, v2  }
0xc2: {  	v3 =	vld [tilespmem:s3+$0x6500]  }
0xc3: {  	v2 =	vadd.f32 v58, v2  }
0xc4: {  	v60 =	vld [tilespmem:s3+$0x6580]  }
0xc5: {  	v2 =	vadd.f32 v59, v2  }
0xc6: {  	v61 =	vld [tilespmem:s3+$0x6600]  }
0xc7: {  	v2 =	vadd.f32 v3, v2  }
0xc8: {  	v3 =	vld [tilespmem:s3+$0x6680]  }
0xc9: {  	v2 =	vadd.f32 v60, v2  }
0xca: {  	v62 =	vld [tilespmem:s3+$0x6700]  }
0xcb: {  	v2 =	vadd.f32 v61, v2  }
0xcc: {  	v63 =	vld [tilespmem:s3+$0x6780]  }
0xcd: {  	v2 =	vadd.f32 v3, v2;
	_ =	sdelay $0x1  }
0xce: {  	v2 =	vadd.f32 v62, v2;
	_ =	sdelay $0x1  }
0xcf: {  	s7 =	simm.s32 $0x10;
	s3 =	simm.s32 $0x80;
	v2 =	vadd.f32 v63, v2  }
0xd0: {  	s5 =	simm.s32 $0x20;
	s6 =	sand.u32 $0x70, s7;
	s7 =	sand.u32 $0x1C00, s3  }
.LBB2_8:
0xd1: {  	p0 =	sne.s32 s5, $0x270;
	s6 =	sor.u32 s6, s7;
	[tilespmem:s2+$0x0] =	vst v2  }
0xd2: {  	v2 =	vld [tilespmem:s6+$0x5000];
	_ =	sdelay $0x1  }
0xd3: {  	v3 =	vld [tilespmem:s6+$0x5080];
	_ =	sdelay $0x1  }
0xd4: {  	v4 =	vld [tilespmem:s6+$0x5100]  }
0xd5: {  	v2 =	vadd.f32 $0.0e+00, v2  }
0xd6: {  	v5 =	vld [tilespmem:s6+$0x5180]  }
0xd7: {  	v2 =	vadd.f32 v3, v2  }
0xd8: {  	v3 =	vld [tilespmem:s6+$0x5200]  }
0xd9: {  	v2 =	vadd.f32 v4, v2  }
0xda: {  	v4 =	vld [tilespmem:s6+$0x5280]  }
0xdb: {  	v2 =	vadd.f32 v5, v2  }
0xdc: {  	v5 =	vld [tilespmem:s6+$0x5300]  }
0xdd: {  	v2 =	vadd.f32 v3, v2  }
0xde: {  	v3 =	vld [tilespmem:s6+$0x5380]  }
0xdf: {  	v2 =	vadd.f32 v4, v2  }
0xe0: {  	v4 =	vld [tilespmem:s6+$0x6400]  }
0xe1: {  	v2 =	vadd.f32 v5, v2  }
0xe2: {  	v5 =	vld [tilespmem:s6+$0x6480]  }
0xe3: {  	v2 =	vadd.f32 v3, v2  }
0xe4: {  	v3 =	vld [tilespmem:s6+$0x6500]  }
0xe5: {  	v2 =	vadd.f32 v4, v2  }
0xe6: {  	v4 =	vld [tilespmem:s6+$0x6580]  }
0xe7: {  	v2 =	vadd.f32 v5, v2  }
0xe8: {  	v5 =	vld [tilespmem:s6+$0x6600]  }
0xe9: {  	v2 =	vadd.f32 v3, v2  }
0xea: {  	v3 =	vld [tilespmem:s6+$0x6680]  }
0xeb: {  	v2 =	vadd.f32 v4, v2  }
0xec: {  	v4 =	vld [tilespmem:s6+$0x6700]  }
0xed: {  	v2 =	vadd.f32 v5, v2  }
0xee: {  	v5 =	vld [tilespmem:s6+$0x6780]  }
0xef: {  	v2 =	vadd.f32 v3, v2  }
.Ltmp3:
0xf0: {  	(pc) =	sbr.rel @p0 .LBB2_8-.Ltmp3, $3  }
0xf1: {  	v2 =	vadd.f32 v4, v2;
	_ =	sdelay $0x1  }
0xf2: {  	s3 =	sadd.s32 $0x80, s3;
	s2 =	sadd.s32 $0x10, s2;
	v2 =	vadd.f32 v5, v2  }
0xf3: {  	s7 =	sand.u32 $0x1C00, s3;
	s6 =	sand.u32 $0x70, s5;
	s5 =	sadd.s32 $0x10, s5  }
0xf4: {  	s3 =	sor.u32 s6, s7;
	[tilespmem:s2+$0x0] =	vst v2  }
0xf5: {  	v2 =	vld [tilespmem:s3+$0x5000];
	_ =	sdelay $0x1  }
0xf6: {  	v3 =	vld [tilespmem:s3+$0x5080];
	_ =	sdelay $0x1  }
0xf7: {  	v4 =	vld [tilespmem:s3+$0x5100]  }
0xf8: {  	v2 =	vadd.f32 $0.0e+00, v2  }
0xf9: {  	v5 =	vld [tilespmem:s3+$0x5180]  }
0xfa: {  	v2 =	vadd.f32 v3, v2  }
0xfb: {  	v3 =	vld [tilespmem:s3+$0x5200]  }
0xfc: {  	v2 =	vadd.f32 v4, v2  }
0xfd: {  	v56 =	vld [tilespmem:s3+$0x5280]  }
0xfe: {  	v2 =	vadd.f32 v5, v2  }
0xff: {  	v57 =	vld [tilespmem:s3+$0x5300]  }
0x100: {  	v2 =	vadd.f32 v3, v2  }
0x101: {  	v3 =	vld [tilespmem:s3+$0x5380]  }
0x102: {  	v2 =	vadd.f32 v56, v2  }
0x103: {  	v58 =	vld [tilespmem:s3+$0x6400]  }
0x104: {  	v2 =	vadd.f32 v57, v2  }
0x105: {  	v59 =	vld [tilespmem:s3+$0x6480]  }
0x106: {  	v2 =	vadd.f32 v3, v2  }
0x107: {  	v3 =	vld [tilespmem:s3+$0x6500]  }
0x108: {  	v2 =	vadd.f32 v58, v2  }
0x109: {  	v60 =	vld [tilespmem:s3+$0x6580]  }
0x10a: {  	v2 =	vadd.f32 v59, v2  }
0x10b: {  	v61 =	vld [tilespmem:s3+$0x6600]  }
0x10c: {  	v2 =	vadd.f32 v3, v2  }
0x10d: {  	v3 =	vld [tilespmem:s3+$0x6680]  }
0x10e: {  	v2 =	vadd.f32 v60, v2  }
0x10f: {  	v62 =	vld [tilespmem:s3+$0x6700]  }
0x110: {  	v2 =	vadd.f32 v61, v2  }
0x111: {  	v63 =	vld [tilespmem:s3+$0x6780]  }
0x112: {  	v2 =	vadd.f32 v3, v2;
	_ =	sdelay $0x1  }
0x113: {  	v2 =	vadd.f32 v62, v2;
	_ =	sdelay $0x1  }
0x114: {  	s0 =	sadd.s32 $0x1, s0;
	v2 =	vadd.f32 v63, v2  }
0x115: {  	s7 =	sadd.s32 $0x10, s2;
	p0 =	sne.s32 s0, s23  }
.Ltmp4:
0x116: {  	s2 =	simm.s32 $0x0;
	[tilespmem:s7+$0x0] =	vst v2;
	(pc) =	sbr.rel @p0 .LBB2_1-.Ltmp4, $4  }
0x117: {  	[hbm4b:s22+s2] =	stream.linear.scatter [tilespmem:s29], [sflag:$0x4], $0x280, $0x38;
	[tilespmem:$0xA000] =	vst v63  }
0x118: {  	_ =	swait.ge [sflag:s26], $0x280  }
0x119: {  	[sflag:s26] =	ssyncset.done $0x0  }
0x11a: {  	[sflag:s26] =	ssyncadd.s32 $0xFFFFFD80  }
0x11b: {  	_ =	sfence.sel $0x180000  }
0x11c: {  	[bflag:$0x0] =	sbarrier.arrive $0xFFFF  }
0x11d: {  	_ =	strace $0x90000047  }
0x11e: {  	s0 =	stileid.u32;
	[bflag:$0x2] =	sbarrier.arrive $0xFFFF  }
0x11f: {  	p0 =	sne.s32 s0, $0x0;
	s0 =	rddreg [dreg:$0x3]  }
0x120: {  	s0 =	sadd.s32 @!p0 $0x100000, s0  }
0x121: {  	[sflag:s0] =	ssyncadd.tile.s32 @!p0 $0x1;
	_ =	shalt  }
.Lfunc_end2:
_tile_overlayer_lowered:
.L_overlay_start_2:
0x122: {  	(tag) =	ssettag $0x2  }
0x123: {  	s0 =	rddreg [dreg:$0x0];
	s2 =	stileid.u32  }
0x124: {  	s1 =	rddreg [dreg:$0x1];
	p0 =	sne.s32 s2, $0x0  }
0x125: {  	s3 =	rddreg [dreg:$0x2];
	[bflag:$0x3] =	sbarrier.arrive $0xFFFF;
	s2 =	simm.s32 @!p0 $0x1C04  }
0x126: {  	[timem:s3], [sflag:s2] =	dma.local @!p0 [hbm:s0], s1  }
0x127: {  	s0 =	simm.s32 @!p0 $0x4  }
0x128: {  	_ =	swait.ge @!p0 [sflag:s0], s1  }
0x129: {  	s1 =	ssub.s32 @!p0 $0x0, s1;
	[sflag:s0] =	ssyncset.done @!p0 $0x0  }
0x12a: {  	[sflag:s0] =	ssyncadd.s32 @!p0 s1  }
0x12b: {  	[bflag:$0x3] =	sbarrier.arrive $0xFFFF  }
0x12c: {  	_ =	shalt  }

</sc_bundles>
